<compile_context>
chip_gen: v7x
topology: tpu7x:2x2x1
jax: 0.10.2.dev20260603
libtpu: 0.0.44.dev20260713+nightly
codegen_flags: <defaults>
</compile_context>

<pallas_src>
import jax
import jax.numpy as jnp
from jax import lax
from jax.experimental import pallas as pl
from jax.experimental.pallas import tpu as pltpu
from jax.experimental.pallas import tpu_sc as plsc

K = 32
LANES = 16
NUM_WORKERS = 32
BATCH = 16384
CHUNK = BATCH // NUM_WORKERS
GROUPS = CHUNK // LANES
PER_STEP = 4
STEPS = CHUNK // PER_STEP


def _mf_kernel(u_hbm, i_hbm, at_hbm, bt_hbm, out_hbm,
               idx_u, idx_i, buf_a, buf_b, a_vals, b_vals, out_v,
               sem0, sem1):
    wid = lax.axis_index("c") * 16 + lax.axis_index("s")
    base = wid * CHUNK

    pltpu.sync_copy(u_hbm.at[pl.ds(base, CHUNK)], idx_u.at[pl.ds(0, CHUNK)])
    pltpu.sync_copy(i_hbm.at[pl.ds(base, CHUNK)], idx_i.at[pl.ds(0, CHUNK)])

    iota = lax.iota(jnp.int32, LANES)

    def aligned_off(u):
        return pl.multiple_of((u >> 7) << 7, 128)

    def fire(us, vs, par, sem):
        for j in range(PER_STEP):
            ou = aligned_off(us[j])
            ov = aligned_off(vs[j])
            pltpu.async_copy(at_hbm.at[:, pl.ds(ou, 128)], buf_a.at[par, j], sem)
            pltpu.async_copy(bt_hbm.at[:, pl.ds(ov, 128)], buf_b.at[par, j], sem)

    def drain(par, sem):
        for j in range(PER_STEP):
            pltpu.make_async_copy(
                at_hbm.at[:, pl.ds(0, 128)], buf_a.at[par, j], sem).wait()
            pltpu.make_async_copy(
                bt_hbm.at[:, pl.ds(0, 128)], buf_b.at[par, j], sem).wait()

    def extract(step, us, vs, par):
        for j in range(PER_STEP):
            i = step * PER_STEP + j
            lane_u = jnp.full((LANES,), us[j] & 127, jnp.int32)
            lane_v = jnp.full((LANES,), vs[j] & 127, jnp.int32)
            cpar = jnp.full((LANES,), par, jnp.int32)
            cj = jnp.full((LANES,), j, jnp.int32)
            for h in range(2):
                krows = iota + h * LANES
                ga = plsc.load_gather(buf_a, [cpar, cj, krows, lane_u])
                gb = plsc.load_gather(buf_b, [cpar, cj, krows, lane_v])
                a_vals[pl.ds(i * K + h * LANES, LANES)] = ga
                b_vals[pl.ds(i * K + h * LANES, LANES)] = gb

    vu0 = idx_u[pl.ds(0, LANES)]
    vi0 = idx_i[pl.ds(0, LANES)]
    fire([vu0[j] for j in range(4)], [vi0[j] for j in range(4)], 0, sem0)
    fire([vu0[4 + j] for j in range(4)], [vi0[4 + j] for j in range(4)], 1, sem1)

    @pl.loop(0, STEPS, step=2)
    def _(s):
        vu = idx_u[pl.ds(s * PER_STEP, LANES)]
        vi = idx_i[pl.ds(s * PER_STEP, LANES)]

        drain(0, sem0)
        extract(s, [vu[j] for j in range(4)], [vi[j] for j in range(4)], 0)

        @pl.when(s + 2 < STEPS)
        def _():
            fire([vu[8 + j] for j in range(4)],
                 [vi[8 + j] for j in range(4)], 0, sem0)

        drain(1, sem1)
        extract(s + 1, [vu[4 + j] for j in range(4)],
                [vi[4 + j] for j in range(4)], 1)

        @pl.when(s + 3 < STEPS)
        def _():
            fire([vu[12 + j] for j in range(4)],
                 [vi[12 + j] for j in range(4)], 1, sem1)

    @pl.loop(0, GROUPS)
    def _(g):
        rows = (g * LANES + iota) * K
        acc = jnp.zeros((LANES,), jnp.float32)
        for c in range(K):
            ga = plsc.load_gather(a_vals, [rows + c])
            gb = plsc.load_gather(b_vals, [rows + c])
            acc = acc + ga * gb
        out_v[pl.ds(g * LANES, LANES)] = acc

    pltpu.sync_copy(out_v, out_hbm.at[pl.ds(base, CHUNK)])


@jax.jit
def kernel(user_indices, item_indices, A, B):
    u1d = user_indices.astype(jnp.int32).reshape(BATCH)
    i1d = item_indices.astype(jnp.int32).reshape(BATCH)
    mesh = plsc.VectorSubcoreMesh(core_axis_name="c", subcore_axis_name="s")
    cp = pltpu.CompilerParams(
        use_tc_tiling_on_sc=True, needs_layout_passes=False
    )
    run = pl.kernel(
        _mf_kernel,
        out_type=jax.ShapeDtypeStruct((BATCH,), jnp.float32),
        mesh=mesh,
        scratch_types=[
            pltpu.VMEM((CHUNK + LANES,), jnp.int32),
            pltpu.VMEM((CHUNK + LANES,), jnp.int32),
            pltpu.VMEM((2, PER_STEP, K, 128), jnp.float32),
            pltpu.VMEM((2, PER_STEP, K, 128), jnp.float32),
            pltpu.VMEM((CHUNK * K,), jnp.float32),
            pltpu.VMEM((CHUNK * K,), jnp.float32),
            pltpu.VMEM((CHUNK,), jnp.float32),
            pltpu.SemaphoreType.DMA,
            pltpu.SemaphoreType.DMA,
        ],
        compiler_params=cp,
    )
    return run(u1d, i1d, A.T, B.T)

# --- scband reference (transcript-rebuilt; emitter-appended) ---
"""Pipeline reference for scband-mfmodel-64750926954979 (READ-ONLY COPY).

The authoritative reference and input builder live on the scoring server;
editing this copy changes nothing except your own understanding.
"""

import jax, jax.numpy as jnp
import numpy as np

NUM_USERS = 1000000
NUM_ITEMS = 1000000
K = 32
BATCH = 16384

def setup_inputs(seed: int = 0) -> dict:
    key = jax.random.key(seed)
    k_u, k_i, k_a, k_b = jax.random.split(key, 4)
    user_indices = jax.random.randint(k_u, (BATCH,), 0, NUM_USERS, dtype=jnp.int64 if jax.config.jax_enable_x64 else jnp.int32)
    item_indices = jax.random.randint(k_i, (BATCH,), 0, NUM_ITEMS, dtype=jnp.int64 if jax.config.jax_enable_x64 else jnp.int32)
    A = jax.random.normal(k_a, (NUM_USERS, K), dtype=jnp.float32) * 0.01
    B = jax.random.normal(k_b, (NUM_ITEMS, K), dtype=jnp.float32) * 0.01
    return {"user_indices": user_indices, "item_indices": item_indices, "A": A, "B": B}

def reference(user_indices, item_indices, A, B):
    a = jnp.take(A, user_indices, axis=0)
    b = jnp.take(B, item_indices, axis=0)
    return jnp.sum(a * b, axis=1)

if __name__ == "__main__":
    import jax
    _d = setup_inputs()
    print(jax.jit(kernel)(*tuple(_d.values())))

</pallas_src>

<mosaic_0001>
#map = affine_map<(d0, d1) -> (0)>
#map1 = affine_map<(d0, d1) -> (0, 0)>
module attributes {stable_mosaic.version = 14 : i64} {
  func.func @_mf_kernel(%arg0: i32, %arg1: i32, %arg2: memref<16384xi32, #tpu.memory_space<hbm>>, %arg3: memref<16384xi32, #tpu.memory_space<hbm>>, %arg4: memref<32x1000000xf32, #tpu.memory_space<hbm>>, %arg5: memref<32x1000000xf32, #tpu.memory_space<hbm>>, %arg6: memref<16384xf32, #tpu.memory_space<hbm>>, %arg7: memref<528xi32, #tpu.memory_space<vmem>>, %arg8: memref<528xi32, #tpu.memory_space<vmem>>, %arg9: memref<2x4x32x128xf32, #tpu.memory_space<vmem>>, %arg10: memref<2x4x32x128xf32, #tpu.memory_space<vmem>>, %arg11: memref<16384xf32, #tpu.memory_space<vmem>>, %arg12: memref<16384xf32, #tpu.memory_space<vmem>>, %arg13: memref<512xf32, #tpu.memory_space<vmem>>, %arg14: memref<!tpu.dma_semaphore, #tpu.memory_space<semaphore_mem>>, %arg15: memref<!tpu.dma_semaphore, #tpu.memory_space<semaphore_mem>>) attributes {dimension_semantics = [#tpu.dimension_semantics<core_parallel>, #tpu.dimension_semantics<subcore_parallel>], iteration_bounds = array<i64: 2, 16>, scalar_prefetch = 0 : i64, scratch_operands = 9 : i64, tpu.core_type = #tpu.core_type<sc_vector_subcore>, window_params = [{transform_indices = #map}, {transform_indices = #map}, {transform_indices = #map1}, {transform_indices = #map1}, {transform_indices = #map}]} {
    %mul3A = arith.constant 16 : i32
    %mul3A_0 = arith.muli %arg0, %mul3A : i32
    %add3A = arith.addi %mul3A_0, %arg1 : i32
    %mul3A_1 = arith.constant 512 : i32
    %mul3A_2 = arith.muli %add3A, %mul3A_1 : i32
    "tpu.region"() ({
      %run_scoped3A = tpu.sem_alloc : memref<!tpu.dma_semaphore, #tpu.memory_space<semaphore_mem>>
      %dma_start3A_345 = arith.constant 0 : i32
      %dma_start3A_346 = tpu.memref_slice %arg7[%dma_start3A_345] : memref<528xi32, #tpu.memory_space<vmem>> -> memref<512xi32, #tpu.memory_space<vmem>>
      %dma_start3A_347 = tpu.memref_slice %arg2[%mul3A_2] : memref<16384xi32, #tpu.memory_space<hbm>> -> memref<512xi32, #tpu.memory_space<hbm>>
      %dma_start3A_348 = arith.constant 0 : i32
      %dma_start3A_349 = tpu.memref_slice %arg7[%dma_start3A_348] : memref<528xi32, #tpu.memory_space<vmem>> -> memref<512xi32, #tpu.memory_space<vmem>>
      %dma_start3A_350 = tpu.memref_slice %arg2[%mul3A_2] : memref<16384xi32, #tpu.memory_space<hbm>> -> memref<512xi32, #tpu.memory_space<hbm>>
      tpu.enqueue_dma source(%dma_start3A_350 : memref<512xi32, #tpu.memory_space<hbm>>) target(%dma_start3A_349 : memref<512xi32, #tpu.memory_space<vmem>>) target_semaphore(%run_scoped3A : memref<!tpu.dma_semaphore, #tpu.memory_space<semaphore_mem>>)
      %dma_wait3A = arith.constant 0 : i32
      %dma_wait3A_351 = tpu.memref_slice %arg7[%dma_wait3A] : memref<528xi32, #tpu.memory_space<vmem>> -> memref<512xi32, #tpu.memory_space<vmem>>
      %dma_wait3A_352 = tpu.memref_slice %arg2[%mul3A_2] : memref<16384xi32, #tpu.memory_space<hbm>> -> memref<512xi32, #tpu.memory_space<hbm>>
      %dma_wait3A_353 = arith.constant 0 : i32
      %dma_wait3A_354 = tpu.memref_slice %arg7[%dma_wait3A_353] : memref<528xi32, #tpu.memory_space<vmem>> -> memref<512xi32, #tpu.memory_space<vmem>>
      %dma_wait3A_355 = tpu.memref_slice %arg2[%mul3A_2] : memref<16384xi32, #tpu.memory_space<hbm>> -> memref<512xi32, #tpu.memory_space<hbm>>
      tpu.wait_dma2 semaphore(%run_scoped3A : memref<!tpu.dma_semaphore, #tpu.memory_space<semaphore_mem>>) src(%dma_wait3A_355 : memref<512xi32, #tpu.memory_space<hbm>>) dst(%dma_wait3A_354 : memref<512xi32, #tpu.memory_space<vmem>>)
      tpu.yield
    }) : () -> ()
    "tpu.region"() ({
      %run_scoped3A = tpu.sem_alloc : memref<!tpu.dma_semaphore, #tpu.memory_space<semaphore_mem>>
      %dma_start3A_345 = arith.constant 0 : i32
      %dma_start3A_346 = tpu.memref_slice %arg8[%dma_start3A_345] : memref<528xi32, #tpu.memory_space<vmem>> -> memref<512xi32, #tpu.memory_space<vmem>>
      %dma_start3A_347 = tpu.memref_slice %arg3[%mul3A_2] : memref<16384xi32, #tpu.memory_space<hbm>> -> memref<512xi32, #tpu.memory_space<hbm>>
      %dma_start3A_348 = arith.constant 0 : i32
      %dma_start3A_349 = tpu.memref_slice %arg8[%dma_start3A_348] : memref<528xi32, #tpu.memory_space<vmem>> -> memref<512xi32, #tpu.memory_space<vmem>>
      %dma_start3A_350 = tpu.memref_slice %arg3[%mul3A_2] : memref<16384xi32, #tpu.memory_space<hbm>> -> memref<512xi32, #tpu.memory_space<hbm>>
      tpu.enqueue_dma source(%dma_start3A_350 : memref<512xi32, #tpu.memory_space<hbm>>) target(%dma_start3A_349 : memref<512xi32, #tpu.memory_space<vmem>>) target_semaphore(%run_scoped3A : memref<!tpu.dma_semaphore, #tpu.memory_space<semaphore_mem>>)
      %dma_wait3A = arith.constant 0 : i32
      %dma_wait3A_351 = tpu.memref_slice %arg8[%dma_wait3A] : memref<528xi32, #tpu.memory_space<vmem>> -> memref<512xi32, #tpu.memory_space<vmem>>
      %dma_wait3A_352 = tpu.memref_slice %arg3[%mul3A_2] : memref<16384xi32, #tpu.memory_space<hbm>> -> memref<512xi32, #tpu.memory_space<hbm>>
      %dma_wait3A_353 = arith.constant 0 : i32
      %dma_wait3A_354 = tpu.memref_slice %arg8[%dma_wait3A_353] : memref<528xi32, #tpu.memory_space<vmem>> -> memref<512xi32, #tpu.memory_space<vmem>>
      %dma_wait3A_355 = tpu.memref_slice %arg3[%mul3A_2] : memref<16384xi32, #tpu.memory_space<hbm>> -> memref<512xi32, #tpu.memory_space<hbm>>
      tpu.wait_dma2 semaphore(%run_scoped3A : memref<!tpu.dma_semaphore, #tpu.memory_space<semaphore_mem>>) src(%dma_wait3A_355 : memref<512xi32, #tpu.memory_space<hbm>>) dst(%dma_wait3A_354 : memref<512xi32, #tpu.memory_space<vmem>>)
      tpu.yield
    }) : () -> ()
    %iota3A = tpu.iota {dimensions = array<i32: 0>} : vector<16xi32>
    %get3A = arith.constant 0 : index
    %get3A_3 = tpu.vector_load %arg7[%get3A] {strides = array<i32>} : memref<528xi32, #tpu.memory_space<vmem>>, vector<16xi32>,
    %get3A_4 = arith.constant 0 : index
    %get3A_5 = tpu.vector_load %arg8[%get3A_4] {strides = array<i32>} : memref<528xi32, #tpu.memory_space<vmem>>, vector<16xi32>,
    %slice3A = vector.extract_strided_slice %get3A_3 {offsets = [0], sizes = [1], strides = [1]} : vector<16xi32> to vector<1xi32>
    %squeeze3A = vector.extract %slice3A[0] : i32 from vector<1xi32>
    %slice3A_6 = vector.extract_strided_slice %get3A_3 {offsets = [1], sizes = [1], strides = [1]} : vector<16xi32> to vector<1xi32>
    %squeeze3A_7 = vector.extract %slice3A_6[0] : i32 from vector<1xi32>
    %slice3A_8 = vector.extract_strided_slice %get3A_3 {offsets = [2], sizes = [1], strides = [1]} : vector<16xi32> to vector<1xi32>
    %squeeze3A_9 = vector.extract %slice3A_8[0] : i32 from vector<1xi32>
    %slice3A_10 = vector.extract_strided_slice %get3A_3 {offsets = [3], sizes = [1], strides = [1]} : vector<16xi32> to vector<1xi32>
    %squeeze3A_11 = vector.extract %slice3A_10[0] : i32 from vector<1xi32>
    %slice3A_12 = vector.extract_strided_slice %get3A_5 {offsets = [0], sizes = [1], strides = [1]} : vector<16xi32> to vector<1xi32>
    %squeeze3A_13 = vector.extract %slice3A_12[0] : i32 from vector<1xi32>
    %slice3A_14 = vector.extract_strided_slice %get3A_5 {offsets = [1], sizes = [1], strides = [1]} : vector<16xi32> to vector<1xi32>
    %squeeze3A_15 = vector.extract %slice3A_14[0] : i32 from vector<1xi32>
    %slice3A_16 = vector.extract_strided_slice %get3A_5 {offsets = [2], sizes = [1], strides = [1]} : vector<16xi32> to vector<1xi32>
    %squeeze3A_17 = vector.extract %slice3A_16[0] : i32 from vector<1xi32>
    %slice3A_18 = vector.extract_strided_slice %get3A_5 {offsets = [3], sizes = [1], strides = [1]} : vector<16xi32> to vector<1xi32>
    %squeeze3A_19 = vector.extract %slice3A_18[0] : i32 from vector<1xi32>
    %shift_right_arithmetic3A = arith.constant 7 : i32
    %shift_right_arithmetic3A_20 = arith.shrsi %squeeze3A, %shift_right_arithmetic3A : i32
    %shift_left3A = arith.constant 7 : i32
    %shift_left3A_21 = arith.shli %shift_right_arithmetic3A_20, %shift_left3A : i32
    %multiple_of3A = tpu.assume_multiple %shift_left3A_21, 128 : i32
    %shift_right_arithmetic3A_22 = arith.constant 7 : i32
    %shift_right_arithmetic3A_23 = arith.shrsi %squeeze3A_13, %shift_right_arithmetic3A_22 : i32
    %shift_left3A_24 = arith.constant 7 : i32
    %shift_left3A_25 = arith.shli %shift_right_arithmetic3A_23, %shift_left3A_24 : i32
    %multiple_of3A_26 = tpu.assume_multiple %shift_left3A_25, 128 : i32
    %dma_start3A = arith.constant 0 : i32
    %dma_start3A_27 = arith.constant 0 : i32
    %dma_start3A_28 = arith.constant 0 : i32
    %dma_start3A_29 = arith.constant 0 : i32
    %dma_start3A_30 = tpu.memref_slice %arg9[%dma_start3A, %dma_start3A_27, %dma_start3A_28, %dma_start3A_29] : memref<2x4x32x128xf32, #tpu.memory_space<vmem>> -> memref<1x1x32x128xf32, #tpu.memory_space<vmem>>
    %dma_start3A_31 = tpu.memref_squeeze %dma_start3A_30 : memref<1x1x32x128xf32, #tpu.memory_space<vmem>> -> memref<32x128xf32, #tpu.memory_space<vmem>>
    %dma_start3A_32 = arith.constant 0 : i32
    %dma_start3A_33 = tpu.memref_slice %arg4[%dma_start3A_32, %multiple_of3A] : memref<32x1000000xf32, #tpu.memory_space<hbm>> -> memref<32x128xf32, #tpu.memory_space<hbm>>
    %dma_start3A_34 = arith.constant 0 : i32
    %dma_start3A_35 = arith.constant 0 : i32
    %dma_start3A_36 = tpu.memref_slice %arg9[%dma_start3A, %dma_start3A_27, %dma_start3A_34, %dma_start3A_35] : memref<2x4x32x128xf32, #tpu.memory_space<vmem>> -> memref<1x1x32x128xf32, #tpu.memory_space<vmem>>
    %dma_start3A_37 = tpu.memref_squeeze %dma_start3A_36 : memref<1x1x32x128xf32, #tpu.memory_space<vmem>> -> memref<32x128xf32, #tpu.memory_space<vmem>>
    %dma_start3A_38 = arith.constant 0 : i32
    %dma_start3A_39 = tpu.memref_slice %arg4[%dma_start3A_38, %multiple_of3A] : memref<32x1000000xf32, #tpu.memory_space<hbm>> -> memref<32x128xf32, #tpu.memory_space<hbm>>
    tpu.enqueue_dma source(%dma_start3A_39 : memref<32x128xf32, #tpu.memory_space<hbm>>) target(%dma_start3A_37 : memref<32x128xf32, #tpu.memory_space<vmem>>) target_semaphore(%arg14 : memref<!tpu.dma_semaphore, #tpu.memory_space<semaphore_mem>>)
    %dma_start3A_40 = arith.constant 0 : i32
    %dma_start3A_41 = arith.constant 0 : i32
    %dma_start3A_42 = arith.constant 0 : i32
    %dma_start3A_43 = arith.constant 0 : i32
    %dma_start3A_44 = tpu.memref_slice %arg10[%dma_start3A_40, %dma_start3A_41, %dma_start3A_42, %dma_start3A_43] : memref<2x4x32x128xf32, #tpu.memory_space<vmem>> -> memref<1x1x32x128xf32, #tpu.memory_space<vmem>>
    %dma_start3A_45 = tpu.memref_squeeze %dma_start3A_44 : memref<1x1x32x128xf32, #tpu.memory_space<vmem>> -> memref<32x128xf32, #tpu.memory_space<vmem>>
    %dma_start3A_46 = arith.constant 0 : i32
    %dma_start3A_47 = tpu.memref_slice %arg5[%dma_start3A_46, %multiple_of3A_26] : memref<32x1000000xf32, #tpu.memory_space<hbm>> -> memref<32x128xf32, #tpu.memory_space<hbm>>
    %dma_start3A_48 = arith.constant 0 : i32
    %dma_start3A_49 = arith.constant 0 : i32
    %dma_start3A_50 = tpu.memref_slice %arg10[%dma_start3A_40, %dma_start3A_41, %dma_start3A_48, %dma_start3A_49] : memref<2x4x32x128xf32, #tpu.memory_space<vmem>> -> memref<1x1x32x128xf32, #tpu.memory_space<vmem>>
    %dma_start3A_51 = tpu.memref_squeeze %dma_start3A_50 : memref<1x1x32x128xf32, #tpu.memory_space<vmem>> -> memref<32x128xf32, #tpu.memory_space<vmem>>
    %dma_start3A_52 = arith.constant 0 : i32
    %dma_start3A_53 = tpu.memref_slice %arg5[%dma_start3A_52, %multiple_of3A_26] : memref<32x1000000xf32, #tpu.memory_space<hbm>> -> memref<32x128xf32, #tpu.memory_space<hbm>>
    tpu.enqueue_dma source(%dma_start3A_53 : memref<32x128xf32, #tpu.memory_space<hbm>>) target(%dma_start3A_51 : memref<32x128xf32, #tpu.memory_space<vmem>>) target_semaphore(%arg14 : memref<!tpu.dma_semaphore, #tpu.memory_space<semaphore_mem>>)
    %shift_right_arithmetic3A_54 = arith.constant 7 : i32
    %shift_right_arithmetic3A_55 = arith.shrsi %squeeze3A_7, %shift_right_arithmetic3A_54 : i32
    %shift_left3A_56 = arith.constant 7 : i32
    %shift_left3A_57 = arith.shli %shift_right_arithmetic3A_55, %shift_left3A_56 : i32
    %multiple_of3A_58 = tpu.assume_multiple %shift_left3A_57, 128 : i32
    %shift_right_arithmetic3A_59 = arith.constant 7 : i32
    %shift_right_arithmetic3A_60 = arith.shrsi %squeeze3A_15, %shift_right_arithmetic3A_59 : i32
    %shift_left3A_61 = arith.constant 7 : i32
    %shift_left3A_62 = arith.shli %shift_right_arithmetic3A_60, %shift_left3A_61 : i32
    %multiple_of3A_63 = tpu.assume_multiple %shift_left3A_62, 128 : i32
    %dma_start3A_64 = arith.constant 0 : i32
    %dma_start3A_65 = arith.constant 1 : i32
    %dma_start3A_66 = arith.constant 0 : i32
    %dma_start3A_67 = arith.constant 0 : i32
    %dma_start3A_68 = tpu.memref_slice %arg9[%dma_start3A_64, %dma_start3A_65, %dma_start3A_66, %dma_start3A_67] : memref<2x4x32x128xf32, #tpu.memory_space<vmem>> -> memref<1x1x32x128xf32, #tpu.memory_space<vmem>>
    %dma_start3A_69 = tpu.memref_squeeze %dma_start3A_68 : memref<1x1x32x128xf32, #tpu.memory_space<vmem>> -> memref<32x128xf32, #tpu.memory_space<vmem>>
    %dma_start3A_70 = arith.constant 0 : i32
    %dma_start3A_71 = tpu.memref_slice %arg4[%dma_start3A_70, %multiple_of3A_58] : memref<32x1000000xf32, #tpu.memory_space<hbm>> -> memref<32x128xf32, #tpu.memory_space<hbm>>
    %dma_start3A_72 = arith.constant 0 : i32
    %dma_start3A_73 = arith.constant 0 : i32
    %dma_start3A_74 = tpu.memref_slice %arg9[%dma_start3A_64, %dma_start3A_65, %dma_start3A_72, %dma_start3A_73] : memref<2x4x32x128xf32, #tpu.memory_space<vmem>> -> memref<1x1x32x128xf32, #tpu.memory_space<vmem>>
    %dma_start3A_75 = tpu.memref_squeeze %dma_start3A_74 : memref<1x1x32x128xf32, #tpu.memory_space<vmem>> -> memref<32x128xf32, #tpu.memory_space<vmem>>
    %dma_start3A_76 = arith.constant 0 : i32
    %dma_start3A_77 = tpu.memref_slice %arg4[%dma_start3A_76, %multiple_of3A_58] : memref<32x1000000xf32, #tpu.memory_space<hbm>> -> memref<32x128xf32, #tpu.memory_space<hbm>>
    tpu.enqueue_dma source(%dma_start3A_77 : memref<32x128xf32, #tpu.memory_space<hbm>>) target(%dma_start3A_75 : memref<32x128xf32, #tpu.memory_space<vmem>>) target_semaphore(%arg14 : memref<!tpu.dma_semaphore, #tpu.memory_space<semaphore_mem>>)
    %dma_start3A_78 = arith.constant 0 : i32
    %dma_start3A_79 = arith.constant 1 : i32
    %dma_start3A_80 = arith.constant 0 : i32
    %dma_start3A_81 = arith.constant 0 : i32
    %dma_start3A_82 = tpu.memref_slice %arg10[%dma_start3A_78, %dma_start3A_79, %dma_start3A_80, %dma_start3A_81] : memref<2x4x32x128xf32, #tpu.memory_space<vmem>> -> memref<1x1x32x128xf32, #tpu.memory_space<vmem>>
    %dma_start3A_83 = tpu.memref_squeeze %dma_start3A_82 : memref<1x1x32x128xf32, #tpu.memory_space<vmem>> -> memref<32x128xf32, #tpu.memory_space<vmem>>
    %dma_start3A_84 = arith.constant 0 : i32
    %dma_start3A_85 = tpu.memref_slice %arg5[%dma_start3A_84, %multiple_of3A_63] : memref<32x1000000xf32, #tpu.memory_space<hbm>> -> memref<32x128xf32, #tpu.memory_space<hbm>>
    %dma_start3A_86 = arith.constant 0 : i32
    %dma_start3A_87 = arith.constant 0 : i32
    %dma_start3A_88 = tpu.memref_slice %arg10[%dma_start3A_78, %dma_start3A_79, %dma_start3A_86, %dma_start3A_87] : memref<2x4x32x128xf32, #tpu.memory_space<vmem>> -> memref<1x1x32x128xf32, #tpu.memory_space<vmem>>
    %dma_start3A_89 = tpu.memref_squeeze %dma_start3A_88 : memref<1x1x32x128xf32, #tpu.memory_space<vmem>> -> memref<32x128xf32, #tpu.memory_space<vmem>>
    %dma_start3A_90 = arith.constant 0 : i32
    %dma_start3A_91 = tpu.memref_slice %arg5[%dma_start3A_90, %multiple_of3A_63] : memref<32x1000000xf32, #tpu.memory_space<hbm>> -> memref<32x128xf32, #tpu.memory_space<hbm>>
    tpu.enqueue_dma source(%dma_start3A_91 : memref<32x128xf32, #tpu.memory_space<hbm>>) target(%dma_start3A_89 : memref<32x128xf32, #tpu.memory_space<vmem>>) target_semaphore(%arg14 : memref<!tpu.dma_semaphore, #tpu.memory_space<semaphore_mem>>)
    %shift_right_arithmetic3A_92 = arith.constant 7 : i32
    %shift_right_arithmetic3A_93 = arith.shrsi %squeeze3A_9, %shift_right_arithmetic3A_92 : i32
    %shift_left3A_94 = arith.constant 7 : i32
    %shift_left3A_95 = arith.shli %shift_right_arithmetic3A_93, %shift_left3A_94 : i32
    %multiple_of3A_96 = tpu.assume_multiple %shift_left3A_95, 128 : i32
    %shift_right_arithmetic3A_97 = arith.constant 7 : i32
    %shift_right_arithmetic3A_98 = arith.shrsi %squeeze3A_17, %shift_right_arithmetic3A_97 : i32
    %shift_left3A_99 = arith.constant 7 : i32
    %shift_left3A_100 = arith.shli %shift_right_arithmetic3A_98, %shift_left3A_99 : i32
    %multiple_of3A_101 = tpu.assume_multiple %shift_left3A_100, 128 : i32
    %dma_start3A_102 = arith.constant 0 : i32
    %dma_start3A_103 = arith.constant 2 : i32
    %dma_start3A_104 = arith.constant 0 : i32
    %dma_start3A_105 = arith.constant 0 : i32
    %dma_start3A_106 = tpu.memref_slice %arg9[%dma_start3A_102, %dma_start3A_103, %dma_start3A_104, %dma_start3A_105] : memref<2x4x32x128xf32, #tpu.memory_space<vmem>> -> memref<1x1x32x128xf32, #tpu.memory_space<vmem>>
    %dma_start3A_107 = tpu.memref_squeeze %dma_start3A_106 : memref<1x1x32x128xf32, #tpu.memory_space<vmem>> -> memref<32x128xf32, #tpu.memory_space<vmem>>
    %dma_start3A_108 = arith.constant 0 : i32
    %dma_start3A_109 = tpu.memref_slice %arg4[%dma_start3A_108, %multiple_of3A_96] : memref<32x1000000xf32, #tpu.memory_space<hbm>> -> memref<32x128xf32, #tpu.memory_space<hbm>>
    %dma_start3A_110 = arith.constant 0 : i32
    %dma_start3A_111 = arith.constant 0 : i32
    %dma_start3A_112 = tpu.memref_slice %arg9[%dma_start3A_102, %dma_start3A_103, %dma_start3A_110, %dma_start3A_111] : memref<2x4x32x128xf32, #tpu.memory_space<vmem>> -> memref<1x1x32x128xf32, #tpu.memory_space<vmem>>
    %dma_start3A_113 = tpu.memref_squeeze %dma_start3A_112 : memref<1x1x32x128xf32, #tpu.memory_space<vmem>> -> memref<32x128xf32, #tpu.memory_space<vmem>>
    %dma_start3A_114 = arith.constant 0 : i32
    %dma_start3A_115 = tpu.memref_slice %arg4[%dma_start3A_114, %multiple_of3A_96] : memref<32x1000000xf32, #tpu.memory_space<hbm>> -> memref<32x128xf32, #tpu.memory_space<hbm>>
    tpu.enqueue_dma source(%dma_start3A_115 : memref<32x128xf32, #tpu.memory_space<hbm>>) target(%dma_start3A_113 : memref<32x128xf32, #tpu.memory_space<vmem>>) target_semaphore(%arg14 : memref<!tpu.dma_semaphore, #tpu.memory_space<semaphore_mem>>)
    %dma_start3A_116 = arith.constant 0 : i32
    %dma_start3A_117 = arith.constant 2 : i32
    %dma_start3A_118 = arith.constant 0 : i32
    %dma_start3A_119 = arith.constant 0 : i32
    %dma_start3A_120 = tpu.memref_slice %arg10[%dma_start3A_116, %dma_start3A_117, %dma_start3A_118, %dma_start3A_119] : memref<2x4x32x128xf32, #tpu.memory_space<vmem>> -> memref<1x1x32x128xf32, #tpu.memory_space<vmem>>
    %dma_start3A_121 = tpu.memref_squeeze %dma_start3A_120 : memref<1x1x32x128xf32, #tpu.memory_space<vmem>> -> memref<32x128xf32, #tpu.memory_space<vmem>>
    %dma_start3A_122 = arith.constant 0 : i32
    %dma_start3A_123 = tpu.memref_slice %arg5[%dma_start3A_122, %multiple_of3A_101] : memref<32x1000000xf32, #tpu.memory_space<hbm>> -> memref<32x128xf32, #tpu.memory_space<hbm>>
    %dma_start3A_124 = arith.constant 0 : i32
    %dma_start3A_125 = arith.constant 0 : i32
    %dma_start3A_126 = tpu.memref_slice %arg10[%dma_start3A_116, %dma_start3A_117, %dma_start3A_124, %dma_start3A_125] : memref<2x4x32x128xf32, #tpu.memory_space<vmem>> -> memref<1x1x32x128xf32, #tpu.memory_space<vmem>>
    %dma_start3A_127 = tpu.memref_squeeze %dma_start3A_126 : memref<1x1x32x128xf32, #tpu.memory_space<vmem>> -> memref<32x128xf32, #tpu.memory_space<vmem>>
    %dma_start3A_128 = arith.constant 0 : i32
    %dma_start3A_129 = tpu.memref_slice %arg5[%dma_start3A_128, %multiple_of3A_101] : memref<32x1000000xf32, #tpu.memory_space<hbm>> -> memref<32x128xf32, #tpu.memory_space<hbm>>
    tpu.enqueue_dma source(%dma_start3A_129 : memref<32x128xf32, #tpu.memory_space<hbm>>) target(%dma_start3A_127 : memref<32x128xf32, #tpu.memory_space<vmem>>) target_semaphore(%arg14 : memref<!tpu.dma_semaphore, #tpu.memory_space<semaphore_mem>>)
    %shift_right_arithmetic3A_130 = arith.constant 7 : i32
    %shift_right_arithmetic3A_131 = arith.shrsi %squeeze3A_11, %shift_right_arithmetic3A_130 : i32
    %shift_left3A_132 = arith.constant 7 : i32
    %shift_left3A_133 = arith.shli %shift_right_arithmetic3A_131, %shift_left3A_132 : i32
    %multiple_of3A_134 = tpu.assume_multiple %shift_left3A_133, 128 : i32
    %shift_right_arithmetic3A_135 = arith.constant 7 : i32
    %shift_right_arithmetic3A_136 = arith.shrsi %squeeze3A_19, %shift_right_arithmetic3A_135 : i32
    %shift_left3A_137 = arith.constant 7 : i32
    %shift_left3A_138 = arith.shli %shift_right_arithmetic3A_136, %shift_left3A_137 : i32
    %multiple_of3A_139 = tpu.assume_multiple %shift_left3A_138, 128 : i32
    %dma_start3A_140 = arith.constant 0 : i32
    %dma_start3A_141 = arith.constant 3 : i32
    %dma_start3A_142 = arith.constant 0 : i32
    %dma_start3A_143 = arith.constant 0 : i32
    %dma_start3A_144 = tpu.memref_slice %arg9[%dma_start3A_140, %dma_start3A_141, %dma_start3A_142, %dma_start3A_143] : memref<2x4x32x128xf32, #tpu.memory_space<vmem>> -> memref<1x1x32x128xf32, #tpu.memory_space<vmem>>
    %dma_start3A_145 = tpu.memref_squeeze %dma_start3A_144 : memref<1x1x32x128xf32, #tpu.memory_space<vmem>> -> memref<32x128xf32, #tpu.memory_space<vmem>>
    %dma_start3A_146 = arith.constant 0 : i32
    %dma_start3A_147 = tpu.memref_slice %arg4[%dma_start3A_146, %multiple_of3A_134] : memref<32x1000000xf32, #tpu.memory_space<hbm>> -> memref<32x128xf32, #tpu.memory_space<hbm>>
    %dma_start3A_148 = arith.constant 0 : i32
    %dma_start3A_149 = arith.constant 0 : i32
    %dma_start3A_150 = tpu.memref_slice %arg9[%dma_start3A_140, %dma_start3A_141, %dma_start3A_148, %dma_start3A_149] : memref<2x4x32x128xf32, #tpu.memory_space<vmem>> -> memref<1x1x32x128xf32, #tpu.memory_space<vmem>>
    %dma_start3A_151 = tpu.memref_squeeze %dma_start3A_150 : memref<1x1x32x128xf32, #tpu.memory_space<vmem>> -> memref<32x128xf32, #tpu.memory_space<vmem>>
    %dma_start3A_152 = arith.constant 0 : i32
    %dma_start3A_153 = tpu.memref_slice %arg4[%dma_start3A_152, %multiple_of3A_134] : memref<32x1000000xf32, #tpu.memory_space<hbm>> -> memref<32x128xf32, #tpu.memory_space<hbm>>
    tpu.enqueue_dma source(%dma_start3A_153 : memref<32x128xf32, #tpu.memory_space<hbm>>) target(%dma_start3A_151 : memref<32x128xf32, #tpu.memory_space<vmem>>) target_semaphore(%arg14 : memref<!tpu.dma_semaphore, #tpu.memory_space<semaphore_mem>>)
    %dma_start3A_154 = arith.constant 0 : i32
    %dma_start3A_155 = arith.constant 3 : i32
    %dma_start3A_156 = arith.constant 0 : i32
    %dma_start3A_157 = arith.constant 0 : i32
    %dma_start3A_158 = tpu.memref_slice %arg10[%dma_start3A_154, %dma_start3A_155, %dma_start3A_156, %dma_start3A_157] : memref<2x4x32x128xf32, #tpu.memory_space<vmem>> -> memref<1x1x32x128xf32, #tpu.memory_space<vmem>>
    %dma_start3A_159 = tpu.memref_squeeze %dma_start3A_158 : memref<1x1x32x128xf32, #tpu.memory_space<vmem>> -> memref<32x128xf32, #tpu.memory_space<vmem>>
    %dma_start3A_160 = arith.constant 0 : i32
    %dma_start3A_161 = tpu.memref_slice %arg5[%dma_start3A_160, %multiple_of3A_139] : memref<32x1000000xf32, #tpu.memory_space<hbm>> -> memref<32x128xf32, #tpu.memory_space<hbm>>
    %dma_start3A_162 = arith.constant 0 : i32
    %dma_start3A_163 = arith.constant 0 : i32
    %dma_start3A_164 = tpu.memref_slice %arg10[%dma_start3A_154, %dma_start3A_155, %dma_start3A_162, %dma_start3A_163] : memref<2x4x32x128xf32, #tpu.memory_space<vmem>> -> memref<1x1x32x128xf32, #tpu.memory_space<vmem>>
    %dma_start3A_165 = tpu.memref_squeeze %dma_start3A_164 : memref<1x1x32x128xf32, #tpu.memory_space<vmem>> -> memref<32x128xf32, #tpu.memory_space<vmem>>
    %dma_start3A_166 = arith.constant 0 : i32
    %dma_start3A_167 = tpu.memref_slice %arg5[%dma_start3A_166, %multiple_of3A_139] : memref<32x1000000xf32, #tpu.memory_space<hbm>> -> memref<32x128xf32, #tpu.memory_space<hbm>>
    tpu.enqueue_dma source(%dma_start3A_167 : memref<32x128xf32, #tpu.memory_space<hbm>>) target(%dma_start3A_165 : memref<32x128xf32, #tpu.memory_space<vmem>>) target_semaphore(%arg14 : memref<!tpu.dma_semaphore, #tpu.memory_space<semaphore_mem>>)
    %slice3A_168 = vector.extract_strided_slice %get3A_3 {offsets = [4], sizes = [1], strides = [1]} : vector<16xi32> to vector<1xi32>
    %squeeze3A_169 = vector.extract %slice3A_168[0] : i32 from vector<1xi32>
    %slice3A_170 = vector.extract_strided_slice %get3A_3 {offsets = [5], sizes = [1], strides = [1]} : vector<16xi32> to vector<1xi32>
    %squeeze3A_171 = vector.extract %slice3A_170[0] : i32 from vector<1xi32>
    %slice3A_172 = vector.extract_strided_slice %get3A_3 {offsets = [6], sizes = [1], strides = [1]} : vector<16xi32> to vector<1xi32>
    %squeeze3A_173 = vector.extract %slice3A_172[0] : i32 from vector<1xi32>
    %slice3A_174 = vector.extract_strided_slice %get3A_3 {offsets = [7], sizes = [1], strides = [1]} : vector<16xi32> to vector<1xi32>
    %squeeze3A_175 = vector.extract %slice3A_174[0] : i32 from vector<1xi32>
    %slice3A_176 = vector.extract_strided_slice %get3A_5 {offsets = [4], sizes = [1], strides = [1]} : vector<16xi32> to vector<1xi32>
    %squeeze3A_177 = vector.extract %slice3A_176[0] : i32 from vector<1xi32>
    %slice3A_178 = vector.extract_strided_slice %get3A_5 {offsets = [5], sizes = [1], strides = [1]} : vector<16xi32> to vector<1xi32>
    %squeeze3A_179 = vector.extract %slice3A_178[0] : i32 from vector<1xi32>
    %slice3A_180 = vector.extract_strided_slice %get3A_5 {offsets = [6], sizes = [1], strides = [1]} : vector<16xi32> to vector<1xi32>
    %squeeze3A_181 = vector.extract %slice3A_180[0] : i32 from vector<1xi32>
    %slice3A_182 = vector.extract_strided_slice %get3A_5 {offsets = [7], sizes = [1], strides = [1]} : vector<16xi32> to vector<1xi32>
    %squeeze3A_183 = vector.extract %slice3A_182[0] : i32 from vector<1xi32>
    %shift_right_arithmetic3A_184 = arith.constant 7 : i32
    %shift_right_arithmetic3A_185 = arith.shrsi %squeeze3A_169, %shift_right_arithmetic3A_184 : i32
    %shift_left3A_186 = arith.constant 7 : i32
    %shift_left3A_187 = arith.shli %shift_right_arithmetic3A_185, %shift_left3A_186 : i32
    %multiple_of3A_188 = tpu.assume_multiple %shift_left3A_187, 128 : i32
    %shift_right_arithmetic3A_189 = arith.constant 7 : i32
    %shift_right_arithmetic3A_190 = arith.shrsi %squeeze3A_177, %shift_right_arithmetic3A_189 : i32
    %shift_left3A_191 = arith.constant 7 : i32
    %shift_left3A_192 = arith.shli %shift_right_arithmetic3A_190, %shift_left3A_191 : i32
    %multiple_of3A_193 = tpu.assume_multiple %shift_left3A_192, 128 : i32
    %dma_start3A_194 = arith.constant 1 : i32
    %dma_start3A_195 = arith.constant 0 : i32
    %dma_start3A_196 = arith.constant 0 : i32
    %dma_start3A_197 = arith.constant 0 : i32
    %dma_start3A_198 = tpu.memref_slice %arg9[%dma_start3A_194, %dma_start3A_195, %dma_start3A_196, %dma_start3A_197] : memref<2x4x32x128xf32, #tpu.memory_space<vmem>> -> memref<1x1x32x128xf32, #tpu.memory_space<vmem>>
    %dma_start3A_199 = tpu.memref_squeeze %dma_start3A_198 : memref<1x1x32x128xf32, #tpu.memory_space<vmem>> -> memref<32x128xf32, #tpu.memory_space<vmem>>
    %dma_start3A_200 = arith.constant 0 : i32
    %dma_start3A_201 = tpu.memref_slice %arg4[%dma_start3A_200, %multiple_of3A_188] : memref<32x1000000xf32, #tpu.memory_space<hbm>> -> memref<32x128xf32, #tpu.memory_space<hbm>>
    %dma_start3A_202 = arith.constant 0 : i32
    %dma_start3A_203 = arith.constant 0 : i32
    %dma_start3A_204 = tpu.memref_slice %arg9[%dma_start3A_194, %dma_start3A_195, %dma_start3A_202, %dma_start3A_203] : memref<2x4x32x128xf32, #tpu.memory_space<vmem>> -> memref<1x1x32x128xf32, #tpu.memory_space<vmem>>
    %dma_start3A_205 = tpu.memref_squeeze %dma_start3A_204 : memref<1x1x32x128xf32, #tpu.memory_space<vmem>> -> memref<32x128xf32, #tpu.memory_space<vmem>>
    %dma_start3A_206 = arith.constant 0 : i32
    %dma_start3A_207 = tpu.memref_slice %arg4[%dma_start3A_206, %multiple_of3A_188] : memref<32x1000000xf32, #tpu.memory_space<hbm>> -> memref<32x128xf32, #tpu.memory_space<hbm>>
    tpu.enqueue_dma source(%dma_start3A_207 : memref<32x128xf32, #tpu.memory_space<hbm>>) target(%dma_start3A_205 : memref<32x128xf32, #tpu.memory_space<vmem>>) target_semaphore(%arg15 : memref<!tpu.dma_semaphore, #tpu.memory_space<semaphore_mem>>)
    %dma_start3A_208 = arith.constant 1 : i32
    %dma_start3A_209 = arith.constant 0 : i32
    %dma_start3A_210 = arith.constant 0 : i32
    %dma_start3A_211 = arith.constant 0 : i32
    %dma_start3A_212 = tpu.memref_slice %arg10[%dma_start3A_208, %dma_start3A_209, %dma_start3A_210, %dma_start3A_211] : memref<2x4x32x128xf32, #tpu.memory_space<vmem>> -> memref<1x1x32x128xf32, #tpu.memory_space<vmem>>
    %dma_start3A_213 = tpu.memref_squeeze %dma_start3A_212 : memref<1x1x32x128xf32, #tpu.memory_space<vmem>> -> memref<32x128xf32, #tpu.memory_space<vmem>>
    %dma_start3A_214 = arith.constant 0 : i32
    %dma_start3A_215 = tpu.memref_slice %arg5[%dma_start3A_214, %multiple_of3A_193] : memref<32x1000000xf32, #tpu.memory_space<hbm>> -> memref<32x128xf32, #tpu.memory_space<hbm>>
    %dma_start3A_216 = arith.constant 0 : i32
    %dma_start3A_217 = arith.constant 0 : i32
    %dma_start3A_218 = tpu.memref_slice %arg10[%dma_start3A_208, %dma_start3A_209, %dma_start3A_216, %dma_start3A_217] : memref<2x4x32x128xf32, #tpu.memory_space<vmem>> -> memref<1x1x32x128xf32, #tpu.memory_space<vmem>>
    %dma_start3A_219 = tpu.memref_squeeze %dma_start3A_218 : memref<1x1x32x128xf32, #tpu.memory_space<vmem>> -> memref<32x128xf32, #tpu.memory_space<vmem>>
    %dma_start3A_220 = arith.constant 0 : i32
    %dma_start3A_221 = tpu.memref_slice %arg5[%dma_start3A_220, %multiple_of3A_193] : memref<32x1000000xf32, #tpu.memory_space<hbm>> -> memref<32x128xf32, #tpu.memory_space<hbm>>
    tpu.enqueue_dma source(%dma_start3A_221 : memref<32x128xf32, #tpu.memory_space<hbm>>) target(%dma_start3A_219 : memref<32x128xf32, #tpu.memory_space<vmem>>) target_semaphore(%arg15 : memref<!tpu.dma_semaphore, #tpu.memory_space<semaphore_mem>>)
    %shift_right_arithmetic3A_222 = arith.constant 7 : i32
    %shift_right_arithmetic3A_223 = arith.shrsi %squeeze3A_171, %shift_right_arithmetic3A_222 : i32
    %shift_left3A_224 = arith.constant 7 : i32
    %shift_left3A_225 = arith.shli %shift_right_arithmetic3A_223, %shift_left3A_224 : i32
    %multiple_of3A_226 = tpu.assume_multiple %shift_left3A_225, 128 : i32
    %shift_right_arithmetic3A_227 = arith.constant 7 : i32
    %shift_right_arithmetic3A_228 = arith.shrsi %squeeze3A_179, %shift_right_arithmetic3A_227 : i32
    %shift_left3A_229 = arith.constant 7 : i32
    %shift_left3A_230 = arith.shli %shift_right_arithmetic3A_228, %shift_left3A_229 : i32
    %multiple_of3A_231 = tpu.assume_multiple %shift_left3A_230, 128 : i32
    %dma_start3A_232 = arith.constant 1 : i32
    %dma_start3A_233 = arith.constant 1 : i32
    %dma_start3A_234 = arith.constant 0 : i32
    %dma_start3A_235 = arith.constant 0 : i32
    %dma_start3A_236 = tpu.memref_slice %arg9[%dma_start3A_232, %dma_start3A_233, %dma_start3A_234, %dma_start3A_235] : memref<2x4x32x128xf32, #tpu.memory_space<vmem>> -> memref<1x1x32x128xf32, #tpu.memory_space<vmem>>
    %dma_start3A_237 = tpu.memref_squeeze %dma_start3A_236 : memref<1x1x32x128xf32, #tpu.memory_space<vmem>> -> memref<32x128xf32, #tpu.memory_space<vmem>>
    %dma_start3A_238 = arith.constant 0 : i32
    %dma_start3A_239 = tpu.memref_slice %arg4[%dma_start3A_238, %multiple_of3A_226] : memref<32x1000000xf32, #tpu.memory_space<hbm>> -> memref<32x128xf32, #tpu.memory_space<hbm>>
    %dma_start3A_240 = arith.constant 0 : i32
    %dma_start3A_241 = arith.constant 0 : i32
    %dma_start3A_242 = tpu.memref_slice %arg9[%dma_start3A_232, %dma_start3A_233, %dma_start3A_240, %dma_start3A_241] : memref<2x4x32x128xf32, #tpu.memory_space<vmem>> -> memref<1x1x32x128xf32, #tpu.memory_space<vmem>>
    %dma_start3A_243 = tpu.memref_squeeze %dma_start3A_242 : memref<1x1x32x128xf32, #tpu.memory_space<vmem>> -> memref<32x128xf32, #tpu.memory_space<vmem>>
    %dma_start3A_244 = arith.constant 0 : i32
    %dma_start3A_245 = tpu.memref_slice %arg4[%dma_start3A_244, %multiple_of3A_226] : memref<32x1000000xf32, #tpu.memory_space<hbm>> -> memref<32x128xf32, #tpu.memory_space<hbm>>
    tpu.enqueue_dma source(%dma_start3A_245 : memref<32x128xf32, #tpu.memory_space<hbm>>) target(%dma_start3A_243 : memref<32x128xf32, #tpu.memory_space<vmem>>) target_semaphore(%arg15 : memref<!tpu.dma_semaphore, #tpu.memory_space<semaphore_mem>>)
    %dma_start3A_246 = arith.constant 1 : i32
    %dma_start3A_247 = arith.constant 1 : i32
    %dma_start3A_248 = arith.constant 0 : i32
    %dma_start3A_249 = arith.constant 0 : i32
    %dma_start3A_250 = tpu.memref_slice %arg10[%dma_start3A_246, %dma_start3A_247, %dma_start3A_248, %dma_start3A_249] : memref<2x4x32x128xf32, #tpu.memory_space<vmem>> -> memref<1x1x32x128xf32, #tpu.memory_space<vmem>>
    %dma_start3A_251 = tpu.memref_squeeze %dma_start3A_250 : memref<1x1x32x128xf32, #tpu.memory_space<vmem>> -> memref<32x128xf32, #tpu.memory_space<vmem>>
    %dma_start3A_252 = arith.constant 0 : i32
    %dma_start3A_253 = tpu.memref_slice %arg5[%dma_start3A_252, %multiple_of3A_231] : memref<32x1000000xf32, #tpu.memory_space<hbm>> -> memref<32x128xf32, #tpu.memory_space<hbm>>
    %dma_start3A_254 = arith.constant 0 : i32
    %dma_start3A_255 = arith.constant 0 : i32
    %dma_start3A_256 = tpu.memref_slice %arg10[%dma_start3A_246, %dma_start3A_247, %dma_start3A_254, %dma_start3A_255] : memref<2x4x32x128xf32, #tpu.memory_space<vmem>> -> memref<1x1x32x128xf32, #tpu.memory_space<vmem>>
    %dma_start3A_257 = tpu.memref_squeeze %dma_start3A_256 : memref<1x1x32x128xf32, #tpu.memory_space<vmem>> -> memref<32x128xf32, #tpu.memory_space<vmem>>
    %dma_start3A_258 = arith.constant 0 : i32
    %dma_start3A_259 = tpu.memref_slice %arg5[%dma_start3A_258, %multiple_of3A_231] : memref<32x1000000xf32, #tpu.memory_space<hbm>> -> memref<32x128xf32, #tpu.memory_space<hbm>>
    tpu.enqueue_dma source(%dma_start3A_259 : memref<32x128xf32, #tpu.memory_space<hbm>>) target(%dma_start3A_257 : memref<32x128xf32, #tpu.memory_space<vmem>>) target_semaphore(%arg15 : memref<!tpu.dma_semaphore, #tpu.memory_space<semaphore_mem>>)
    %shift_right_arithmetic3A_260 = arith.constant 7 : i32
    %shift_right_arithmetic3A_261 = arith.shrsi %squeeze3A_173, %shift_right_arithmetic3A_260 : i32
    %shift_left3A_262 = arith.constant 7 : i32
    %shift_left3A_263 = arith.shli %shift_right_arithmetic3A_261, %shift_left3A_262 : i32
    %multiple_of3A_264 = tpu.assume_multiple %shift_left3A_263, 128 : i32
    %shift_right_arithmetic3A_265 = arith.constant 7 : i32
    %shift_right_arithmetic3A_266 = arith.shrsi %squeeze3A_181, %shift_right_arithmetic3A_265 : i32
    %shift_left3A_267 = arith.constant 7 : i32
    %shift_left3A_268 = arith.shli %shift_right_arithmetic3A_266, %shift_left3A_267 : i32
    %multiple_of3A_269 = tpu.assume_multiple %shift_left3A_268, 128 : i32
    %dma_start3A_270 = arith.constant 1 : i32
    %dma_start3A_271 = arith.constant 2 : i32
    %dma_start3A_272 = arith.constant 0 : i32
    %dma_start3A_273 = arith.constant 0 : i32
    %dma_start3A_274 = tpu.memref_slice %arg9[%dma_start3A_270, %dma_start3A_271, %dma_start3A_272, %dma_start3A_273] : memref<2x4x32x128xf32, #tpu.memory_space<vmem>> -> memref<1x1x32x128xf32, #tpu.memory_space<vmem>>
    %dma_start3A_275 = tpu.memref_squeeze %dma_start3A_274 : memref<1x1x32x128xf32, #tpu.memory_space<vmem>> -> memref<32x128xf32, #tpu.memory_space<vmem>>
    %dma_start3A_276 = arith.constant 0 : i32
    %dma_start3A_277 = tpu.memref_slice %arg4[%dma_start3A_276, %multiple_of3A_264] : memref<32x1000000xf32, #tpu.memory_space<hbm>> -> memref<32x128xf32, #tpu.memory_space<hbm>>
    %dma_start3A_278 = arith.constant 0 : i32
    %dma_start3A_279 = arith.constant 0 : i32
    %dma_start3A_280 = tpu.memref_slice %arg9[%dma_start3A_270, %dma_start3A_271, %dma_start3A_278, %dma_start3A_279] : memref<2x4x32x128xf32, #tpu.memory_space<vmem>> -> memref<1x1x32x128xf32, #tpu.memory_space<vmem>>
    %dma_start3A_281 = tpu.memref_squeeze %dma_start3A_280 : memref<1x1x32x128xf32, #tpu.memory_space<vmem>> -> memref<32x128xf32, #tpu.memory_space<vmem>>
    %dma_start3A_282 = arith.constant 0 : i32
    %dma_start3A_283 = tpu.memref_slice %arg4[%dma_start3A_282, %multiple_of3A_264] : memref<32x1000000xf32, #tpu.memory_space<hbm>> -> memref<32x128xf32, #tpu.memory_space<hbm>>
    tpu.enqueue_dma source(%dma_start3A_283 : memref<32x128xf32, #tpu.memory_space<hbm>>) target(%dma_start3A_281 : memref<32x128xf32, #tpu.memory_space<vmem>>) target_semaphore(%arg15 : memref<!tpu.dma_semaphore, #tpu.memory_space<semaphore_mem>>)
    %dma_start3A_284 = arith.constant 1 : i32
    %dma_start3A_285 = arith.constant 2 : i32
    %dma_start3A_286 = arith.constant 0 : i32
    %dma_start3A_287 = arith.constant 0 : i32
    %dma_start3A_288 = tpu.memref_slice %arg10[%dma_start3A_284, %dma_start3A_285, %dma_start3A_286, %dma_start3A_287] : memref<2x4x32x128xf32, #tpu.memory_space<vmem>> -> memref<1x1x32x128xf32, #tpu.memory_space<vmem>>
    %dma_start3A_289 = tpu.memref_squeeze %dma_start3A_288 : memref<1x1x32x128xf32, #tpu.memory_space<vmem>> -> memref<32x128xf32, #tpu.memory_space<vmem>>
    %dma_start3A_290 = arith.constant 0 : i32
    %dma_start3A_291 = tpu.memref_slice %arg5[%dma_start3A_290, %multiple_of3A_269] : memref<32x1000000xf32, #tpu.memory_space<hbm>> -> memref<32x128xf32, #tpu.memory_space<hbm>>
    %dma_start3A_292 = arith.constant 0 : i32
    %dma_start3A_293 = arith.constant 0 : i32
    %dma_start3A_294 = tpu.memref_slice %arg10[%dma_start3A_284, %dma_start3A_285, %dma_start3A_292, %dma_start3A_293] : memref<2x4x32x128xf32, #tpu.memory_space<vmem>> -> memref<1x1x32x128xf32, #tpu.memory_space<vmem>>
    %dma_start3A_295 = tpu.memref_squeeze %dma_start3A_294 : memref<1x1x32x128xf32, #tpu.memory_space<vmem>> -> memref<32x128xf32, #tpu.memory_space<vmem>>
    %dma_start3A_296 = arith.constant 0 : i32
    %dma_start3A_297 = tpu.memref_slice %arg5[%dma_start3A_296, %multiple_of3A_269] : memref<32x1000000xf32, #tpu.memory_space<hbm>> -> memref<32x128xf32, #tpu.memory_space<hbm>>
    tpu.enqueue_dma source(%dma_start3A_297 : memref<32x128xf32, #tpu.memory_space<hbm>>) target(%dma_start3A_295 : memref<32x128xf32, #tpu.memory_space<vmem>>) target_semaphore(%arg15 : memref<!tpu.dma_semaphore, #tpu.memory_space<semaphore_mem>>)
    %shift_right_arithmetic3A_298 = arith.constant 7 : i32
    %shift_right_arithmetic3A_299 = arith.shrsi %squeeze3A_175, %shift_right_arithmetic3A_298 : i32
    %shift_left3A_300 = arith.constant 7 : i32
    %shift_left3A_301 = arith.shli %shift_right_arithmetic3A_299, %shift_left3A_300 : i32
    %multiple_of3A_302 = tpu.assume_multiple %shift_left3A_301, 128 : i32
    %shift_right_arithmetic3A_303 = arith.constant 7 : i32
    %shift_right_arithmetic3A_304 = arith.shrsi %squeeze3A_183, %shift_right_arithmetic3A_303 : i32
    %shift_left3A_305 = arith.constant 7 : i32
    %shift_left3A_306 = arith.shli %shift_right_arithmetic3A_304, %shift_left3A_305 : i32
    %multiple_of3A_307 = tpu.assume_multiple %shift_left3A_306, 128 : i32
    %dma_start3A_308 = arith.constant 1 : i32
    %dma_start3A_309 = arith.constant 3 : i32
    %dma_start3A_310 = arith.constant 0 : i32
    %dma_start3A_311 = arith.constant 0 : i32
    %dma_start3A_312 = tpu.memref_slice %arg9[%dma_start3A_308, %dma_start3A_309, %dma_start3A_310, %dma_start3A_311] : memref<2x4x32x128xf32, #tpu.memory_space<vmem>> -> memref<1x1x32x128xf32, #tpu.memory_space<vmem>>
    %dma_start3A_313 = tpu.memref_squeeze %dma_start3A_312 : memref<1x1x32x128xf32, #tpu.memory_space<vmem>> -> memref<32x128xf32, #tpu.memory_space<vmem>>
    %dma_start3A_314 = arith.constant 0 : i32
    %dma_start3A_315 = tpu.memref_slice %arg4[%dma_start3A_314, %multiple_of3A_302] : memref<32x1000000xf32, #tpu.memory_space<hbm>> -> memref<32x128xf32, #tpu.memory_space<hbm>>
    %dma_start3A_316 = arith.constant 0 : i32
    %dma_start3A_317 = arith.constant 0 : i32
    %dma_start3A_318 = tpu.memref_slice %arg9[%dma_start3A_308, %dma_start3A_309, %dma_start3A_316, %dma_start3A_317] : memref<2x4x32x128xf32, #tpu.memory_space<vmem>> -> memref<1x1x32x128xf32, #tpu.memory_space<vmem>>
    %dma_start3A_319 = tpu.memref_squeeze %dma_start3A_318 : memref<1x1x32x128xf32, #tpu.memory_space<vmem>> -> memref<32x128xf32, #tpu.memory_space<vmem>>
    %dma_start3A_320 = arith.constant 0 : i32
    %dma_start3A_321 = tpu.memref_slice %arg4[%dma_start3A_320, %multiple_of3A_302] : memref<32x1000000xf32, #tpu.memory_space<hbm>> -> memref<32x128xf32, #tpu.memory_space<hbm>>
    tpu.enqueue_dma source(%dma_start3A_321 : memref<32x128xf32, #tpu.memory_space<hbm>>) target(%dma_start3A_319 : memref<32x128xf32, #tpu.memory_space<vmem>>) target_semaphore(%arg15 : memref<!tpu.dma_semaphore, #tpu.memory_space<semaphore_mem>>)
    %dma_start3A_322 = arith.constant 1 : i32
    %dma_start3A_323 = arith.constant 3 : i32
    %dma_start3A_324 = arith.constant 0 : i32
    %dma_start3A_325 = arith.constant 0 : i32
    %dma_start3A_326 = tpu.memref_slice %arg10[%dma_start3A_322, %dma_start3A_323, %dma_start3A_324, %dma_start3A_325] : memref<2x4x32x128xf32, #tpu.memory_space<vmem>> -> memref<1x1x32x128xf32, #tpu.memory_space<vmem>>
    %dma_start3A_327 = tpu.memref_squeeze %dma_start3A_326 : memref<1x1x32x128xf32, #tpu.memory_space<vmem>> -> memref<32x128xf32, #tpu.memory_space<vmem>>
    %dma_start3A_328 = arith.constant 0 : i32
    %dma_start3A_329 = tpu.memref_slice %arg5[%dma_start3A_328, %multiple_of3A_307] : memref<32x1000000xf32, #tpu.memory_space<hbm>> -> memref<32x128xf32, #tpu.memory_space<hbm>>
    %dma_start3A_330 = arith.constant 0 : i32
    %dma_start3A_331 = arith.constant 0 : i32
    %dma_start3A_332 = tpu.memref_slice %arg10[%dma_start3A_322, %dma_start3A_323, %dma_start3A_330, %dma_start3A_331] : memref<2x4x32x128xf32, #tpu.memory_space<vmem>> -> memref<1x1x32x128xf32, #tpu.memory_space<vmem>>
    %dma_start3A_333 = tpu.memref_squeeze %dma_start3A_332 : memref<1x1x32x128xf32, #tpu.memory_space<vmem>> -> memref<32x128xf32, #tpu.memory_space<vmem>>
    %dma_start3A_334 = arith.constant 0 : i32
    %dma_start3A_335 = tpu.memref_slice %arg5[%dma_start3A_334, %multiple_of3A_307] : memref<32x1000000xf32, #tpu.memory_space<hbm>> -> memref<32x128xf32, #tpu.memory_space<hbm>>
    tpu.enqueue_dma source(%dma_start3A_335 : memref<32x128xf32, #tpu.memory_space<hbm>>) target(%dma_start3A_333 : memref<32x128xf32, #tpu.memory_space<vmem>>) target_semaphore(%arg15 : memref<!tpu.dma_semaphore, #tpu.memory_space<semaphore_mem>>)
    %scan3A = arith.constant 0 : i32
    %scan3A_336 = arith.constant 64 : i32
    %scan3A_337 = arith.addi %scan3A, %scan3A_336 : i32
    %scan3A_338 = arith.constant 1 : i32
    scf.for %scan3A_345 = %scan3A to %scan3A_337 step %scan3A_338  : i32 {
      %mul3A_346 = arith.constant 2 : i32
      %mul3A_347 = arith.muli %scan3A_345, %mul3A_346 : i32
      %add3A_348 = arith.constant 0 : i32
      %add3A_349 = arith.addi %add3A_348, %mul3A_347 : i32
      %mul3A_350 = arith.constant 4 : i32
      %mul3A_351 = arith.muli %add3A_349, %mul3A_350 : i32
      %get3A_352 = arith.index_cast %mul3A_351 : i32 to index
      %get3A_353 = tpu.vector_load %arg7[%get3A_352] {strides = array<i32>} : memref<528xi32, #tpu.memory_space<vmem>>, vector<16xi32>,
      %mul3A_354 = arith.constant 4 : i32
      %mul3A_355 = arith.muli %add3A_349, %mul3A_354 : i32
      %get3A_356 = arith.index_cast %mul3A_355 : i32 to index
      %get3A_357 = tpu.vector_load %arg8[%get3A_356] {strides = array<i32>} : memref<528xi32, #tpu.memory_space<vmem>>, vector<16xi32>,
      %dma_wait3A = arith.constant 0 : i32
      %dma_wait3A_358 = arith.constant 0 : i32
      %dma_wait3A_359 = arith.constant 0 : i32
      %dma_wait3A_360 = arith.constant 0 : i32
      %dma_wait3A_361 = tpu.memref_slice %arg9[%dma_wait3A, %dma_wait3A_358, %dma_wait3A_359, %dma_wait3A_360] : memref<2x4x32x128xf32, #tpu.memory_space<vmem>> -> memref<1x1x32x128xf32, #tpu.memory_space<vmem>>
      %dma_wait3A_362 = tpu.memref_squeeze %dma_wait3A_361 : memref<1x1x32x128xf32, #tpu.memory_space<vmem>> -> memref<32x128xf32, #tpu.memory_space<vmem>>
      %dma_wait3A_363 = arith.constant 0 : i32
      %dma_wait3A_364 = arith.constant 0 : i32
      %dma_wait3A_365 = tpu.memref_slice %arg4[%dma_wait3A_363, %dma_wait3A_364] : memref<32x1000000xf32, #tpu.memory_space<hbm>> -> memref<32x128xf32, #tpu.memory_space<hbm>>
      %dma_wait3A_366 = arith.constant 0 : i32
      %dma_wait3A_367 = arith.constant 0 : i32
      %dma_wait3A_368 = tpu.memref_slice %arg9[%dma_wait3A, %dma_wait3A_358, %dma_wait3A_366, %dma_wait3A_367] : memref<2x4x32x128xf32, #tpu.memory_space<vmem>> -> memref<1x1x32x128xf32, #tpu.memory_space<vmem>>
      %dma_wait3A_369 = tpu.memref_squeeze %dma_wait3A_368 : memref<1x1x32x128xf32, #tpu.memory_space<vmem>> -> memref<32x128xf32, #tpu.memory_space<vmem>>
      %dma_wait3A_370 = arith.constant 0 : i32
      %dma_wait3A_371 = arith.constant 0 : i32
      %dma_wait3A_372 = tpu.memref_slice %arg4[%dma_wait3A_370, %dma_wait3A_371] : memref<32x1000000xf32, #tpu.memory_space<hbm>> -> memref<32x128xf32, #tpu.memory_space<hbm>>
      tpu.wait_dma2 semaphore(%arg14 : memref<!tpu.dma_semaphore, #tpu.memory_space<semaphore_mem>>) src(%dma_wait3A_372 : memref<32x128xf32, #tpu.memory_space<hbm>>) dst(%dma_wait3A_369 : memref<32x128xf32, #tpu.memory_space<vmem>>)
      %dma_wait3A_373 = arith.constant 0 : i32
      %dma_wait3A_374 = arith.constant 0 : i32
      %dma_wait3A_375 = arith.constant 0 : i32
      %dma_wait3A_376 = arith.constant 0 : i32
      %dma_wait3A_377 = tpu.memref_slice %arg10[%dma_wait3A_373, %dma_wait3A_374, %dma_wait3A_375, %dma_wait3A_376] : memref<2x4x32x128xf32, #tpu.memory_space<vmem>> -> memref<1x1x32x128xf32, #tpu.memory_space<vmem>>
      %dma_wait3A_378 = tpu.memref_squeeze %dma_wait3A_377 : memref<1x1x32x128xf32, #tpu.memory_space<vmem>> -> memref<32x128xf32, #tpu.memory_space<vmem>>
      %dma_wait3A_379 = arith.constant 0 : i32
      %dma_wait3A_380 = arith.constant 0 : i32
      %dma_wait3A_381 = tpu.memref_slice %arg5[%dma_wait3A_379, %dma_wait3A_380] : memref<32x1000000xf32, #tpu.memory_space<hbm>> -> memref<32x128xf32, #tpu.memory_space<hbm>>
      %dma_wait3A_382 = arith.constant 0 : i32
      %dma_wait3A_383 = arith.constant 0 : i32
      %dma_wait3A_384 = tpu.memref_slice %arg10[%dma_wait3A_373, %dma_wait3A_374, %dma_wait3A_382, %dma_wait3A_383] : memref<2x4x32x128xf32, #tpu.memory_space<vmem>> -> memref<1x1x32x128xf32, #tpu.memory_space<vmem>>
      %dma_wait3A_385 = tpu.memref_squeeze %dma_wait3A_384 : memref<1x1x32x128xf32, #tpu.memory_space<vmem>> -> memref<32x128xf32, #tpu.memory_space<vmem>>
      %dma_wait3A_386 = arith.constant 0 : i32
      %dma_wait3A_387 = arith.constant 0 : i32
      %dma_wait3A_388 = tpu.memref_slice %arg5[%dma_wait3A_386, %dma_wait3A_387] : memref<32x1000000xf32, #tpu.memory_space<hbm>> -> memref<32x128xf32, #tpu.memory_space<hbm>>
      tpu.wait_dma2 semaphore(%arg14 : memref<!tpu.dma_semaphore, #tpu.memory_space<semaphore_mem>>) src(%dma_wait3A_388 : memref<32x128xf32, #tpu.memory_space<hbm>>) dst(%dma_wait3A_385 : memref<32x128xf32, #tpu.memory_space<vmem>>)
      %dma_wait3A_389 = arith.constant 0 : i32
      %dma_wait3A_390 = arith.constant 1 : i32
      %dma_wait3A_391 = arith.constant 0 : i32
      %dma_wait3A_392 = arith.constant 0 : i32
      %dma_wait3A_393 = tpu.memref_slice %arg9[%dma_wait3A_389, %dma_wait3A_390, %dma_wait3A_391, %dma_wait3A_392] : memref<2x4x32x128xf32, #tpu.memory_space<vmem>> -> memref<1x1x32x128xf32, #tpu.memory_space<vmem>>
      %dma_wait3A_394 = tpu.memref_squeeze %dma_wait3A_393 : memref<1x1x32x128xf32, #tpu.memory_space<vmem>> -> memref<32x128xf32, #tpu.memory_space<vmem>>
      %dma_wait3A_395 = arith.constant 0 : i32
      %dma_wait3A_396 = arith.constant 0 : i32
      %dma_wait3A_397 = tpu.memref_slice %arg4[%dma_wait3A_395, %dma_wait3A_396] : memref<32x1000000xf32, #tpu.memory_space<hbm>> -> memref<32x128xf32, #tpu.memory_space<hbm>>
      %dma_wait3A_398 = arith.constant 0 : i32
      %dma_wait3A_399 = arith.constant 0 : i32
      %dma_wait3A_400 = tpu.memref_slice %arg9[%dma_wait3A_389, %dma_wait3A_390, %dma_wait3A_398, %dma_wait3A_399] : memref<2x4x32x128xf32, #tpu.memory_space<vmem>> -> memref<1x1x32x128xf32, #tpu.memory_space<vmem>>
      %dma_wait3A_401 = tpu.memref_squeeze %dma_wait3A_400 : memref<1x1x32x128xf32, #tpu.memory_space<vmem>> -> memref<32x128xf32, #tpu.memory_space<vmem>>
      %dma_wait3A_402 = arith.constant 0 : i32
      %dma_wait3A_403 = arith.constant 0 : i32
      %dma_wait3A_404 = tpu.memref_slice %arg4[%dma_wait3A_402, %dma_wait3A_403] : memref<32x1000000xf32, #tpu.memory_space<hbm>> -> memref<32x128xf32, #tpu.memory_space<hbm>>
      tpu.wait_dma2 semaphore(%arg14 : memref<!tpu.dma_semaphore, #tpu.memory_space<semaphore_mem>>) src(%dma_wait3A_404 : memref<32x128xf32, #tpu.memory_space<hbm>>) dst(%dma_wait3A_401 : memref<32x128xf32, #tpu.memory_space<vmem>>)
      %dma_wait3A_405 = arith.constant 0 : i32
      %dma_wait3A_406 = arith.constant 1 : i32
      %dma_wait3A_407 = arith.constant 0 : i32
      %dma_wait3A_408 = arith.constant 0 : i32
      %dma_wait3A_409 = tpu.memref_slice %arg10[%dma_wait3A_405, %dma_wait3A_406, %dma_wait3A_407, %dma_wait3A_408] : memref<2x4x32x128xf32, #tpu.memory_space<vmem>> -> memref<1x1x32x128xf32, #tpu.memory_space<vmem>>
      %dma_wait3A_410 = tpu.memref_squeeze %dma_wait3A_409 : memref<1x1x32x128xf32, #tpu.memory_space<vmem>> -> memref<32x128xf32, #tpu.memory_space<vmem>>
      %dma_wait3A_411 = arith.constant 0 : i32
      %dma_wait3A_412 = arith.constant 0 : i32
      %dma_wait3A_413 = tpu.memref_slice %arg5[%dma_wait3A_411, %dma_wait3A_412] : memref<32x1000000xf32, #tpu.memory_space<hbm>> -> memref<32x128xf32, #tpu.memory_space<hbm>>
      %dma_wait3A_414 = arith.constant 0 : i32
      %dma_wait3A_415 = arith.constant 0 : i32
      %dma_wait3A_416 = tpu.memref_slice %arg10[%dma_wait3A_405, %dma_wait3A_406, %dma_wait3A_414, %dma_wait3A_415] : memref<2x4x32x128xf32, #tpu.memory_space<vmem>> -> memref<1x1x32x128xf32, #tpu.memory_space<vmem>>
      %dma_wait3A_417 = tpu.memref_squeeze %dma_wait3A_416 : memref<1x1x32x128xf32, #tpu.memory_space<vmem>> -> memref<32x128xf32, #tpu.memory_space<vmem>>
      %dma_wait3A_418 = arith.constant 0 : i32
      %dma_wait3A_419 = arith.constant 0 : i32
      %dma_wait3A_420 = tpu.memref_slice %arg5[%dma_wait3A_418, %dma_wait3A_419] : memref<32x1000000xf32, #tpu.memory_space<hbm>> -> memref<32x128xf32, #tpu.memory_space<hbm>>
      tpu.wait_dma2 semaphore(%arg14 : memref<!tpu.dma_semaphore, #tpu.memory_space<semaphore_mem>>) src(%dma_wait3A_420 : memref<32x128xf32, #tpu.memory_space<hbm>>) dst(%dma_wait3A_417 : memref<32x128xf32, #tpu.memory_space<vmem>>)
      %dma_wait3A_421 = arith.constant 0 : i32
      %dma_wait3A_422 = arith.constant 2 : i32
      %dma_wait3A_423 = arith.constant 0 : i32
      %dma_wait3A_424 = arith.constant 0 : i32
      %dma_wait3A_425 = tpu.memref_slice %arg9[%dma_wait3A_421, %dma_wait3A_422, %dma_wait3A_423, %dma_wait3A_424] : memref<2x4x32x128xf32, #tpu.memory_space<vmem>> -> memref<1x1x32x128xf32, #tpu.memory_space<vmem>>
      %dma_wait3A_426 = tpu.memref_squeeze %dma_wait3A_425 : memref<1x1x32x128xf32, #tpu.memory_space<vmem>> -> memref<32x128xf32, #tpu.memory_space<vmem>>
      %dma_wait3A_427 = arith.constant 0 : i32
      %dma_wait3A_428 = arith.constant 0 : i32
      %dma_wait3A_429 = tpu.memref_slice %arg4[%dma_wait3A_427, %dma_wait3A_428] : memref<32x1000000xf32, #tpu.memory_space<hbm>> -> memref<32x128xf32, #tpu.memory_space<hbm>>
      %dma_wait3A_430 = arith.constant 0 : i32
      %dma_wait3A_431 = arith.constant 0 : i32
      %dma_wait3A_432 = tpu.memref_slice %arg9[%dma_wait3A_421, %dma_wait3A_422, %dma_wait3A_430, %dma_wait3A_431] : memref<2x4x32x128xf32, #tpu.memory_space<vmem>> -> memref<1x1x32x128xf32, #tpu.memory_space<vmem>>
      %dma_wait3A_433 = tpu.memref_squeeze %dma_wait3A_432 : memref<1x1x32x128xf32, #tpu.memory_space<vmem>> -> memref<32x128xf32, #tpu.memory_space<vmem>>
      %dma_wait3A_434 = arith.constant 0 : i32
      %dma_wait3A_435 = arith.constant 0 : i32
      %dma_wait3A_436 = tpu.memref_slice %arg4[%dma_wait3A_434, %dma_wait3A_435] : memref<32x1000000xf32, #tpu.memory_space<hbm>> -> memref<32x128xf32, #tpu.memory_space<hbm>>
      tpu.wait_dma2 semaphore(%arg14 : memref<!tpu.dma_semaphore, #tpu.memory_space<semaphore_mem>>) src(%dma_wait3A_436 : memref<32x128xf32, #tpu.memory_space<hbm>>) dst(%dma_wait3A_433 : memref<32x128xf32, #tpu.memory_space<vmem>>)
      %dma_wait3A_437 = arith.constant 0 : i32
      %dma_wait3A_438 = arith.constant 2 : i32
      %dma_wait3A_439 = arith.constant 0 : i32
      %dma_wait3A_440 = arith.constant 0 : i32
      %dma_wait3A_441 = tpu.memref_slice %arg10[%dma_wait3A_437, %dma_wait3A_438, %dma_wait3A_439, %dma_wait3A_440] : memref<2x4x32x128xf32, #tpu.memory_space<vmem>> -> memref<1x1x32x128xf32, #tpu.memory_space<vmem>>
      %dma_wait3A_442 = tpu.memref_squeeze %dma_wait3A_441 : memref<1x1x32x128xf32, #tpu.memory_space<vmem>> -> memref<32x128xf32, #tpu.memory_space<vmem>>
      %dma_wait3A_443 = arith.constant 0 : i32
      %dma_wait3A_444 = arith.constant 0 : i32
      %dma_wait3A_445 = tpu.memref_slice %arg5[%dma_wait3A_443, %dma_wait3A_444] : memref<32x1000000xf32, #tpu.memory_space<hbm>> -> memref<32x128xf32, #tpu.memory_space<hbm>>
      %dma_wait3A_446 = arith.constant 0 : i32
      %dma_wait3A_447 = arith.constant 0 : i32
      %dma_wait3A_448 = tpu.memref_slice %arg10[%dma_wait3A_437, %dma_wait3A_438, %dma_wait3A_446, %dma_wait3A_447] : memref<2x4x32x128xf32, #tpu.memory_space<vmem>> -> memref<1x1x32x128xf32, #tpu.memory_space<vmem>>
      %dma_wait3A_449 = tpu.memref_squeeze %dma_wait3A_448 : memref<1x1x32x128xf32, #tpu.memory_space<vmem>> -> memref<32x128xf32, #tpu.memory_space<vmem>>
      %dma_wait3A_450 = arith.constant 0 : i32
      %dma_wait3A_451 = arith.constant 0 : i32
      %dma_wait3A_452 = tpu.memref_slice %arg5[%dma_wait3A_450, %dma_wait3A_451] : memref<32x1000000xf32, #tpu.memory_space<hbm>> -> memref<32x128xf32, #tpu.memory_space<hbm>>
      tpu.wait_dma2 semaphore(%arg14 : memref<!tpu.dma_semaphore, #tpu.memory_space<semaphore_mem>>) src(%dma_wait3A_452 : memref<32x128xf32, #tpu.memory_space<hbm>>) dst(%dma_wait3A_449 : memref<32x128xf32, #tpu.memory_space<vmem>>)
      %dma_wait3A_453 = arith.constant 0 : i32
      %dma_wait3A_454 = arith.constant 3 : i32
      %dma_wait3A_455 = arith.constant 0 : i32
      %dma_wait3A_456 = arith.constant 0 : i32
      %dma_wait3A_457 = tpu.memref_slice %arg9[%dma_wait3A_453, %dma_wait3A_454, %dma_wait3A_455, %dma_wait3A_456] : memref<2x4x32x128xf32, #tpu.memory_space<vmem>> -> memref<1x1x32x128xf32, #tpu.memory_space<vmem>>
      %dma_wait3A_458 = tpu.memref_squeeze %dma_wait3A_457 : memref<1x1x32x128xf32, #tpu.memory_space<vmem>> -> memref<32x128xf32, #tpu.memory_space<vmem>>
      %dma_wait3A_459 = arith.constant 0 : i32
      %dma_wait3A_460 = arith.constant 0 : i32
      %dma_wait3A_461 = tpu.memref_slice %arg4[%dma_wait3A_459, %dma_wait3A_460] : memref<32x1000000xf32, #tpu.memory_space<hbm>> -> memref<32x128xf32, #tpu.memory_space<hbm>>
      %dma_wait3A_462 = arith.constant 0 : i32
      %dma_wait3A_463 = arith.constant 0 : i32
      %dma_wait3A_464 = tpu.memref_slice %arg9[%dma_wait3A_453, %dma_wait3A_454, %dma_wait3A_462, %dma_wait3A_463] : memref<2x4x32x128xf32, #tpu.memory_space<vmem>> -> memref<1x1x32x128xf32, #tpu.memory_space<vmem>>
      %dma_wait3A_465 = tpu.memref_squeeze %dma_wait3A_464 : memref<1x1x32x128xf32, #tpu.memory_space<vmem>> -> memref<32x128xf32, #tpu.memory_space<vmem>>
      %dma_wait3A_466 = arith.constant 0 : i32
      %dma_wait3A_467 = arith.constant 0 : i32
      %dma_wait3A_468 = tpu.memref_slice %arg4[%dma_wait3A_466, %dma_wait3A_467] : memref<32x1000000xf32, #tpu.memory_space<hbm>> -> memref<32x128xf32, #tpu.memory_space<hbm>>
      tpu.wait_dma2 semaphore(%arg14 : memref<!tpu.dma_semaphore, #tpu.memory_space<semaphore_mem>>) src(%dma_wait3A_468 : memref<32x128xf32, #tpu.memory_space<hbm>>) dst(%dma_wait3A_465 : memref<32x128xf32, #tpu.memory_space<vmem>>)
      %dma_wait3A_469 = arith.constant 0 : i32
      %dma_wait3A_470 = arith.constant 3 : i32
      %dma_wait3A_471 = arith.constant 0 : i32
      %dma_wait3A_472 = arith.constant 0 : i32
      %dma_wait3A_473 = tpu.memref_slice %arg10[%dma_wait3A_469, %dma_wait3A_470, %dma_wait3A_471, %dma_wait3A_472] : memref<2x4x32x128xf32, #tpu.memory_space<vmem>> -> memref<1x1x32x128xf32, #tpu.memory_space<vmem>>
      %dma_wait3A_474 = tpu.memref_squeeze %dma_wait3A_473 : memref<1x1x32x128xf32, #tpu.memory_space<vmem>> -> memref<32x128xf32, #tpu.memory_space<vmem>>
      %dma_wait3A_475 = arith.constant 0 : i32
      %dma_wait3A_476 = arith.constant 0 : i32
      %dma_wait3A_477 = tpu.memref_slice %arg5[%dma_wait3A_475, %dma_wait3A_476] : memref<32x1000000xf32, #tpu.memory_space<hbm>> -> memref<32x128xf32, #tpu.memory_space<hbm>>
      %dma_wait3A_478 = arith.constant 0 : i32
      %dma_wait3A_479 = arith.constant 0 : i32
      %dma_wait3A_480 = tpu.memref_slice %arg10[%dma_wait3A_469, %dma_wait3A_470, %dma_wait3A_478, %dma_wait3A_479] : memref<2x4x32x128xf32, #tpu.memory_space<vmem>> -> memref<1x1x32x128xf32, #tpu.memory_space<vmem>>
      %dma_wait3A_481 = tpu.memref_squeeze %dma_wait3A_480 : memref<1x1x32x128xf32, #tpu.memory_space<vmem>> -> memref<32x128xf32, #tpu.memory_space<vmem>>
      %dma_wait3A_482 = arith.constant 0 : i32
      %dma_wait3A_483 = arith.constant 0 : i32
      %dma_wait3A_484 = tpu.memref_slice %arg5[%dma_wait3A_482, %dma_wait3A_483] : memref<32x1000000xf32, #tpu.memory_space<hbm>> -> memref<32x128xf32, #tpu.memory_space<hbm>>
      tpu.wait_dma2 semaphore(%arg14 : memref<!tpu.dma_semaphore, #tpu.memory_space<semaphore_mem>>) src(%dma_wait3A_484 : memref<32x128xf32, #tpu.memory_space<hbm>>) dst(%dma_wait3A_481 : memref<32x128xf32, #tpu.memory_space<vmem>>)
      %slice3A_485 = vector.extract_strided_slice %get3A_353 {offsets = [0], sizes = [1], strides = [1]} : vector<16xi32> to vector<1xi32>
      %squeeze3A_486 = vector.extract %slice3A_485[0] : i32 from vector<1xi32>
      %slice3A_487 = vector.extract_strided_slice %get3A_353 {offsets = [1], sizes = [1], strides = [1]} : vector<16xi32> to vector<1xi32>
      %squeeze3A_488 = vector.extract %slice3A_487[0] : i32 from vector<1xi32>
      %slice3A_489 = vector.extract_strided_slice %get3A_353 {offsets = [2], sizes = [1], strides = [1]} : vector<16xi32> to vector<1xi32>
      %squeeze3A_490 = vector.extract %slice3A_489[0] : i32 from vector<1xi32>
      %slice3A_491 = vector.extract_strided_slice %get3A_353 {offsets = [3], sizes = [1], strides = [1]} : vector<16xi32> to vector<1xi32>
      %squeeze3A_492 = vector.extract %slice3A_491[0] : i32 from vector<1xi32>
      %slice3A_493 = vector.extract_strided_slice %get3A_357 {offsets = [0], sizes = [1], strides = [1]} : vector<16xi32> to vector<1xi32>
      %squeeze3A_494 = vector.extract %slice3A_493[0] : i32 from vector<1xi32>
      %slice3A_495 = vector.extract_strided_slice %get3A_357 {offsets = [1], sizes = [1], strides = [1]} : vector<16xi32> to vector<1xi32>
      %squeeze3A_496 = vector.extract %slice3A_495[0] : i32 from vector<1xi32>
      %slice3A_497 = vector.extract_strided_slice %get3A_357 {offsets = [2], sizes = [1], strides = [1]} : vector<16xi32> to vector<1xi32>
      %squeeze3A_498 = vector.extract %slice3A_497[0] : i32 from vector<1xi32>
      %slice3A_499 = vector.extract_strided_slice %get3A_357 {offsets = [3], sizes = [1], strides = [1]} : vector<16xi32> to vector<1xi32>
      %squeeze3A_500 = vector.extract %slice3A_499[0] : i32 from vector<1xi32>
      %mul3A_501 = arith.constant 4 : i32
      %mul3A_502 = arith.muli %add3A_349, %mul3A_501 : i32
      %add3A_503 = arith.constant 0 : i32
      %add3A_504 = arith.addi %mul3A_502, %add3A_503 : i32
      %and3A = arith.constant 127 : i32
      %and3A_505 = arith.andi %squeeze3A_486, %and3A : i32
      %broadcast_in_dim3A = vector.broadcast %and3A_505 : i32 to vector<16xi32>
      %and3A_506 = arith.constant 127 : i32
      %and3A_507 = arith.andi %squeeze3A_494, %and3A_506 : i32
      %broadcast_in_dim3A_508 = vector.broadcast %and3A_507 : i32 to vector<16xi32>
      %broadcast_in_dim3A_509 = arith.constant 0 : i32
      %broadcast_in_dim3A_510 = vector.broadcast %broadcast_in_dim3A_509 : i32 to vector<16xi32>
      %broadcast_in_dim3A_511 = arith.constant 0 : i32
      %broadcast_in_dim3A_512 = vector.broadcast %broadcast_in_dim3A_511 : i32 to vector<16xi32>
      %add3A_513 = arith.constant 0 : i32
      %add3A_514 = vector.broadcast %add3A_513 : i32 to vector<16xi32>
      %add3A_515 = arith.addi %iota3A, %add3A_514 : vector<16xi32>
      %gather3A = tpu.vector_load_idx %arg9[%broadcast_in_dim3A_510, %broadcast_in_dim3A_512, %add3A_515, %broadcast_in_dim3A] : memref<2x4x32x128xf32, #tpu.memory_space<vmem>>[vector<16xi32>, vector<16xi32>, vector<16xi32>, vector<16xi32>], vector<16xf32>,
      %gather3A_516 = tpu.vector_load_idx %arg10[%broadcast_in_dim3A_510, %broadcast_in_dim3A_512, %add3A_515, %broadcast_in_dim3A_508] : memref<2x4x32x128xf32, #tpu.memory_space<vmem>>[vector<16xi32>, vector<16xi32>, vector<16xi32>, vector<16xi32>], vector<16xf32>,
      %mul3A_517 = arith.constant 32 : i32
      %mul3A_518 = arith.muli %add3A_504, %mul3A_517 : i32
      %add3A_519 = arith.constant 0 : i32
      %add3A_520 = arith.addi %mul3A_518, %add3A_519 : i32
      %swap3A = arith.index_cast %add3A_520 : i32 to index
      %swap3A_521 = tpu.vector_load %arg11[%swap3A] {strides = array<i32>} : memref<16384xf32, #tpu.memory_space<vmem>>, vector<16xf32>,
      tpu.vector_store %arg11[%swap3A], %gather3A {strides = array<i32>} : memref<16384xf32, #tpu.memory_space<vmem>>, vector<16xf32>,
      %mul3A_522 = arith.constant 32 : i32
      %mul3A_523 = arith.muli %add3A_504, %mul3A_522 : i32
      %add3A_524 = arith.constant 0 : i32
      %add3A_525 = arith.addi %mul3A_523, %add3A_524 : i32
      %swap3A_526 = arith.index_cast %add3A_525 : i32 to index
      %swap3A_527 = tpu.vector_load %arg12[%swap3A_526] {strides = array<i32>} : memref<16384xf32, #tpu.memory_space<vmem>>, vector<16xf32>,
      tpu.vector_store %arg12[%swap3A_526], %gather3A_516 {strides = array<i32>} : memref<16384xf32, #tpu.memory_space<vmem>>, vector<16xf32>,
      %add3A_528 = arith.constant 16 : i32
      %add3A_529 = vector.broadcast %add3A_528 : i32 to vector<16xi32>
      %add3A_530 = arith.addi %iota3A, %add3A_529 : vector<16xi32>
      %gather3A_531 = tpu.vector_load_idx %arg9[%broadcast_in_dim3A_510, %broadcast_in_dim3A_512, %add3A_530, %broadcast_in_dim3A] : memref<2x4x32x128xf32, #tpu.memory_space<vmem>>[vector<16xi32>, vector<16xi32>, vector<16xi32>, vector<16xi32>], vector<16xf32>,
      %gather3A_532 = tpu.vector_load_idx %arg10[%broadcast_in_dim3A_510, %broadcast_in_dim3A_512, %add3A_530, %broadcast_in_dim3A_508] : memref<2x4x32x128xf32, #tpu.memory_space<vmem>>[vector<16xi32>, vector<16xi32>, vector<16xi32>, vector<16xi32>], vector<16xf32>,
      %mul3A_533 = arith.constant 32 : i32
      %mul3A_534 = arith.muli %add3A_504, %mul3A_533 : i32
      %add3A_535 = arith.constant 16 : i32
      %add3A_536 = arith.addi %mul3A_534, %add3A_535 : i32
      %swap3A_537 = arith.index_cast %add3A_536 : i32 to index
      %swap3A_538 = tpu.vector_load %arg11[%swap3A_537] {strides = array<i32>} : memref<16384xf32, #tpu.memory_space<vmem>>, vector<16xf32>,
      tpu.vector_store %arg11[%swap3A_537], %gather3A_531 {strides = array<i32>} : memref<16384xf32, #tpu.memory_space<vmem>>, vector<16xf32>,
      %mul3A_539 = arith.constant 32 : i32
      %mul3A_540 = arith.muli %add3A_504, %mul3A_539 : i32
      %add3A_541 = arith.constant 16 : i32
      %add3A_542 = arith.addi %mul3A_540, %add3A_541 : i32
      %swap3A_543 = arith.index_cast %add3A_542 : i32 to index
      %swap3A_544 = tpu.vector_load %arg12[%swap3A_543] {strides = array<i32>} : memref<16384xf32, #tpu.memory_space<vmem>>, vector<16xf32>,
      tpu.vector_store %arg12[%swap3A_543], %gather3A_532 {strides = array<i32>} : memref<16384xf32, #tpu.memory_space<vmem>>, vector<16xf32>,
      %mul3A_545 = arith.constant 4 : i32
      %mul3A_546 = arith.muli %add3A_349, %mul3A_545 : i32
      %add3A_547 = arith.constant 1 : i32
      %add3A_548 = arith.addi %mul3A_546, %add3A_547 : i32
      %and3A_549 = arith.constant 127 : i32
      %and3A_550 = arith.andi %squeeze3A_488, %and3A_549 : i32
      %broadcast_in_dim3A_551 = vector.broadcast %and3A_550 : i32 to vector<16xi32>
      %and3A_552 = arith.constant 127 : i32
      %and3A_553 = arith.andi %squeeze3A_496, %and3A_552 : i32
      %broadcast_in_dim3A_554 = vector.broadcast %and3A_553 : i32 to vector<16xi32>
      %broadcast_in_dim3A_555 = arith.constant 0 : i32
      %broadcast_in_dim3A_556 = vector.broadcast %broadcast_in_dim3A_555 : i32 to vector<16xi32>
      %broadcast_in_dim3A_557 = arith.constant 1 : i32
      %broadcast_in_dim3A_558 = vector.broadcast %broadcast_in_dim3A_557 : i32 to vector<16xi32>
      %add3A_559 = arith.constant 0 : i32
      %add3A_560 = vector.broadcast %add3A_559 : i32 to vector<16xi32>
      %add3A_561 = arith.addi %iota3A, %add3A_560 : vector<16xi32>
      %gather3A_562 = tpu.vector_load_idx %arg9[%broadcast_in_dim3A_556, %broadcast_in_dim3A_558, %add3A_561, %broadcast_in_dim3A_551] : memref<2x4x32x128xf32, #tpu.memory_space<vmem>>[vector<16xi32>, vector<16xi32>, vector<16xi32>, vector<16xi32>], vector<16xf32>,
      %gather3A_563 = tpu.vector_load_idx %arg10[%broadcast_in_dim3A_556, %broadcast_in_dim3A_558, %add3A_561, %broadcast_in_dim3A_554] : memref<2x4x32x128xf32, #tpu.memory_space<vmem>>[vector<16xi32>, vector<16xi32>, vector<16xi32>, vector<16xi32>], vector<16xf32>,
      %mul3A_564 = arith.constant 32 : i32
      %mul3A_565 = arith.muli %add3A_548, %mul3A_564 : i32
      %add3A_566 = arith.constant 0 : i32
      %add3A_567 = arith.addi %mul3A_565, %add3A_566 : i32
      %swap3A_568 = arith.index_cast %add3A_567 : i32 to index
      %swap3A_569 = tpu.vector_load %arg11[%swap3A_568] {strides = array<i32>} : memref<16384xf32, #tpu.memory_space<vmem>>, vector<16xf32>,
      tpu.vector_store %arg11[%swap3A_568], %gather3A_562 {strides = array<i32>} : memref<16384xf32, #tpu.memory_space<vmem>>, vector<16xf32>,
      %mul3A_570 = arith.constant 32 : i32
      %mul3A_571 = arith.muli %add3A_548, %mul3A_570 : i32
      %add3A_572 = arith.constant 0 : i32
      %add3A_573 = arith.addi %mul3A_571, %add3A_572 : i32
      %swap3A_574 = arith.index_cast %add3A_573 : i32 to index
      %swap3A_575 = tpu.vector_load %arg12[%swap3A_574] {strides = array<i32>} : memref<16384xf32, #tpu.memory_space<vmem>>, vector<16xf32>,
      tpu.vector_store %arg12[%swap3A_574], %gather3A_563 {strides = array<i32>} : memref<16384xf32, #tpu.memory_space<vmem>>, vector<16xf32>,
      %add3A_576 = arith.constant 16 : i32
      %add3A_577 = vector.broadcast %add3A_576 : i32 to vector<16xi32>
      %add3A_578 = arith.addi %iota3A, %add3A_577 : vector<16xi32>
      %gather3A_579 = tpu.vector_load_idx %arg9[%broadcast_in_dim3A_556, %broadcast_in_dim3A_558, %add3A_578, %broadcast_in_dim3A_551] : memref<2x4x32x128xf32, #tpu.memory_space<vmem>>[vector<16xi32>, vector<16xi32>, vector<16xi32>, vector<16xi32>], vector<16xf32>,
      %gather3A_580 = tpu.vector_load_idx %arg10[%broadcast_in_dim3A_556, %broadcast_in_dim3A_558, %add3A_578, %broadcast_in_dim3A_554] : memref<2x4x32x128xf32, #tpu.memory_space<vmem>>[vector<16xi32>, vector<16xi32>, vector<16xi32>, vector<16xi32>], vector<16xf32>,
      %mul3A_581 = arith.constant 32 : i32
      %mul3A_582 = arith.muli %add3A_548, %mul3A_581 : i32
      %add3A_583 = arith.constant 16 : i32
      %add3A_584 = arith.addi %mul3A_582, %add3A_583 : i32
      %swap3A_585 = arith.index_cast %add3A_584 : i32 to index
      %swap3A_586 = tpu.vector_load %arg11[%swap3A_585] {strides = array<i32>} : memref<16384xf32, #tpu.memory_space<vmem>>, vector<16xf32>,
      tpu.vector_store %arg11[%swap3A_585], %gather3A_579 {strides = array<i32>} : memref<16384xf32, #tpu.memory_space<vmem>>, vector<16xf32>,
      %mul3A_587 = arith.constant 32 : i32
      %mul3A_588 = arith.muli %add3A_548, %mul3A_587 : i32
      %add3A_589 = arith.constant 16 : i32
      %add3A_590 = arith.addi %mul3A_588, %add3A_589 : i32
      %swap3A_591 = arith.index_cast %add3A_590 : i32 to index
      %swap3A_592 = tpu.vector_load %arg12[%swap3A_591] {strides = array<i32>} : memref<16384xf32, #tpu.memory_space<vmem>>, vector<16xf32>,
      tpu.vector_store %arg12[%swap3A_591], %gather3A_580 {strides = array<i32>} : memref<16384xf32, #tpu.memory_space<vmem>>, vector<16xf32>,
      %mul3A_593 = arith.constant 4 : i32
      %mul3A_594 = arith.muli %add3A_349, %mul3A_593 : i32
      %add3A_595 = arith.constant 2 : i32
      %add3A_596 = arith.addi %mul3A_594, %add3A_595 : i32
      %and3A_597 = arith.constant 127 : i32
      %and3A_598 = arith.andi %squeeze3A_490, %and3A_597 : i32
      %broadcast_in_dim3A_599 = vector.broadcast %and3A_598 : i32 to vector<16xi32>
      %and3A_600 = arith.constant 127 : i32
      %and3A_601 = arith.andi %squeeze3A_498, %and3A_600 : i32
      %broadcast_in_dim3A_602 = vector.broadcast %and3A_601 : i32 to vector<16xi32>
      %broadcast_in_dim3A_603 = arith.constant 0 : i32
      %broadcast_in_dim3A_604 = vector.broadcast %broadcast_in_dim3A_603 : i32 to vector<16xi32>
      %broadcast_in_dim3A_605 = arith.constant 2 : i32
      %broadcast_in_dim3A_606 = vector.broadcast %broadcast_in_dim3A_605 : i32 to vector<16xi32>
      %add3A_607 = arith.constant 0 : i32
      %add3A_608 = vector.broadcast %add3A_607 : i32 to vector<16xi32>
      %add3A_609 = arith.addi %iota3A, %add3A_608 : vector<16xi32>
      %gather3A_610 = tpu.vector_load_idx %arg9[%broadcast_in_dim3A_604, %broadcast_in_dim3A_606, %add3A_609, %broadcast_in_dim3A_599] : memref<2x4x32x128xf32, #tpu.memory_space<vmem>>[vector<16xi32>, vector<16xi32>, vector<16xi32>, vector<16xi32>], vector<16xf32>,
      %gather3A_611 = tpu.vector_load_idx %arg10[%broadcast_in_dim3A_604, %broadcast_in_dim3A_606, %add3A_609, %broadcast_in_dim3A_602] : memref<2x4x32x128xf32, #tpu.memory_space<vmem>>[vector<16xi32>, vector<16xi32>, vector<16xi32>, vector<16xi32>], vector<16xf32>,
      %mul3A_612 = arith.constant 32 : i32
      %mul3A_613 = arith.muli %add3A_596, %mul3A_612 : i32
      %add3A_614 = arith.constant 0 : i32
      %add3A_615 = arith.addi %mul3A_613, %add3A_614 : i32
      %swap3A_616 = arith.index_cast %add3A_615 : i32 to index
      %swap3A_617 = tpu.vector_load %arg11[%swap3A_616] {strides = array<i32>} : memref<16384xf32, #tpu.memory_space<vmem>>, vector<16xf32>,
      tpu.vector_store %arg11[%swap3A_616], %gather3A_610 {strides = array<i32>} : memref<16384xf32, #tpu.memory_space<vmem>>, vector<16xf32>,
      %mul3A_618 = arith.constant 32 : i32
      %mul3A_619 = arith.muli %add3A_596, %mul3A_618 : i32
      %add3A_620 = arith.constant 0 : i32
      %add3A_621 = arith.addi %mul3A_619, %add3A_620 : i32
      %swap3A_622 = arith.index_cast %add3A_621 : i32 to index
      %swap3A_623 = tpu.vector_load %arg12[%swap3A_622] {strides = array<i32>} : memref<16384xf32, #tpu.memory_space<vmem>>, vector<16xf32>,
      tpu.vector_store %arg12[%swap3A_622], %gather3A_611 {strides = array<i32>} : memref<16384xf32, #tpu.memory_space<vmem>>, vector<16xf32>,
      %add3A_624 = arith.constant 16 : i32
      %add3A_625 = vector.broadcast %add3A_624 : i32 to vector<16xi32>
      %add3A_626 = arith.addi %iota3A, %add3A_625 : vector<16xi32>
      %gather3A_627 = tpu.vector_load_idx %arg9[%broadcast_in_dim3A_604, %broadcast_in_dim3A_606, %add3A_626, %broadcast_in_dim3A_599] : memref<2x4x32x128xf32, #tpu.memory_space<vmem>>[vector<16xi32>, vector<16xi32>, vector<16xi32>, vector<16xi32>], vector<16xf32>,
      %gather3A_628 = tpu.vector_load_idx %arg10[%broadcast_in_dim3A_604, %broadcast_in_dim3A_606, %add3A_626, %broadcast_in_dim3A_602] : memref<2x4x32x128xf32, #tpu.memory_space<vmem>>[vector<16xi32>, vector<16xi32>, vector<16xi32>, vector<16xi32>], vector<16xf32>,
      %mul3A_629 = arith.constant 32 : i32
      %mul3A_630 = arith.muli %add3A_596, %mul3A_629 : i32
      %add3A_631 = arith.constant 16 : i32
      %add3A_632 = arith.addi %mul3A_630, %add3A_631 : i32
      %swap3A_633 = arith.index_cast %add3A_632 : i32 to index
      %swap3A_634 = tpu.vector_load %arg11[%swap3A_633] {strides = array<i32>} : memref<16384xf32, #tpu.memory_space<vmem>>, vector<16xf32>,
      tpu.vector_store %arg11[%swap3A_633], %gather3A_627 {strides = array<i32>} : memref<16384xf32, #tpu.memory_space<vmem>>, vector<16xf32>,
      %mul3A_635 = arith.constant 32 : i32
      %mul3A_636 = arith.muli %add3A_596, %mul3A_635 : i32
      %add3A_637 = arith.constant 16 : i32
      %add3A_638 = arith.addi %mul3A_636, %add3A_637 : i32
      %swap3A_639 = arith.index_cast %add3A_638 : i32 to index
      %swap3A_640 = tpu.vector_load %arg12[%swap3A_639] {strides = array<i32>} : memref<16384xf32, #tpu.memory_space<vmem>>, vector<16xf32>,
      tpu.vector_store %arg12[%swap3A_639], %gather3A_628 {strides = array<i32>} : memref<16384xf32, #tpu.memory_space<vmem>>, vector<16xf32>,
      %mul3A_641 = arith.constant 4 : i32
      %mul3A_642 = arith.muli %add3A_349, %mul3A_641 : i32
      %add3A_643 = arith.constant 3 : i32
      %add3A_644 = arith.addi %mul3A_642, %add3A_643 : i32
      %and3A_645 = arith.constant 127 : i32
      %and3A_646 = arith.andi %squeeze3A_492, %and3A_645 : i32
      %broadcast_in_dim3A_647 = vector.broadcast %and3A_646 : i32 to vector<16xi32>
      %and3A_648 = arith.constant 127 : i32
      %and3A_649 = arith.andi %squeeze3A_500, %and3A_648 : i32
      %broadcast_in_dim3A_650 = vector.broadcast %and3A_649 : i32 to vector<16xi32>
      %broadcast_in_dim3A_651 = arith.constant 0 : i32
      %broadcast_in_dim3A_652 = vector.broadcast %broadcast_in_dim3A_651 : i32 to vector<16xi32>
      %broadcast_in_dim3A_653 = arith.constant 3 : i32
      %broadcast_in_dim3A_654 = vector.broadcast %broadcast_in_dim3A_653 : i32 to vector<16xi32>
      %add3A_655 = arith.constant 0 : i32
      %add3A_656 = vector.broadcast %add3A_655 : i32 to vector<16xi32>
      %add3A_657 = arith.addi %iota3A, %add3A_656 : vector<16xi32>
      %gather3A_658 = tpu.vector_load_idx %arg9[%broadcast_in_dim3A_652, %broadcast_in_dim3A_654, %add3A_657, %broadcast_in_dim3A_647] : memref<2x4x32x128xf32, #tpu.memory_space<vmem>>[vector<16xi32>, vector<16xi32>, vector<16xi32>, vector<16xi32>], vector<16xf32>,
      %gather3A_659 = tpu.vector_load_idx %arg10[%broadcast_in_dim3A_652, %broadcast_in_dim3A_654, %add3A_657, %broadcast_in_dim3A_650] : memref<2x4x32x128xf32, #tpu.memory_space<vmem>>[vector<16xi32>, vector<16xi32>, vector<16xi32>, vector<16xi32>], vector<16xf32>,
      %mul3A_660 = arith.constant 32 : i32
      %mul3A_661 = arith.muli %add3A_644, %mul3A_660 : i32
      %add3A_662 = arith.constant 0 : i32
      %add3A_663 = arith.addi %mul3A_661, %add3A_662 : i32
      %swap3A_664 = arith.index_cast %add3A_663 : i32 to index
      %swap3A_665 = tpu.vector_load %arg11[%swap3A_664] {strides = array<i32>} : memref<16384xf32, #tpu.memory_space<vmem>>, vector<16xf32>,
      tpu.vector_store %arg11[%swap3A_664], %gather3A_658 {strides = array<i32>} : memref<16384xf32, #tpu.memory_space<vmem>>, vector<16xf32>,
      %mul3A_666 = arith.constant 32 : i32
      %mul3A_667 = arith.muli %add3A_644, %mul3A_666 : i32
      %add3A_668 = arith.constant 0 : i32
      %add3A_669 = arith.addi %mul3A_667, %add3A_668 : i32
      %swap3A_670 = arith.index_cast %add3A_669 : i32 to index
      %swap3A_671 = tpu.vector_load %arg12[%swap3A_670] {strides = array<i32>} : memref<16384xf32, #tpu.memory_space<vmem>>, vector<16xf32>,
      tpu.vector_store %arg12[%swap3A_670], %gather3A_659 {strides = array<i32>} : memref<16384xf32, #tpu.memory_space<vmem>>, vector<16xf32>,
      %add3A_672 = arith.constant 16 : i32
      %add3A_673 = vector.broadcast %add3A_672 : i32 to vector<16xi32>
      %add3A_674 = arith.addi %iota3A, %add3A_673 : vector<16xi32>
      %gather3A_675 = tpu.vector_load_idx %arg9[%broadcast_in_dim3A_652, %broadcast_in_dim3A_654, %add3A_674, %broadcast_in_dim3A_647] : memref<2x4x32x128xf32, #tpu.memory_space<vmem>>[vector<16xi32>, vector<16xi32>, vector<16xi32>, vector<16xi32>], vector<16xf32>,
      %gather3A_676 = tpu.vector_load_idx %arg10[%broadcast_in_dim3A_652, %broadcast_in_dim3A_654, %add3A_674, %broadcast_in_dim3A_650] : memref<2x4x32x128xf32, #tpu.memory_space<vmem>>[vector<16xi32>, vector<16xi32>, vector<16xi32>, vector<16xi32>], vector<16xf32>,
      %mul3A_677 = arith.constant 32 : i32
      %mul3A_678 = arith.muli %add3A_644, %mul3A_677 : i32
      %add3A_679 = arith.constant 16 : i32
      %add3A_680 = arith.addi %mul3A_678, %add3A_679 : i32
      %swap3A_681 = arith.index_cast %add3A_680 : i32 to index
      %swap3A_682 = tpu.vector_load %arg11[%swap3A_681] {strides = array<i32>} : memref<16384xf32, #tpu.memory_space<vmem>>, vector<16xf32>,
      tpu.vector_store %arg11[%swap3A_681], %gather3A_675 {strides = array<i32>} : memref<16384xf32, #tpu.memory_space<vmem>>, vector<16xf32>,
      %mul3A_683 = arith.constant 32 : i32
      %mul3A_684 = arith.muli %add3A_644, %mul3A_683 : i32
      %add3A_685 = arith.constant 16 : i32
      %add3A_686 = arith.addi %mul3A_684, %add3A_685 : i32
      %swap3A_687 = arith.index_cast %add3A_686 : i32 to index
      %swap3A_688 = tpu.vector_load %arg12[%swap3A_687] {strides = array<i32>} : memref<16384xf32, #tpu.memory_space<vmem>>, vector<16xf32>,
      tpu.vector_store %arg12[%swap3A_687], %gather3A_676 {strides = array<i32>} : memref<16384xf32, #tpu.memory_space<vmem>>, vector<16xf32>,
      %add3A_689 = arith.constant 2 : i32
      %add3A_690 = arith.addi %add3A_349, %add3A_689 : i32
      %lt3A = arith.constant 128 : i32
      %lt3A_691 = arith.cmpi slt, %add3A_690, %lt3A : i32
      %convert_element_type3A = arith.extui %lt3A_691 : i1 to i32
      %cond3A = arith.constant 0 : i32
      %cond3A_692 = arith.cmpi ne, %convert_element_type3A, %cond3A : i32
      scf.if %cond3A_692 {
        %slice3A_1038 = vector.extract_strided_slice %get3A_353 {offsets = [8], sizes = [1], strides = [1]} : vector<16xi32> to vector<1xi32>
        %squeeze3A_1039 = vector.extract %slice3A_1038[0] : i32 from vector<1xi32>
        %slice3A_1040 = vector.extract_strided_slice %get3A_353 {offsets = [9], sizes = [1], strides = [1]} : vector<16xi32> to vector<1xi32>
        %squeeze3A_1041 = vector.extract %slice3A_1040[0] : i32 from vector<1xi32>
        %slice3A_1042 = vector.extract_strided_slice %get3A_353 {offsets = [10], sizes = [1], strides = [1]} : vector<16xi32> to vector<1xi32>
        %squeeze3A_1043 = vector.extract %slice3A_1042[0] : i32 from vector<1xi32>
        %slice3A_1044 = vector.extract_strided_slice %get3A_353 {offsets = [11], sizes = [1], strides = [1]} : vector<16xi32> to vector<1xi32>
        %squeeze3A_1045 = vector.extract %slice3A_1044[0] : i32 from vector<1xi32>
        %slice3A_1046 = vector.extract_strided_slice %get3A_357 {offsets = [8], sizes = [1], strides = [1]} : vector<16xi32> to vector<1xi32>
        %squeeze3A_1047 = vector.extract %slice3A_1046[0] : i32 from vector<1xi32>
        %slice3A_1048 = vector.extract_strided_slice %get3A_357 {offsets = [9], sizes = [1], strides = [1]} : vector<16xi32> to vector<1xi32>
        %squeeze3A_1049 = vector.extract %slice3A_1048[0] : i32 from vector<1xi32>
        %slice3A_1050 = vector.extract_strided_slice %get3A_357 {offsets = [10], sizes = [1], strides = [1]} : vector<16xi32> to vector<1xi32>
        %squeeze3A_1051 = vector.extract %slice3A_1050[0] : i32 from vector<1xi32>
        %slice3A_1052 = vector.extract_strided_slice %get3A_357 {offsets = [11], sizes = [1], strides = [1]} : vector<16xi32> to vector<1xi32>
        %squeeze3A_1053 = vector.extract %slice3A_1052[0] : i32 from vector<1xi32>
        %shift_right_arithmetic3A_1054 = arith.constant 7 : i32
        %shift_right_arithmetic3A_1055 = arith.shrsi %squeeze3A_1039, %shift_right_arithmetic3A_1054 : i32
        %shift_left3A_1056 = arith.constant 7 : i32
        %shift_left3A_1057 = arith.shli %shift_right_arithmetic3A_1055, %shift_left3A_1056 : i32
        %multiple_of3A_1058 = tpu.assume_multiple %shift_left3A_1057, 128 : i32
        %shift_right_arithmetic3A_1059 = arith.constant 7 : i32
        %shift_right_arithmetic3A_1060 = arith.shrsi %squeeze3A_1047, %shift_right_arithmetic3A_1059 : i32
        %shift_left3A_1061 = arith.constant 7 : i32
        %shift_left3A_1062 = arith.shli %shift_right_arithmetic3A_1060, %shift_left3A_1061 : i32
        %multiple_of3A_1063 = tpu.assume_multiple %shift_left3A_1062, 128 : i32
        %dma_start3A_1064 = arith.constant 0 : i32
        %dma_start3A_1065 = arith.constant 0 : i32
        %dma_start3A_1066 = arith.constant 0 : i32
        %dma_start3A_1067 = arith.constant 0 : i32
        %dma_start3A_1068 = tpu.memref_slice %arg9[%dma_start3A_1064, %dma_start3A_1065, %dma_start3A_1066, %dma_start3A_1067] : memref<2x4x32x128xf32, #tpu.memory_space<vmem>> -> memref<1x1x32x128xf32, #tpu.memory_space<vmem>>
        %dma_start3A_1069 = tpu.memref_squeeze %dma_start3A_1068 : memref<1x1x32x128xf32, #tpu.memory_space<vmem>> -> memref<32x128xf32, #tpu.memory_space<vmem>>
        %dma_start3A_1070 = arith.constant 0 : i32
        %dma_start3A_1071 = tpu.memref_slice %arg4[%dma_start3A_1070, %multiple_of3A_1058] : memref<32x1000000xf32, #tpu.memory_space<hbm>> -> memref<32x128xf32, #tpu.memory_space<hbm>>
        %dma_start3A_1072 = arith.constant 0 : i32
        %dma_start3A_1073 = arith.constant 0 : i32
        %dma_start3A_1074 = tpu.memref_slice %arg9[%dma_start3A_1064, %dma_start3A_1065, %dma_start3A_1072, %dma_start3A_1073] : memref<2x4x32x128xf32, #tpu.memory_space<vmem>> -> memref<1x1x32x128xf32, #tpu.memory_space<vmem>>
        %dma_start3A_1075 = tpu.memref_squeeze %dma_start3A_1074 : memref<1x1x32x128xf32, #tpu.memory_space<vmem>> -> memref<32x128xf32, #tpu.memory_space<vmem>>
        %dma_start3A_1076 = arith.constant 0 : i32
        %dma_start3A_1077 = tpu.memref_slice %arg4[%dma_start3A_1076, %multiple_of3A_1058] : memref<32x1000000xf32, #tpu.memory_space<hbm>> -> memref<32x128xf32, #tpu.memory_space<hbm>>
        tpu.enqueue_dma source(%dma_start3A_1077 : memref<32x128xf32, #tpu.memory_space<hbm>>) target(%dma_start3A_1075 : memref<32x128xf32, #tpu.memory_space<vmem>>) target_semaphore(%arg14 : memref<!tpu.dma_semaphore, #tpu.memory_space<semaphore_mem>>)
        %dma_start3A_1078 = arith.constant 0 : i32
        %dma_start3A_1079 = arith.constant 0 : i32
        %dma_start3A_1080 = arith.constant 0 : i32
        %dma_start3A_1081 = arith.constant 0 : i32
        %dma_start3A_1082 = tpu.memref_slice %arg10[%dma_start3A_1078, %dma_start3A_1079, %dma_start3A_1080, %dma_start3A_1081] : memref<2x4x32x128xf32, #tpu.memory_space<vmem>> -> memref<1x1x32x128xf32, #tpu.memory_space<vmem>>
        %dma_start3A_1083 = tpu.memref_squeeze %dma_start3A_1082 : memref<1x1x32x128xf32, #tpu.memory_space<vmem>> -> memref<32x128xf32, #tpu.memory_space<vmem>>
        %dma_start3A_1084 = arith.constant 0 : i32
        %dma_start3A_1085 = tpu.memref_slice %arg5[%dma_start3A_1084, %multiple_of3A_1063] : memref<32x1000000xf32, #tpu.memory_space<hbm>> -> memref<32x128xf32, #tpu.memory_space<hbm>>
        %dma_start3A_1086 = arith.constant 0 : i32
        %dma_start3A_1087 = arith.constant 0 : i32
        %dma_start3A_1088 = tpu.memref_slice %arg10[%dma_start3A_1078, %dma_start3A_1079, %dma_start3A_1086, %dma_start3A_1087] : memref<2x4x32x128xf32, #tpu.memory_space<vmem>> -> memref<1x1x32x128xf32, #tpu.memory_space<vmem>>
        %dma_start3A_1089 = tpu.memref_squeeze %dma_start3A_1088 : memref<1x1x32x128xf32, #tpu.memory_space<vmem>> -> memref<32x128xf32, #tpu.memory_space<vmem>>
        %dma_start3A_1090 = arith.constant 0 : i32
        %dma_start3A_1091 = tpu.memref_slice %arg5[%dma_start3A_1090, %multiple_of3A_1063] : memref<32x1000000xf32, #tpu.memory_space<hbm>> -> memref<32x128xf32, #tpu.memory_space<hbm>>
        tpu.enqueue_dma source(%dma_start3A_1091 : memref<32x128xf32, #tpu.memory_space<hbm>>) target(%dma_start3A_1089 : memref<32x128xf32, #tpu.memory_space<vmem>>) target_semaphore(%arg14 : memref<!tpu.dma_semaphore, #tpu.memory_space<semaphore_mem>>)
        %shift_right_arithmetic3A_1092 = arith.constant 7 : i32
        %shift_right_arithmetic3A_1093 = arith.shrsi %squeeze3A_1041, %shift_right_arithmetic3A_1092 : i32
        %shift_left3A_1094 = arith.constant 7 : i32
        %shift_left3A_1095 = arith.shli %shift_right_arithmetic3A_1093, %shift_left3A_1094 : i32
        %multiple_of3A_1096 = tpu.assume_multiple %shift_left3A_1095, 128 : i32
        %shift_right_arithmetic3A_1097 = arith.constant 7 : i32
        %shift_right_arithmetic3A_1098 = arith.shrsi %squeeze3A_1049, %shift_right_arithmetic3A_1097 : i32
        %shift_left3A_1099 = arith.constant 7 : i32
        %shift_left3A_1100 = arith.shli %shift_right_arithmetic3A_1098, %shift_left3A_1099 : i32
        %multiple_of3A_1101 = tpu.assume_multiple %shift_left3A_1100, 128 : i32
        %dma_start3A_1102 = arith.constant 0 : i32
        %dma_start3A_1103 = arith.constant 1 : i32
        %dma_start3A_1104 = arith.constant 0 : i32
        %dma_start3A_1105 = arith.constant 0 : i32
        %dma_start3A_1106 = tpu.memref_slice %arg9[%dma_start3A_1102, %dma_start3A_1103, %dma_start3A_1104, %dma_start3A_1105] : memref<2x4x32x128xf32, #tpu.memory_space<vmem>> -> memref<1x1x32x128xf32, #tpu.memory_space<vmem>>
        %dma_start3A_1107 = tpu.memref_squeeze %dma_start3A_1106 : memref<1x1x32x128xf32, #tpu.memory_space<vmem>> -> memref<32x128xf32, #tpu.memory_space<vmem>>
        %dma_start3A_1108 = arith.constant 0 : i32
        %dma_start3A_1109 = tpu.memref_slice %arg4[%dma_start3A_1108, %multiple_of3A_1096] : memref<32x1000000xf32, #tpu.memory_space<hbm>> -> memref<32x128xf32, #tpu.memory_space<hbm>>
        %dma_start3A_1110 = arith.constant 0 : i32
        %dma_start3A_1111 = arith.constant 0 : i32
        %dma_start3A_1112 = tpu.memref_slice %arg9[%dma_start3A_1102, %dma_start3A_1103, %dma_start3A_1110, %dma_start3A_1111] : memref<2x4x32x128xf32, #tpu.memory_space<vmem>> -> memref<1x1x32x128xf32, #tpu.memory_space<vmem>>
        %dma_start3A_1113 = tpu.memref_squeeze %dma_start3A_1112 : memref<1x1x32x128xf32, #tpu.memory_space<vmem>> -> memref<32x128xf32, #tpu.memory_space<vmem>>
        %dma_start3A_1114 = arith.constant 0 : i32
        %dma_start3A_1115 = tpu.memref_slice %arg4[%dma_start3A_1114, %multiple_of3A_1096] : memref<32x1000000xf32, #tpu.memory_space<hbm>> -> memref<32x128xf32, #tpu.memory_space<hbm>>
        tpu.enqueue_dma source(%dma_start3A_1115 : memref<32x128xf32, #tpu.memory_space<hbm>>) target(%dma_start3A_1113 : memref<32x128xf32, #tpu.memory_space<vmem>>) target_semaphore(%arg14 : memref<!tpu.dma_semaphore, #tpu.memory_space<semaphore_mem>>)
        %dma_start3A_1116 = arith.constant 0 : i32
        %dma_start3A_1117 = arith.constant 1 : i32
        %dma_start3A_1118 = arith.constant 0 : i32
        %dma_start3A_1119 = arith.constant 0 : i32
        %dma_start3A_1120 = tpu.memref_slice %arg10[%dma_start3A_1116, %dma_start3A_1117, %dma_start3A_1118, %dma_start3A_1119] : memref<2x4x32x128xf32, #tpu.memory_space<vmem>> -> memref<1x1x32x128xf32, #tpu.memory_space<vmem>>
        %dma_start3A_1121 = tpu.memref_squeeze %dma_start3A_1120 : memref<1x1x32x128xf32, #tpu.memory_space<vmem>> -> memref<32x128xf32, #tpu.memory_space<vmem>>
        %dma_start3A_1122 = arith.constant 0 : i32
        %dma_start3A_1123 = tpu.memref_slice %arg5[%dma_start3A_1122, %multiple_of3A_1101] : memref<32x1000000xf32, #tpu.memory_space<hbm>> -> memref<32x128xf32, #tpu.memory_space<hbm>>
        %dma_start3A_1124 = arith.constant 0 : i32
        %dma_start3A_1125 = arith.constant 0 : i32
        %dma_start3A_1126 = tpu.memref_slice %arg10[%dma_start3A_1116, %dma_start3A_1117, %dma_start3A_1124, %dma_start3A_1125] : memref<2x4x32x128xf32, #tpu.memory_space<vmem>> -> memref<1x1x32x128xf32, #tpu.memory_space<vmem>>
        %dma_start3A_1127 = tpu.memref_squeeze %dma_start3A_1126 : memref<1x1x32x128xf32, #tpu.memory_space<vmem>> -> memref<32x128xf32, #tpu.memory_space<vmem>>
        %dma_start3A_1128 = arith.constant 0 : i32
        %dma_start3A_1129 = tpu.memref_slice %arg5[%dma_start3A_1128, %multiple_of3A_1101] : memref<32x1000000xf32, #tpu.memory_space<hbm>> -> memref<32x128xf32, #tpu.memory_space<hbm>>
        tpu.enqueue_dma source(%dma_start3A_1129 : memref<32x128xf32, #tpu.memory_space<hbm>>) target(%dma_start3A_1127 : memref<32x128xf32, #tpu.memory_space<vmem>>) target_semaphore(%arg14 : memref<!tpu.dma_semaphore, #tpu.memory_space<semaphore_mem>>)
        %shift_right_arithmetic3A_1130 = arith.constant 7 : i32
        %shift_right_arithmetic3A_1131 = arith.shrsi %squeeze3A_1043, %shift_right_arithmetic3A_1130 : i32
        %shift_left3A_1132 = arith.constant 7 : i32
        %shift_left3A_1133 = arith.shli %shift_right_arithmetic3A_1131, %shift_left3A_1132 : i32
        %multiple_of3A_1134 = tpu.assume_multiple %shift_left3A_1133, 128 : i32
        %shift_right_arithmetic3A_1135 = arith.constant 7 : i32
        %shift_right_arithmetic3A_1136 = arith.shrsi %squeeze3A_1051, %shift_right_arithmetic3A_1135 : i32
        %shift_left3A_1137 = arith.constant 7 : i32
        %shift_left3A_1138 = arith.shli %shift_right_arithmetic3A_1136, %shift_left3A_1137 : i32
        %multiple_of3A_1139 = tpu.assume_multiple %shift_left3A_1138, 128 : i32
        %dma_start3A_1140 = arith.constant 0 : i32
        %dma_start3A_1141 = arith.constant 2 : i32
        %dma_start3A_1142 = arith.constant 0 : i32
        %dma_start3A_1143 = arith.constant 0 : i32
        %dma_start3A_1144 = tpu.memref_slice %arg9[%dma_start3A_1140, %dma_start3A_1141, %dma_start3A_1142, %dma_start3A_1143] : memref<2x4x32x128xf32, #tpu.memory_space<vmem>> -> memref<1x1x32x128xf32, #tpu.memory_space<vmem>>
        %dma_start3A_1145 = tpu.memref_squeeze %dma_start3A_1144 : memref<1x1x32x128xf32, #tpu.memory_space<vmem>> -> memref<32x128xf32, #tpu.memory_space<vmem>>
        %dma_start3A_1146 = arith.constant 0 : i32
        %dma_start3A_1147 = tpu.memref_slice %arg4[%dma_start3A_1146, %multiple_of3A_1134] : memref<32x1000000xf32, #tpu.memory_space<hbm>> -> memref<32x128xf32, #tpu.memory_space<hbm>>
        %dma_start3A_1148 = arith.constant 0 : i32
        %dma_start3A_1149 = arith.constant 0 : i32
        %dma_start3A_1150 = tpu.memref_slice %arg9[%dma_start3A_1140, %dma_start3A_1141, %dma_start3A_1148, %dma_start3A_1149] : memref<2x4x32x128xf32, #tpu.memory_space<vmem>> -> memref<1x1x32x128xf32, #tpu.memory_space<vmem>>
        %dma_start3A_1151 = tpu.memref_squeeze %dma_start3A_1150 : memref<1x1x32x128xf32, #tpu.memory_space<vmem>> -> memref<32x128xf32, #tpu.memory_space<vmem>>
        %dma_start3A_1152 = arith.constant 0 : i32
        %dma_start3A_1153 = tpu.memref_slice %arg4[%dma_start3A_1152, %multiple_of3A_1134] : memref<32x1000000xf32, #tpu.memory_space<hbm>> -> memref<32x128xf32, #tpu.memory_space<hbm>>
        tpu.enqueue_dma source(%dma_start3A_1153 : memref<32x128xf32, #tpu.memory_space<hbm>>) target(%dma_start3A_1151 : memref<32x128xf32, #tpu.memory_space<vmem>>) target_semaphore(%arg14 : memref<!tpu.dma_semaphore, #tpu.memory_space<semaphore_mem>>)
        %dma_start3A_1154 = arith.constant 0 : i32
        %dma_start3A_1155 = arith.constant 2 : i32
        %dma_start3A_1156 = arith.constant 0 : i32
        %dma_start3A_1157 = arith.constant 0 : i32
        %dma_start3A_1158 = tpu.memref_slice %arg10[%dma_start3A_1154, %dma_start3A_1155, %dma_start3A_1156, %dma_start3A_1157] : memref<2x4x32x128xf32, #tpu.memory_space<vmem>> -> memref<1x1x32x128xf32, #tpu.memory_space<vmem>>
        %dma_start3A_1159 = tpu.memref_squeeze %dma_start3A_1158 : memref<1x1x32x128xf32, #tpu.memory_space<vmem>> -> memref<32x128xf32, #tpu.memory_space<vmem>>
        %dma_start3A_1160 = arith.constant 0 : i32
        %dma_start3A_1161 = tpu.memref_slice %arg5[%dma_start3A_1160, %multiple_of3A_1139] : memref<32x1000000xf32, #tpu.memory_space<hbm>> -> memref<32x128xf32, #tpu.memory_space<hbm>>
        %dma_start3A_1162 = arith.constant 0 : i32
        %dma_start3A_1163 = arith.constant 0 : i32
        %dma_start3A_1164 = tpu.memref_slice %arg10[%dma_start3A_1154, %dma_start3A_1155, %dma_start3A_1162, %dma_start3A_1163] : memref<2x4x32x128xf32, #tpu.memory_space<vmem>> -> memref<1x1x32x128xf32, #tpu.memory_space<vmem>>
        %dma_start3A_1165 = tpu.memref_squeeze %dma_start3A_1164 : memref<1x1x32x128xf32, #tpu.memory_space<vmem>> -> memref<32x128xf32, #tpu.memory_space<vmem>>
        %dma_start3A_1166 = arith.constant 0 : i32
        %dma_start3A_1167 = tpu.memref_slice %arg5[%dma_start3A_1166, %multiple_of3A_1139] : memref<32x1000000xf32, #tpu.memory_space<hbm>> -> memref<32x128xf32, #tpu.memory_space<hbm>>
        tpu.enqueue_dma source(%dma_start3A_1167 : memref<32x128xf32, #tpu.memory_space<hbm>>) target(%dma_start3A_1165 : memref<32x128xf32, #tpu.memory_space<vmem>>) target_semaphore(%arg14 : memref<!tpu.dma_semaphore, #tpu.memory_space<semaphore_mem>>)
        %shift_right_arithmetic3A_1168 = arith.constant 7 : i32
        %shift_right_arithmetic3A_1169 = arith.shrsi %squeeze3A_1045, %shift_right_arithmetic3A_1168 : i32
        %shift_left3A_1170 = arith.constant 7 : i32
        %shift_left3A_1171 = arith.shli %shift_right_arithmetic3A_1169, %shift_left3A_1170 : i32
        %multiple_of3A_1172 = tpu.assume_multiple %shift_left3A_1171, 128 : i32
        %shift_right_arithmetic3A_1173 = arith.constant 7 : i32
        %shift_right_arithmetic3A_1174 = arith.shrsi %squeeze3A_1053, %shift_right_arithmetic3A_1173 : i32
        %shift_left3A_1175 = arith.constant 7 : i32
        %shift_left3A_1176 = arith.shli %shift_right_arithmetic3A_1174, %shift_left3A_1175 : i32
        %multiple_of3A_1177 = tpu.assume_multiple %shift_left3A_1176, 128 : i32
        %dma_start3A_1178 = arith.constant 0 : i32
        %dma_start3A_1179 = arith.constant 3 : i32
        %dma_start3A_1180 = arith.constant 0 : i32
        %dma_start3A_1181 = arith.constant 0 : i32
        %dma_start3A_1182 = tpu.memref_slice %arg9[%dma_start3A_1178, %dma_start3A_1179, %dma_start3A_1180, %dma_start3A_1181] : memref<2x4x32x128xf32, #tpu.memory_space<vmem>> -> memref<1x1x32x128xf32, #tpu.memory_space<vmem>>
        %dma_start3A_1183 = tpu.memref_squeeze %dma_start3A_1182 : memref<1x1x32x128xf32, #tpu.memory_space<vmem>> -> memref<32x128xf32, #tpu.memory_space<vmem>>
        %dma_start3A_1184 = arith.constant 0 : i32
        %dma_start3A_1185 = tpu.memref_slice %arg4[%dma_start3A_1184, %multiple_of3A_1172] : memref<32x1000000xf32, #tpu.memory_space<hbm>> -> memref<32x128xf32, #tpu.memory_space<hbm>>
        %dma_start3A_1186 = arith.constant 0 : i32
        %dma_start3A_1187 = arith.constant 0 : i32
        %dma_start3A_1188 = tpu.memref_slice %arg9[%dma_start3A_1178, %dma_start3A_1179, %dma_start3A_1186, %dma_start3A_1187] : memref<2x4x32x128xf32, #tpu.memory_space<vmem>> -> memref<1x1x32x128xf32, #tpu.memory_space<vmem>>
        %dma_start3A_1189 = tpu.memref_squeeze %dma_start3A_1188 : memref<1x1x32x128xf32, #tpu.memory_space<vmem>> -> memref<32x128xf32, #tpu.memory_space<vmem>>
        %dma_start3A_1190 = arith.constant 0 : i32
        %dma_start3A_1191 = tpu.memref_slice %arg4[%dma_start3A_1190, %multiple_of3A_1172] : memref<32x1000000xf32, #tpu.memory_space<hbm>> -> memref<32x128xf32, #tpu.memory_space<hbm>>
        tpu.enqueue_dma source(%dma_start3A_1191 : memref<32x128xf32, #tpu.memory_space<hbm>>) target(%dma_start3A_1189 : memref<32x128xf32, #tpu.memory_space<vmem>>) target_semaphore(%arg14 : memref<!tpu.dma_semaphore, #tpu.memory_space<semaphore_mem>>)
        %dma_start3A_1192 = arith.constant 0 : i32
        %dma_start3A_1193 = arith.constant 3 : i32
        %dma_start3A_1194 = arith.constant 0 : i32
        %dma_start3A_1195 = arith.constant 0 : i32
        %dma_start3A_1196 = tpu.memref_slice %arg10[%dma_start3A_1192, %dma_start3A_1193, %dma_start3A_1194, %dma_start3A_1195] : memref<2x4x32x128xf32, #tpu.memory_space<vmem>> -> memref<1x1x32x128xf32, #tpu.memory_space<vmem>>
        %dma_start3A_1197 = tpu.memref_squeeze %dma_start3A_1196 : memref<1x1x32x128xf32, #tpu.memory_space<vmem>> -> memref<32x128xf32, #tpu.memory_space<vmem>>
        %dma_start3A_1198 = arith.constant 0 : i32
        %dma_start3A_1199 = tpu.memref_slice %arg5[%dma_start3A_1198, %multiple_of3A_1177] : memref<32x1000000xf32, #tpu.memory_space<hbm>> -> memref<32x128xf32, #tpu.memory_space<hbm>>
        %dma_start3A_1200 = arith.constant 0 : i32
        %dma_start3A_1201 = arith.constant 0 : i32
        %dma_start3A_1202 = tpu.memref_slice %arg10[%dma_start3A_1192, %dma_start3A_1193, %dma_start3A_1200, %dma_start3A_1201] : memref<2x4x32x128xf32, #tpu.memory_space<vmem>> -> memref<1x1x32x128xf32, #tpu.memory_space<vmem>>
        %dma_start3A_1203 = tpu.memref_squeeze %dma_start3A_1202 : memref<1x1x32x128xf32, #tpu.memory_space<vmem>> -> memref<32x128xf32, #tpu.memory_space<vmem>>
        %dma_start3A_1204 = arith.constant 0 : i32
        %dma_start3A_1205 = tpu.memref_slice %arg5[%dma_start3A_1204, %multiple_of3A_1177] : memref<32x1000000xf32, #tpu.memory_space<hbm>> -> memref<32x128xf32, #tpu.memory_space<hbm>>
        tpu.enqueue_dma source(%dma_start3A_1205 : memref<32x128xf32, #tpu.memory_space<hbm>>) target(%dma_start3A_1203 : memref<32x128xf32, #tpu.memory_space<vmem>>) target_semaphore(%arg14 : memref<!tpu.dma_semaphore, #tpu.memory_space<semaphore_mem>>)
      } else {
      }
      %dma_wait3A_693 = arith.constant 1 : i32
      %dma_wait3A_694 = arith.constant 0 : i32
      %dma_wait3A_695 = arith.constant 0 : i32
      %dma_wait3A_696 = arith.constant 0 : i32
      %dma_wait3A_697 = tpu.memref_slice %arg9[%dma_wait3A_693, %dma_wait3A_694, %dma_wait3A_695, %dma_wait3A_696] : memref<2x4x32x128xf32, #tpu.memory_space<vmem>> -> memref<1x1x32x128xf32, #tpu.memory_space<vmem>>
      %dma_wait3A_698 = tpu.memref_squeeze %dma_wait3A_697 : memref<1x1x32x128xf32, #tpu.memory_space<vmem>> -> memref<32x128xf32, #tpu.memory_space<vmem>>
      %dma_wait3A_699 = arith.constant 0 : i32
      %dma_wait3A_700 = arith.constant 0 : i32
      %dma_wait3A_701 = tpu.memref_slice %arg4[%dma_wait3A_699, %dma_wait3A_700] : memref<32x1000000xf32, #tpu.memory_space<hbm>> -> memref<32x128xf32, #tpu.memory_space<hbm>>
      %dma_wait3A_702 = arith.constant 0 : i32
      %dma_wait3A_703 = arith.constant 0 : i32
      %dma_wait3A_704 = tpu.memref_slice %arg9[%dma_wait3A_693, %dma_wait3A_694, %dma_wait3A_702, %dma_wait3A_703] : memref<2x4x32x128xf32, #tpu.memory_space<vmem>> -> memref<1x1x32x128xf32, #tpu.memory_space<vmem>>
      %dma_wait3A_705 = tpu.memref_squeeze %dma_wait3A_704 : memref<1x1x32x128xf32, #tpu.memory_space<vmem>> -> memref<32x128xf32, #tpu.memory_space<vmem>>
      %dma_wait3A_706 = arith.constant 0 : i32
      %dma_wait3A_707 = arith.constant 0 : i32
      %dma_wait3A_708 = tpu.memref_slice %arg4[%dma_wait3A_706, %dma_wait3A_707] : memref<32x1000000xf32, #tpu.memory_space<hbm>> -> memref<32x128xf32, #tpu.memory_space<hbm>>
      tpu.wait_dma2 semaphore(%arg15 : memref<!tpu.dma_semaphore, #tpu.memory_space<semaphore_mem>>) src(%dma_wait3A_708 : memref<32x128xf32, #tpu.memory_space<hbm>>) dst(%dma_wait3A_705 : memref<32x128xf32, #tpu.memory_space<vmem>>)
      %dma_wait3A_709 = arith.constant 1 : i32
      %dma_wait3A_710 = arith.constant 0 : i32
      %dma_wait3A_711 = arith.constant 0 : i32
      %dma_wait3A_712 = arith.constant 0 : i32
      %dma_wait3A_713 = tpu.memref_slice %arg10[%dma_wait3A_709, %dma_wait3A_710, %dma_wait3A_711, %dma_wait3A_712] : memref<2x4x32x128xf32, #tpu.memory_space<vmem>> -> memref<1x1x32x128xf32, #tpu.memory_space<vmem>>
      %dma_wait3A_714 = tpu.memref_squeeze %dma_wait3A_713 : memref<1x1x32x128xf32, #tpu.memory_space<vmem>> -> memref<32x128xf32, #tpu.memory_space<vmem>>
      %dma_wait3A_715 = arith.constant 0 : i32
      %dma_wait3A_716 = arith.constant 0 : i32
      %dma_wait3A_717 = tpu.memref_slice %arg5[%dma_wait3A_715, %dma_wait3A_716] : memref<32x1000000xf32, #tpu.memory_space<hbm>> -> memref<32x128xf32, #tpu.memory_space<hbm>>
      %dma_wait3A_718 = arith.constant 0 : i32
      %dma_wait3A_719 = arith.constant 0 : i32
      %dma_wait3A_720 = tpu.memref_slice %arg10[%dma_wait3A_709, %dma_wait3A_710, %dma_wait3A_718, %dma_wait3A_719] : memref<2x4x32x128xf32, #tpu.memory_space<vmem>> -> memref<1x1x32x128xf32, #tpu.memory_space<vmem>>
      %dma_wait3A_721 = tpu.memref_squeeze %dma_wait3A_720 : memref<1x1x32x128xf32, #tpu.memory_space<vmem>> -> memref<32x128xf32, #tpu.memory_space<vmem>>
      %dma_wait3A_722 = arith.constant 0 : i32
      %dma_wait3A_723 = arith.constant 0 : i32
      %dma_wait3A_724 = tpu.memref_slice %arg5[%dma_wait3A_722, %dma_wait3A_723] : memref<32x1000000xf32, #tpu.memory_space<hbm>> -> memref<32x128xf32, #tpu.memory_space<hbm>>
      tpu.wait_dma2 semaphore(%arg15 : memref<!tpu.dma_semaphore, #tpu.memory_space<semaphore_mem>>) src(%dma_wait3A_724 : memref<32x128xf32, #tpu.memory_space<hbm>>) dst(%dma_wait3A_721 : memref<32x128xf32, #tpu.memory_space<vmem>>)
      %dma_wait3A_725 = arith.constant 1 : i32
      %dma_wait3A_726 = arith.constant 1 : i32
      %dma_wait3A_727 = arith.constant 0 : i32
      %dma_wait3A_728 = arith.constant 0 : i32
      %dma_wait3A_729 = tpu.memref_slice %arg9[%dma_wait3A_725, %dma_wait3A_726, %dma_wait3A_727, %dma_wait3A_728] : memref<2x4x32x128xf32, #tpu.memory_space<vmem>> -> memref<1x1x32x128xf32, #tpu.memory_space<vmem>>
      %dma_wait3A_730 = tpu.memref_squeeze %dma_wait3A_729 : memref<1x1x32x128xf32, #tpu.memory_space<vmem>> -> memref<32x128xf32, #tpu.memory_space<vmem>>
      %dma_wait3A_731 = arith.constant 0 : i32
      %dma_wait3A_732 = arith.constant 0 : i32
      %dma_wait3A_733 = tpu.memref_slice %arg4[%dma_wait3A_731, %dma_wait3A_732] : memref<32x1000000xf32, #tpu.memory_space<hbm>> -> memref<32x128xf32, #tpu.memory_space<hbm>>
      %dma_wait3A_734 = arith.constant 0 : i32
      %dma_wait3A_735 = arith.constant 0 : i32
      %dma_wait3A_736 = tpu.memref_slice %arg9[%dma_wait3A_725, %dma_wait3A_726, %dma_wait3A_734, %dma_wait3A_735] : memref<2x4x32x128xf32, #tpu.memory_space<vmem>> -> memref<1x1x32x128xf32, #tpu.memory_space<vmem>>
      %dma_wait3A_737 = tpu.memref_squeeze %dma_wait3A_736 : memref<1x1x32x128xf32, #tpu.memory_space<vmem>> -> memref<32x128xf32, #tpu.memory_space<vmem>>
      %dma_wait3A_738 = arith.constant 0 : i32
      %dma_wait3A_739 = arith.constant 0 : i32
      %dma_wait3A_740 = tpu.memref_slice %arg4[%dma_wait3A_738, %dma_wait3A_739] : memref<32x1000000xf32, #tpu.memory_space<hbm>> -> memref<32x128xf32, #tpu.memory_space<hbm>>
      tpu.wait_dma2 semaphore(%arg15 : memref<!tpu.dma_semaphore, #tpu.memory_space<semaphore_mem>>) src(%dma_wait3A_740 : memref<32x128xf32, #tpu.memory_space<hbm>>) dst(%dma_wait3A_737 : memref<32x128xf32, #tpu.memory_space<vmem>>)
      %dma_wait3A_741 = arith.constant 1 : i32
      %dma_wait3A_742 = arith.constant 1 : i32
      %dma_wait3A_743 = arith.constant 0 : i32
      %dma_wait3A_744 = arith.constant 0 : i32
      %dma_wait3A_745 = tpu.memref_slice %arg10[%dma_wait3A_741, %dma_wait3A_742, %dma_wait3A_743, %dma_wait3A_744] : memref<2x4x32x128xf32, #tpu.memory_space<vmem>> -> memref<1x1x32x128xf32, #tpu.memory_space<vmem>>
      %dma_wait3A_746 = tpu.memref_squeeze %dma_wait3A_745 : memref<1x1x32x128xf32, #tpu.memory_space<vmem>> -> memref<32x128xf32, #tpu.memory_space<vmem>>
      %dma_wait3A_747 = arith.constant 0 : i32
      %dma_wait3A_748 = arith.constant 0 : i32
      %dma_wait3A_749 = tpu.memref_slice %arg5[%dma_wait3A_747, %dma_wait3A_748] : memref<32x1000000xf32, #tpu.memory_space<hbm>> -> memref<32x128xf32, #tpu.memory_space<hbm>>
      %dma_wait3A_750 = arith.constant 0 : i32
      %dma_wait3A_751 = arith.constant 0 : i32
      %dma_wait3A_752 = tpu.memref_slice %arg10[%dma_wait3A_741, %dma_wait3A_742, %dma_wait3A_750, %dma_wait3A_751] : memref<2x4x32x128xf32, #tpu.memory_space<vmem>> -> memref<1x1x32x128xf32, #tpu.memory_space<vmem>>
      %dma_wait3A_753 = tpu.memref_squeeze %dma_wait3A_752 : memref<1x1x32x128xf32, #tpu.memory_space<vmem>> -> memref<32x128xf32, #tpu.memory_space<vmem>>
      %dma_wait3A_754 = arith.constant 0 : i32
      %dma_wait3A_755 = arith.constant 0 : i32
      %dma_wait3A_756 = tpu.memref_slice %arg5[%dma_wait3A_754, %dma_wait3A_755] : memref<32x1000000xf32, #tpu.memory_space<hbm>> -> memref<32x128xf32, #tpu.memory_space<hbm>>
      tpu.wait_dma2 semaphore(%arg15 : memref<!tpu.dma_semaphore, #tpu.memory_space<semaphore_mem>>) src(%dma_wait3A_756 : memref<32x128xf32, #tpu.memory_space<hbm>>) dst(%dma_wait3A_753 : memref<32x128xf32, #tpu.memory_space<vmem>>)
      %dma_wait3A_757 = arith.constant 1 : i32
      %dma_wait3A_758 = arith.constant 2 : i32
      %dma_wait3A_759 = arith.constant 0 : i32
      %dma_wait3A_760 = arith.constant 0 : i32
      %dma_wait3A_761 = tpu.memref_slice %arg9[%dma_wait3A_757, %dma_wait3A_758, %dma_wait3A_759, %dma_wait3A_760] : memref<2x4x32x128xf32, #tpu.memory_space<vmem>> -> memref<1x1x32x128xf32, #tpu.memory_space<vmem>>
      %dma_wait3A_762 = tpu.memref_squeeze %dma_wait3A_761 : memref<1x1x32x128xf32, #tpu.memory_space<vmem>> -> memref<32x128xf32, #tpu.memory_space<vmem>>
      %dma_wait3A_763 = arith.constant 0 : i32
      %dma_wait3A_764 = arith.constant 0 : i32
      %dma_wait3A_765 = tpu.memref_slice %arg4[%dma_wait3A_763, %dma_wait3A_764] : memref<32x1000000xf32, #tpu.memory_space<hbm>> -> memref<32x128xf32, #tpu.memory_space<hbm>>
      %dma_wait3A_766 = arith.constant 0 : i32
      %dma_wait3A_767 = arith.constant 0 : i32
      %dma_wait3A_768 = tpu.memref_slice %arg9[%dma_wait3A_757, %dma_wait3A_758, %dma_wait3A_766, %dma_wait3A_767] : memref<2x4x32x128xf32, #tpu.memory_space<vmem>> -> memref<1x1x32x128xf32, #tpu.memory_space<vmem>>
      %dma_wait3A_769 = tpu.memref_squeeze %dma_wait3A_768 : memref<1x1x32x128xf32, #tpu.memory_space<vmem>> -> memref<32x128xf32, #tpu.memory_space<vmem>>
      %dma_wait3A_770 = arith.constant 0 : i32
      %dma_wait3A_771 = arith.constant 0 : i32
      %dma_wait3A_772 = tpu.memref_slice %arg4[%dma_wait3A_770, %dma_wait3A_771] : memref<32x1000000xf32, #tpu.memory_space<hbm>> -> memref<32x128xf32, #tpu.memory_space<hbm>>
      tpu.wait_dma2 semaphore(%arg15 : memref<!tpu.dma_semaphore, #tpu.memory_space<semaphore_mem>>) src(%dma_wait3A_772 : memref<32x128xf32, #tpu.memory_space<hbm>>) dst(%dma_wait3A_769 : memref<32x128xf32, #tpu.memory_space<vmem>>)
      %dma_wait3A_773 = arith.constant 1 : i32
      %dma_wait3A_774 = arith.constant 2 : i32
      %dma_wait3A_775 = arith.constant 0 : i32
      %dma_wait3A_776 = arith.constant 0 : i32
      %dma_wait3A_777 = tpu.memref_slice %arg10[%dma_wait3A_773, %dma_wait3A_774, %dma_wait3A_775, %dma_wait3A_776] : memref<2x4x32x128xf32, #tpu.memory_space<vmem>> -> memref<1x1x32x128xf32, #tpu.memory_space<vmem>>
      %dma_wait3A_778 = tpu.memref_squeeze %dma_wait3A_777 : memref<1x1x32x128xf32, #tpu.memory_space<vmem>> -> memref<32x128xf32, #tpu.memory_space<vmem>>
      %dma_wait3A_779 = arith.constant 0 : i32
      %dma_wait3A_780 = arith.constant 0 : i32
      %dma_wait3A_781 = tpu.memref_slice %arg5[%dma_wait3A_779, %dma_wait3A_780] : memref<32x1000000xf32, #tpu.memory_space<hbm>> -> memref<32x128xf32, #tpu.memory_space<hbm>>
      %dma_wait3A_782 = arith.constant 0 : i32
      %dma_wait3A_783 = arith.constant 0 : i32
      %dma_wait3A_784 = tpu.memref_slice %arg10[%dma_wait3A_773, %dma_wait3A_774, %dma_wait3A_782, %dma_wait3A_783] : memref<2x4x32x128xf32, #tpu.memory_space<vmem>> -> memref<1x1x32x128xf32, #tpu.memory_space<vmem>>
      %dma_wait3A_785 = tpu.memref_squeeze %dma_wait3A_784 : memref<1x1x32x128xf32, #tpu.memory_space<vmem>> -> memref<32x128xf32, #tpu.memory_space<vmem>>
      %dma_wait3A_786 = arith.constant 0 : i32
      %dma_wait3A_787 = arith.constant 0 : i32
      %dma_wait3A_788 = tpu.memref_slice %arg5[%dma_wait3A_786, %dma_wait3A_787] : memref<32x1000000xf32, #tpu.memory_space<hbm>> -> memref<32x128xf32, #tpu.memory_space<hbm>>
      tpu.wait_dma2 semaphore(%arg15 : memref<!tpu.dma_semaphore, #tpu.memory_space<semaphore_mem>>) src(%dma_wait3A_788 : memref<32x128xf32, #tpu.memory_space<hbm>>) dst(%dma_wait3A_785 : memref<32x128xf32, #tpu.memory_space<vmem>>)
      %dma_wait3A_789 = arith.constant 1 : i32
      %dma_wait3A_790 = arith.constant 3 : i32
      %dma_wait3A_791 = arith.constant 0 : i32
      %dma_wait3A_792 = arith.constant 0 : i32
      %dma_wait3A_793 = tpu.memref_slice %arg9[%dma_wait3A_789, %dma_wait3A_790, %dma_wait3A_791, %dma_wait3A_792] : memref<2x4x32x128xf32, #tpu.memory_space<vmem>> -> memref<1x1x32x128xf32, #tpu.memory_space<vmem>>
      %dma_wait3A_794 = tpu.memref_squeeze %dma_wait3A_793 : memref<1x1x32x128xf32, #tpu.memory_space<vmem>> -> memref<32x128xf32, #tpu.memory_space<vmem>>
      %dma_wait3A_795 = arith.constant 0 : i32
      %dma_wait3A_796 = arith.constant 0 : i32
      %dma_wait3A_797 = tpu.memref_slice %arg4[%dma_wait3A_795, %dma_wait3A_796] : memref<32x1000000xf32, #tpu.memory_space<hbm>> -> memref<32x128xf32, #tpu.memory_space<hbm>>
      %dma_wait3A_798 = arith.constant 0 : i32
      %dma_wait3A_799 = arith.constant 0 : i32
      %dma_wait3A_800 = tpu.memref_slice %arg9[%dma_wait3A_789, %dma_wait3A_790, %dma_wait3A_798, %dma_wait3A_799] : memref<2x4x32x128xf32, #tpu.memory_space<vmem>> -> memref<1x1x32x128xf32, #tpu.memory_space<vmem>>
      %dma_wait3A_801 = tpu.memref_squeeze %dma_wait3A_800 : memref<1x1x32x128xf32, #tpu.memory_space<vmem>> -> memref<32x128xf32, #tpu.memory_space<vmem>>
      %dma_wait3A_802 = arith.constant 0 : i32
      %dma_wait3A_803 = arith.constant 0 : i32
      %dma_wait3A_804 = tpu.memref_slice %arg4[%dma_wait3A_802, %dma_wait3A_803] : memref<32x1000000xf32, #tpu.memory_space<hbm>> -> memref<32x128xf32, #tpu.memory_space<hbm>>
      tpu.wait_dma2 semaphore(%arg15 : memref<!tpu.dma_semaphore, #tpu.memory_space<semaphore_mem>>) src(%dma_wait3A_804 : memref<32x128xf32, #tpu.memory_space<hbm>>) dst(%dma_wait3A_801 : memref<32x128xf32, #tpu.memory_space<vmem>>)
      %dma_wait3A_805 = arith.constant 1 : i32
      %dma_wait3A_806 = arith.constant 3 : i32
      %dma_wait3A_807 = arith.constant 0 : i32
      %dma_wait3A_808 = arith.constant 0 : i32
      %dma_wait3A_809 = tpu.memref_slice %arg10[%dma_wait3A_805, %dma_wait3A_806, %dma_wait3A_807, %dma_wait3A_808] : memref<2x4x32x128xf32, #tpu.memory_space<vmem>> -> memref<1x1x32x128xf32, #tpu.memory_space<vmem>>
      %dma_wait3A_810 = tpu.memref_squeeze %dma_wait3A_809 : memref<1x1x32x128xf32, #tpu.memory_space<vmem>> -> memref<32x128xf32, #tpu.memory_space<vmem>>
      %dma_wait3A_811 = arith.constant 0 : i32
      %dma_wait3A_812 = arith.constant 0 : i32
      %dma_wait3A_813 = tpu.memref_slice %arg5[%dma_wait3A_811, %dma_wait3A_812] : memref<32x1000000xf32, #tpu.memory_space<hbm>> -> memref<32x128xf32, #tpu.memory_space<hbm>>
      %dma_wait3A_814 = arith.constant 0 : i32
      %dma_wait3A_815 = arith.constant 0 : i32
      %dma_wait3A_816 = tpu.memref_slice %arg10[%dma_wait3A_805, %dma_wait3A_806, %dma_wait3A_814, %dma_wait3A_815] : memref<2x4x32x128xf32, #tpu.memory_space<vmem>> -> memref<1x1x32x128xf32, #tpu.memory_space<vmem>>
      %dma_wait3A_817 = tpu.memref_squeeze %dma_wait3A_816 : memref<1x1x32x128xf32, #tpu.memory_space<vmem>> -> memref<32x128xf32, #tpu.memory_space<vmem>>
      %dma_wait3A_818 = arith.constant 0 : i32
      %dma_wait3A_819 = arith.constant 0 : i32
      %dma_wait3A_820 = tpu.memref_slice %arg5[%dma_wait3A_818, %dma_wait3A_819] : memref<32x1000000xf32, #tpu.memory_space<hbm>> -> memref<32x128xf32, #tpu.memory_space<hbm>>
      tpu.wait_dma2 semaphore(%arg15 : memref<!tpu.dma_semaphore, #tpu.memory_space<semaphore_mem>>) src(%dma_wait3A_820 : memref<32x128xf32, #tpu.memory_space<hbm>>) dst(%dma_wait3A_817 : memref<32x128xf32, #tpu.memory_space<vmem>>)
      %add3A_821 = arith.constant 1 : i32
      %add3A_822 = arith.addi %add3A_349, %add3A_821 : i32
      %slice3A_823 = vector.extract_strided_slice %get3A_353 {offsets = [4], sizes = [1], strides = [1]} : vector<16xi32> to vector<1xi32>
      %squeeze3A_824 = vector.extract %slice3A_823[0] : i32 from vector<1xi32>
      %slice3A_825 = vector.extract_strided_slice %get3A_353 {offsets = [5], sizes = [1], strides = [1]} : vector<16xi32> to vector<1xi32>
      %squeeze3A_826 = vector.extract %slice3A_825[0] : i32 from vector<1xi32>
      %slice3A_827 = vector.extract_strided_slice %get3A_353 {offsets = [6], sizes = [1], strides = [1]} : vector<16xi32> to vector<1xi32>
      %squeeze3A_828 = vector.extract %slice3A_827[0] : i32 from vector<1xi32>
      %slice3A_829 = vector.extract_strided_slice %get3A_353 {offsets = [7], sizes = [1], strides = [1]} : vector<16xi32> to vector<1xi32>
      %squeeze3A_830 = vector.extract %slice3A_829[0] : i32 from vector<1xi32>
      %slice3A_831 = vector.extract_strided_slice %get3A_357 {offsets = [4], sizes = [1], strides = [1]} : vector<16xi32> to vector<1xi32>
      %squeeze3A_832 = vector.extract %slice3A_831[0] : i32 from vector<1xi32>
      %slice3A_833 = vector.extract_strided_slice %get3A_357 {offsets = [5], sizes = [1], strides = [1]} : vector<16xi32> to vector<1xi32>
      %squeeze3A_834 = vector.extract %slice3A_833[0] : i32 from vector<1xi32>
      %slice3A_835 = vector.extract_strided_slice %get3A_357 {offsets = [6], sizes = [1], strides = [1]} : vector<16xi32> to vector<1xi32>
      %squeeze3A_836 = vector.extract %slice3A_835[0] : i32 from vector<1xi32>
      %slice3A_837 = vector.extract_strided_slice %get3A_357 {offsets = [7], sizes = [1], strides = [1]} : vector<16xi32> to vector<1xi32>
      %squeeze3A_838 = vector.extract %slice3A_837[0] : i32 from vector<1xi32>
      %mul3A_839 = arith.constant 4 : i32
      %mul3A_840 = arith.muli %add3A_822, %mul3A_839 : i32
      %add3A_841 = arith.constant 0 : i32
      %add3A_842 = arith.addi %mul3A_840, %add3A_841 : i32
      %and3A_843 = arith.constant 127 : i32
      %and3A_844 = arith.andi %squeeze3A_824, %and3A_843 : i32
      %broadcast_in_dim3A_845 = vector.broadcast %and3A_844 : i32 to vector<16xi32>
      %and3A_846 = arith.constant 127 : i32
      %and3A_847 = arith.andi %squeeze3A_832, %and3A_846 : i32
      %broadcast_in_dim3A_848 = vector.broadcast %and3A_847 : i32 to vector<16xi32>
      %broadcast_in_dim3A_849 = arith.constant 1 : i32
      %broadcast_in_dim3A_850 = vector.broadcast %broadcast_in_dim3A_849 : i32 to vector<16xi32>
      %broadcast_in_dim3A_851 = arith.constant 0 : i32
      %broadcast_in_dim3A_852 = vector.broadcast %broadcast_in_dim3A_851 : i32 to vector<16xi32>
      %add3A_853 = arith.constant 0 : i32
      %add3A_854 = vector.broadcast %add3A_853 : i32 to vector<16xi32>
      %add3A_855 = arith.addi %iota3A, %add3A_854 : vector<16xi32>
      %gather3A_856 = tpu.vector_load_idx %arg9[%broadcast_in_dim3A_850, %broadcast_in_dim3A_852, %add3A_855, %broadcast_in_dim3A_845] : memref<2x4x32x128xf32, #tpu.memory_space<vmem>>[vector<16xi32>, vector<16xi32>, vector<16xi32>, vector<16xi32>], vector<16xf32>,
      %gather3A_857 = tpu.vector_load_idx %arg10[%broadcast_in_dim3A_850, %broadcast_in_dim3A_852, %add3A_855, %broadcast_in_dim3A_848] : memref<2x4x32x128xf32, #tpu.memory_space<vmem>>[vector<16xi32>, vector<16xi32>, vector<16xi32>, vector<16xi32>], vector<16xf32>,
      %mul3A_858 = arith.constant 32 : i32
      %mul3A_859 = arith.muli %add3A_842, %mul3A_858 : i32
      %add3A_860 = arith.constant 0 : i32
      %add3A_861 = arith.addi %mul3A_859, %add3A_860 : i32
      %swap3A_862 = arith.index_cast %add3A_861 : i32 to index
      %swap3A_863 = tpu.vector_load %arg11[%swap3A_862] {strides = array<i32>} : memref<16384xf32, #tpu.memory_space<vmem>>, vector<16xf32>,
      tpu.vector_store %arg11[%swap3A_862], %gather3A_856 {strides = array<i32>} : memref<16384xf32, #tpu.memory_space<vmem>>, vector<16xf32>,
      %mul3A_864 = arith.constant 32 : i32
      %mul3A_865 = arith.muli %add3A_842, %mul3A_864 : i32
      %add3A_866 = arith.constant 0 : i32
      %add3A_867 = arith.addi %mul3A_865, %add3A_866 : i32
      %swap3A_868 = arith.index_cast %add3A_867 : i32 to index
      %swap3A_869 = tpu.vector_load %arg12[%swap3A_868] {strides = array<i32>} : memref<16384xf32, #tpu.memory_space<vmem>>, vector<16xf32>,
      tpu.vector_store %arg12[%swap3A_868], %gather3A_857 {strides = array<i32>} : memref<16384xf32, #tpu.memory_space<vmem>>, vector<16xf32>,
      %add3A_870 = arith.constant 16 : i32
      %add3A_871 = vector.broadcast %add3A_870 : i32 to vector<16xi32>
      %add3A_872 = arith.addi %iota3A, %add3A_871 : vector<16xi32>
      %gather3A_873 = tpu.vector_load_idx %arg9[%broadcast_in_dim3A_850, %broadcast_in_dim3A_852, %add3A_872, %broadcast_in_dim3A_845] : memref<2x4x32x128xf32, #tpu.memory_space<vmem>>[vector<16xi32>, vector<16xi32>, vector<16xi32>, vector<16xi32>], vector<16xf32>,
      %gather3A_874 = tpu.vector_load_idx %arg10[%broadcast_in_dim3A_850, %broadcast_in_dim3A_852, %add3A_872, %broadcast_in_dim3A_848] : memref<2x4x32x128xf32, #tpu.memory_space<vmem>>[vector<16xi32>, vector<16xi32>, vector<16xi32>, vector<16xi32>], vector<16xf32>,
      %mul3A_875 = arith.constant 32 : i32
      %mul3A_876 = arith.muli %add3A_842, %mul3A_875 : i32
      %add3A_877 = arith.constant 16 : i32
      %add3A_878 = arith.addi %mul3A_876, %add3A_877 : i32
      %swap3A_879 = arith.index_cast %add3A_878 : i32 to index
      %swap3A_880 = tpu.vector_load %arg11[%swap3A_879] {strides = array<i32>} : memref<16384xf32, #tpu.memory_space<vmem>>, vector<16xf32>,
      tpu.vector_store %arg11[%swap3A_879], %gather3A_873 {strides = array<i32>} : memref<16384xf32, #tpu.memory_space<vmem>>, vector<16xf32>,
      %mul3A_881 = arith.constant 32 : i32
      %mul3A_882 = arith.muli %add3A_842, %mul3A_881 : i32
      %add3A_883 = arith.constant 16 : i32
      %add3A_884 = arith.addi %mul3A_882, %add3A_883 : i32
      %swap3A_885 = arith.index_cast %add3A_884 : i32 to index
      %swap3A_886 = tpu.vector_load %arg12[%swap3A_885] {strides = array<i32>} : memref<16384xf32, #tpu.memory_space<vmem>>, vector<16xf32>,
      tpu.vector_store %arg12[%swap3A_885], %gather3A_874 {strides = array<i32>} : memref<16384xf32, #tpu.memory_space<vmem>>, vector<16xf32>,
      %mul3A_887 = arith.constant 4 : i32
      %mul3A_888 = arith.muli %add3A_822, %mul3A_887 : i32
      %add3A_889 = arith.constant 1 : i32
      %add3A_890 = arith.addi %mul3A_888, %add3A_889 : i32
      %and3A_891 = arith.constant 127 : i32
      %and3A_892 = arith.andi %squeeze3A_826, %and3A_891 : i32
      %broadcast_in_dim3A_893 = vector.broadcast %and3A_892 : i32 to vector<16xi32>
      %and3A_894 = arith.constant 127 : i32
      %and3A_895 = arith.andi %squeeze3A_834, %and3A_894 : i32
      %broadcast_in_dim3A_896 = vector.broadcast %and3A_895 : i32 to vector<16xi32>
      %broadcast_in_dim3A_897 = arith.constant 1 : i32
      %broadcast_in_dim3A_898 = vector.broadcast %broadcast_in_dim3A_897 : i32 to vector<16xi32>
      %broadcast_in_dim3A_899 = arith.constant 1 : i32
      %broadcast_in_dim3A_900 = vector.broadcast %broadcast_in_dim3A_899 : i32 to vector<16xi32>
      %add3A_901 = arith.constant 0 : i32
      %add3A_902 = vector.broadcast %add3A_901 : i32 to vector<16xi32>
      %add3A_903 = arith.addi %iota3A, %add3A_902 : vector<16xi32>
      %gather3A_904 = tpu.vector_load_idx %arg9[%broadcast_in_dim3A_898, %broadcast_in_dim3A_900, %add3A_903, %broadcast_in_dim3A_893] : memref<2x4x32x128xf32, #tpu.memory_space<vmem>>[vector<16xi32>, vector<16xi32>, vector<16xi32>, vector<16xi32>], vector<16xf32>,
      %gather3A_905 = tpu.vector_load_idx %arg10[%broadcast_in_dim3A_898, %broadcast_in_dim3A_900, %add3A_903, %broadcast_in_dim3A_896] : memref<2x4x32x128xf32, #tpu.memory_space<vmem>>[vector<16xi32>, vector<16xi32>, vector<16xi32>, vector<16xi32>], vector<16xf32>,
      %mul3A_906 = arith.constant 32 : i32
      %mul3A_907 = arith.muli %add3A_890, %mul3A_906 : i32
      %add3A_908 = arith.constant 0 : i32
      %add3A_909 = arith.addi %mul3A_907, %add3A_908 : i32
      %swap3A_910 = arith.index_cast %add3A_909 : i32 to index
      %swap3A_911 = tpu.vector_load %arg11[%swap3A_910] {strides = array<i32>} : memref<16384xf32, #tpu.memory_space<vmem>>, vector<16xf32>,
      tpu.vector_store %arg11[%swap3A_910], %gather3A_904 {strides = array<i32>} : memref<16384xf32, #tpu.memory_space<vmem>>, vector<16xf32>,
      %mul3A_912 = arith.constant 32 : i32
      %mul3A_913 = arith.muli %add3A_890, %mul3A_912 : i32
      %add3A_914 = arith.constant 0 : i32
      %add3A_915 = arith.addi %mul3A_913, %add3A_914 : i32
      %swap3A_916 = arith.index_cast %add3A_915 : i32 to index
      %swap3A_917 = tpu.vector_load %arg12[%swap3A_916] {strides = array<i32>} : memref<16384xf32, #tpu.memory_space<vmem>>, vector<16xf32>,
      tpu.vector_store %arg12[%swap3A_916], %gather3A_905 {strides = array<i32>} : memref<16384xf32, #tpu.memory_space<vmem>>, vector<16xf32>,
      %add3A_918 = arith.constant 16 : i32
      %add3A_919 = vector.broadcast %add3A_918 : i32 to vector<16xi32>
      %add3A_920 = arith.addi %iota3A, %add3A_919 : vector<16xi32>
      %gather3A_921 = tpu.vector_load_idx %arg9[%broadcast_in_dim3A_898, %broadcast_in_dim3A_900, %add3A_920, %broadcast_in_dim3A_893] : memref<2x4x32x128xf32, #tpu.memory_space<vmem>>[vector<16xi32>, vector<16xi32>, vector<16xi32>, vector<16xi32>], vector<16xf32>,
      %gather3A_922 = tpu.vector_load_idx %arg10[%broadcast_in_dim3A_898, %broadcast_in_dim3A_900, %add3A_920, %broadcast_in_dim3A_896] : memref<2x4x32x128xf32, #tpu.memory_space<vmem>>[vector<16xi32>, vector<16xi32>, vector<16xi32>, vector<16xi32>], vector<16xf32>,
      %mul3A_923 = arith.constant 32 : i32
      %mul3A_924 = arith.muli %add3A_890, %mul3A_923 : i32
      %add3A_925 = arith.constant 16 : i32
      %add3A_926 = arith.addi %mul3A_924, %add3A_925 : i32
      %swap3A_927 = arith.index_cast %add3A_926 : i32 to index
      %swap3A_928 = tpu.vector_load %arg11[%swap3A_927] {strides = array<i32>} : memref<16384xf32, #tpu.memory_space<vmem>>, vector<16xf32>,
      tpu.vector_store %arg11[%swap3A_927], %gather3A_921 {strides = array<i32>} : memref<16384xf32, #tpu.memory_space<vmem>>, vector<16xf32>,
      %mul3A_929 = arith.constant 32 : i32
      %mul3A_930 = arith.muli %add3A_890, %mul3A_929 : i32
      %add3A_931 = arith.constant 16 : i32
      %add3A_932 = arith.addi %mul3A_930, %add3A_931 : i32
      %swap3A_933 = arith.index_cast %add3A_932 : i32 to index
      %swap3A_934 = tpu.vector_load %arg12[%swap3A_933] {strides = array<i32>} : memref<16384xf32, #tpu.memory_space<vmem>>, vector<16xf32>,
      tpu.vector_store %arg12[%swap3A_933], %gather3A_922 {strides = array<i32>} : memref<16384xf32, #tpu.memory_space<vmem>>, vector<16xf32>,
      %mul3A_935 = arith.constant 4 : i32
      %mul3A_936 = arith.muli %add3A_822, %mul3A_935 : i32
      %add3A_937 = arith.constant 2 : i32
      %add3A_938 = arith.addi %mul3A_936, %add3A_937 : i32
      %and3A_939 = arith.constant 127 : i32
      %and3A_940 = arith.andi %squeeze3A_828, %and3A_939 : i32
      %broadcast_in_dim3A_941 = vector.broadcast %and3A_940 : i32 to vector<16xi32>
      %and3A_942 = arith.constant 127 : i32
      %and3A_943 = arith.andi %squeeze3A_836, %and3A_942 : i32
      %broadcast_in_dim3A_944 = vector.broadcast %and3A_943 : i32 to vector<16xi32>
      %broadcast_in_dim3A_945 = arith.constant 1 : i32
      %broadcast_in_dim3A_946 = vector.broadcast %broadcast_in_dim3A_945 : i32 to vector<16xi32>
      %broadcast_in_dim3A_947 = arith.constant 2 : i32
      %broadcast_in_dim3A_948 = vector.broadcast %broadcast_in_dim3A_947 : i32 to vector<16xi32>
      %add3A_949 = arith.constant 0 : i32
      %add3A_950 = vector.broadcast %add3A_949 : i32 to vector<16xi32>
      %add3A_951 = arith.addi %iota3A, %add3A_950 : vector<16xi32>
      %gather3A_952 = tpu.vector_load_idx %arg9[%broadcast_in_dim3A_946, %broadcast_in_dim3A_948, %add3A_951, %broadcast_in_dim3A_941] : memref<2x4x32x128xf32, #tpu.memory_space<vmem>>[vector<16xi32>, vector<16xi32>, vector<16xi32>, vector<16xi32>], vector<16xf32>,
      %gather3A_953 = tpu.vector_load_idx %arg10[%broadcast_in_dim3A_946, %broadcast_in_dim3A_948, %add3A_951, %broadcast_in_dim3A_944] : memref<2x4x32x128xf32, #tpu.memory_space<vmem>>[vector<16xi32>, vector<16xi32>, vector<16xi32>, vector<16xi32>], vector<16xf32>,
      %mul3A_954 = arith.constant 32 : i32
      %mul3A_955 = arith.muli %add3A_938, %mul3A_954 : i32
      %add3A_956 = arith.constant 0 : i32
      %add3A_957 = arith.addi %mul3A_955, %add3A_956 : i32
      %swap3A_958 = arith.index_cast %add3A_957 : i32 to index
      %swap3A_959 = tpu.vector_load %arg11[%swap3A_958] {strides = array<i32>} : memref<16384xf32, #tpu.memory_space<vmem>>, vector<16xf32>,
      tpu.vector_store %arg11[%swap3A_958], %gather3A_952 {strides = array<i32>} : memref<16384xf32, #tpu.memory_space<vmem>>, vector<16xf32>,
      %mul3A_960 = arith.constant 32 : i32
      %mul3A_961 = arith.muli %add3A_938, %mul3A_960 : i32
      %add3A_962 = arith.constant 0 : i32
      %add3A_963 = arith.addi %mul3A_961, %add3A_962 : i32
      %swap3A_964 = arith.index_cast %add3A_963 : i32 to index
      %swap3A_965 = tpu.vector_load %arg12[%swap3A_964] {strides = array<i32>} : memref<16384xf32, #tpu.memory_space<vmem>>, vector<16xf32>,
      tpu.vector_store %arg12[%swap3A_964], %gather3A_953 {strides = array<i32>} : memref<16384xf32, #tpu.memory_space<vmem>>, vector<16xf32>,
      %add3A_966 = arith.constant 16 : i32
      %add3A_967 = vector.broadcast %add3A_966 : i32 to vector<16xi32>
      %add3A_968 = arith.addi %iota3A, %add3A_967 : vector<16xi32>
      %gather3A_969 = tpu.vector_load_idx %arg9[%broadcast_in_dim3A_946, %broadcast_in_dim3A_948, %add3A_968, %broadcast_in_dim3A_941] : memref<2x4x32x128xf32, #tpu.memory_space<vmem>>[vector<16xi32>, vector<16xi32>, vector<16xi32>, vector<16xi32>], vector<16xf32>,
      %gather3A_970 = tpu.vector_load_idx %arg10[%broadcast_in_dim3A_946, %broadcast_in_dim3A_948, %add3A_968, %broadcast_in_dim3A_944] : memref<2x4x32x128xf32, #tpu.memory_space<vmem>>[vector<16xi32>, vector<16xi32>, vector<16xi32>, vector<16xi32>], vector<16xf32>,
      %mul3A_971 = arith.constant 32 : i32
      %mul3A_972 = arith.muli %add3A_938, %mul3A_971 : i32
      %add3A_973 = arith.constant 16 : i32
      %add3A_974 = arith.addi %mul3A_972, %add3A_973 : i32
      %swap3A_975 = arith.index_cast %add3A_974 : i32 to index
      %swap3A_976 = tpu.vector_load %arg11[%swap3A_975] {strides = array<i32>} : memref<16384xf32, #tpu.memory_space<vmem>>, vector<16xf32>,
      tpu.vector_store %arg11[%swap3A_975], %gather3A_969 {strides = array<i32>} : memref<16384xf32, #tpu.memory_space<vmem>>, vector<16xf32>,
      %mul3A_977 = arith.constant 32 : i32
      %mul3A_978 = arith.muli %add3A_938, %mul3A_977 : i32
      %add3A_979 = arith.constant 16 : i32
      %add3A_980 = arith.addi %mul3A_978, %add3A_979 : i32
      %swap3A_981 = arith.index_cast %add3A_980 : i32 to index
      %swap3A_982 = tpu.vector_load %arg12[%swap3A_981] {strides = array<i32>} : memref<16384xf32, #tpu.memory_space<vmem>>, vector<16xf32>,
      tpu.vector_store %arg12[%swap3A_981], %gather3A_970 {strides = array<i32>} : memref<16384xf32, #tpu.memory_space<vmem>>, vector<16xf32>,
      %mul3A_983 = arith.constant 4 : i32
      %mul3A_984 = arith.muli %add3A_822, %mul3A_983 : i32
      %add3A_985 = arith.constant 3 : i32
      %add3A_986 = arith.addi %mul3A_984, %add3A_985 : i32
      %and3A_987 = arith.constant 127 : i32
      %and3A_988 = arith.andi %squeeze3A_830, %and3A_987 : i32
      %broadcast_in_dim3A_989 = vector.broadcast %and3A_988 : i32 to vector<16xi32>
      %and3A_990 = arith.constant 127 : i32
      %and3A_991 = arith.andi %squeeze3A_838, %and3A_990 : i32
      %broadcast_in_dim3A_992 = vector.broadcast %and3A_991 : i32 to vector<16xi32>
      %broadcast_in_dim3A_993 = arith.constant 1 : i32
      %broadcast_in_dim3A_994 = vector.broadcast %broadcast_in_dim3A_993 : i32 to vector<16xi32>
      %broadcast_in_dim3A_995 = arith.constant 3 : i32
      %broadcast_in_dim3A_996 = vector.broadcast %broadcast_in_dim3A_995 : i32 to vector<16xi32>
      %add3A_997 = arith.constant 0 : i32
      %add3A_998 = vector.broadcast %add3A_997 : i32 to vector<16xi32>
      %add3A_999 = arith.addi %iota3A, %add3A_998 : vector<16xi32>
      %gather3A_1000 = tpu.vector_load_idx %arg9[%broadcast_in_dim3A_994, %broadcast_in_dim3A_996, %add3A_999, %broadcast_in_dim3A_989] : memref<2x4x32x128xf32, #tpu.memory_space<vmem>>[vector<16xi32>, vector<16xi32>, vector<16xi32>, vector<16xi32>], vector<16xf32>,
      %gather3A_1001 = tpu.vector_load_idx %arg10[%broadcast_in_dim3A_994, %broadcast_in_dim3A_996, %add3A_999, %broadcast_in_dim3A_992] : memref<2x4x32x128xf32, #tpu.memory_space<vmem>>[vector<16xi32>, vector<16xi32>, vector<16xi32>, vector<16xi32>], vector<16xf32>,
      %mul3A_1002 = arith.constant 32 : i32
      %mul3A_1003 = arith.muli %add3A_986, %mul3A_1002 : i32
      %add3A_1004 = arith.constant 0 : i32
      %add3A_1005 = arith.addi %mul3A_1003, %add3A_1004 : i32
      %swap3A_1006 = arith.index_cast %add3A_1005 : i32 to index
      %swap3A_1007 = tpu.vector_load %arg11[%swap3A_1006] {strides = array<i32>} : memref<16384xf32, #tpu.memory_space<vmem>>, vector<16xf32>,
      tpu.vector_store %arg11[%swap3A_1006], %gather3A_1000 {strides = array<i32>} : memref<16384xf32, #tpu.memory_space<vmem>>, vector<16xf32>,
      %mul3A_1008 = arith.constant 32 : i32
      %mul3A_1009 = arith.muli %add3A_986, %mul3A_1008 : i32
      %add3A_1010 = arith.constant 0 : i32
      %add3A_1011 = arith.addi %mul3A_1009, %add3A_1010 : i32
      %swap3A_1012 = arith.index_cast %add3A_1011 : i32 to index
      %swap3A_1013 = tpu.vector_load %arg12[%swap3A_1012] {strides = array<i32>} : memref<16384xf32, #tpu.memory_space<vmem>>, vector<16xf32>,
      tpu.vector_store %arg12[%swap3A_1012], %gather3A_1001 {strides = array<i32>} : memref<16384xf32, #tpu.memory_space<vmem>>, vector<16xf32>,
      %add3A_1014 = arith.constant 16 : i32
      %add3A_1015 = vector.broadcast %add3A_1014 : i32 to vector<16xi32>
      %add3A_1016 = arith.addi %iota3A, %add3A_1015 : vector<16xi32>
      %gather3A_1017 = tpu.vector_load_idx %arg9[%broadcast_in_dim3A_994, %broadcast_in_dim3A_996, %add3A_1016, %broadcast_in_dim3A_989] : memref<2x4x32x128xf32, #tpu.memory_space<vmem>>[vector<16xi32>, vector<16xi32>, vector<16xi32>, vector<16xi32>], vector<16xf32>,
      %gather3A_1018 = tpu.vector_load_idx %arg10[%broadcast_in_dim3A_994, %broadcast_in_dim3A_996, %add3A_1016, %broadcast_in_dim3A_992] : memref<2x4x32x128xf32, #tpu.memory_space<vmem>>[vector<16xi32>, vector<16xi32>, vector<16xi32>, vector<16xi32>], vector<16xf32>,
      %mul3A_1019 = arith.constant 32 : i32
      %mul3A_1020 = arith.muli %add3A_986, %mul3A_1019 : i32
      %add3A_1021 = arith.constant 16 : i32
      %add3A_1022 = arith.addi %mul3A_1020, %add3A_1021 : i32
      %swap3A_1023 = arith.index_cast %add3A_1022 : i32 to index
      %swap3A_1024 = tpu.vector_load %arg11[%swap3A_1023] {strides = array<i32>} : memref<16384xf32, #tpu.memory_space<vmem>>, vector<16xf32>,
      tpu.vector_store %arg11[%swap3A_1023], %gather3A_1017 {strides = array<i32>} : memref<16384xf32, #tpu.memory_space<vmem>>, vector<16xf32>,
      %mul3A_1025 = arith.constant 32 : i32
      %mul3A_1026 = arith.muli %add3A_986, %mul3A_1025 : i32
      %add3A_1027 = arith.constant 16 : i32
      %add3A_1028 = arith.addi %mul3A_1026, %add3A_1027 : i32
      %swap3A_1029 = arith.index_cast %add3A_1028 : i32 to index
      %swap3A_1030 = tpu.vector_load %arg12[%swap3A_1029] {strides = array<i32>} : memref<16384xf32, #tpu.memory_space<vmem>>, vector<16xf32>,
      tpu.vector_store %arg12[%swap3A_1029], %gather3A_1018 {strides = array<i32>} : memref<16384xf32, #tpu.memory_space<vmem>>, vector<16xf32>,
      %add3A_1031 = arith.constant 3 : i32
      %add3A_1032 = arith.addi %add3A_349, %add3A_1031 : i32
      %lt3A_1033 = arith.constant 128 : i32
      %lt3A_1034 = arith.cmpi slt, %add3A_1032, %lt3A_1033 : i32
      %convert_element_type3A_1035 = arith.extui %lt3A_1034 : i1 to i32
      %cond3A_1036 = arith.constant 0 : i32
      %cond3A_1037 = arith.cmpi ne, %convert_element_type3A_1035, %cond3A_1036 : i32
      scf.if %cond3A_1037 {
        %slice3A_1038 = vector.extract_strided_slice %get3A_353 {offsets = [12], sizes = [1], strides = [1]} : vector<16xi32> to vector<1xi32>
        %squeeze3A_1039 = vector.extract %slice3A_1038[0] : i32 from vector<1xi32>
        %slice3A_1040 = vector.extract_strided_slice %get3A_353 {offsets = [13], sizes = [1], strides = [1]} : vector<16xi32> to vector<1xi32>
        %squeeze3A_1041 = vector.extract %slice3A_1040[0] : i32 from vector<1xi32>
        %slice3A_1042 = vector.extract_strided_slice %get3A_353 {offsets = [14], sizes = [1], strides = [1]} : vector<16xi32> to vector<1xi32>
        %squeeze3A_1043 = vector.extract %slice3A_1042[0] : i32 from vector<1xi32>
        %slice3A_1044 = vector.extract_strided_slice %get3A_353 {offsets = [15], sizes = [1], strides = [1]} : vector<16xi32> to vector<1xi32>
        %squeeze3A_1045 = vector.extract %slice3A_1044[0] : i32 from vector<1xi32>
        %slice3A_1046 = vector.extract_strided_slice %get3A_357 {offsets = [12], sizes = [1], strides = [1]} : vector<16xi32> to vector<1xi32>
        %squeeze3A_1047 = vector.extract %slice3A_1046[0] : i32 from vector<1xi32>
        %slice3A_1048 = vector.extract_strided_slice %get3A_357 {offsets = [13], sizes = [1], strides = [1]} : vector<16xi32> to vector<1xi32>
        %squeeze3A_1049 = vector.extract %slice3A_1048[0] : i32 from vector<1xi32>
        %slice3A_1050 = vector.extract_strided_slice %get3A_357 {offsets = [14], sizes = [1], strides = [1]} : vector<16xi32> to vector<1xi32>
        %squeeze3A_1051 = vector.extract %slice3A_1050[0] : i32 from vector<1xi32>
        %slice3A_1052 = vector.extract_strided_slice %get3A_357 {offsets = [15], sizes = [1], strides = [1]} : vector<16xi32> to vector<1xi32>
        %squeeze3A_1053 = vector.extract %slice3A_1052[0] : i32 from vector<1xi32>
        %shift_right_arithmetic3A_1054 = arith.constant 7 : i32
        %shift_right_arithmetic3A_1055 = arith.shrsi %squeeze3A_1039, %shift_right_arithmetic3A_1054 : i32
        %shift_left3A_1056 = arith.constant 7 : i32
        %shift_left3A_1057 = arith.shli %shift_right_arithmetic3A_1055, %shift_left3A_1056 : i32
        %multiple_of3A_1058 = tpu.assume_multiple %shift_left3A_1057, 128 : i32
        %shift_right_arithmetic3A_1059 = arith.constant 7 : i32
        %shift_right_arithmetic3A_1060 = arith.shrsi %squeeze3A_1047, %shift_right_arithmetic3A_1059 : i32
        %shift_left3A_1061 = arith.constant 7 : i32
        %shift_left3A_1062 = arith.shli %shift_right_arithmetic3A_1060, %shift_left3A_1061 : i32
        %multiple_of3A_1063 = tpu.assume_multiple %shift_left3A_1062, 128 : i32
        %dma_start3A_1064 = arith.constant 1 : i32
        %dma_start3A_1065 = arith.constant 0 : i32
        %dma_start3A_1066 = arith.constant 0 : i32
        %dma_start3A_1067 = arith.constant 0 : i32
        %dma_start3A_1068 = tpu.memref_slice %arg9[%dma_start3A_1064, %dma_start3A_1065, %dma_start3A_1066, %dma_start3A_1067] : memref<2x4x32x128xf32, #tpu.memory_space<vmem>> -> memref<1x1x32x128xf32, #tpu.memory_space<vmem>>
        %dma_start3A_1069 = tpu.memref_squeeze %dma_start3A_1068 : memref<1x1x32x128xf32, #tpu.memory_space<vmem>> -> memref<32x128xf32, #tpu.memory_space<vmem>>
        %dma_start3A_1070 = arith.constant 0 : i32
        %dma_start3A_1071 = tpu.memref_slice %arg4[%dma_start3A_1070, %multiple_of3A_1058] : memref<32x1000000xf32, #tpu.memory_space<hbm>> -> memref<32x128xf32, #tpu.memory_space<hbm>>
        %dma_start3A_1072 = arith.constant 0 : i32
        %dma_start3A_1073 = arith.constant 0 : i32
        %dma_start3A_1074 = tpu.memref_slice %arg9[%dma_start3A_1064, %dma_start3A_1065, %dma_start3A_1072, %dma_start3A_1073] : memref<2x4x32x128xf32, #tpu.memory_space<vmem>> -> memref<1x1x32x128xf32, #tpu.memory_space<vmem>>
        %dma_start3A_1075 = tpu.memref_squeeze %dma_start3A_1074 : memref<1x1x32x128xf32, #tpu.memory_space<vmem>> -> memref<32x128xf32, #tpu.memory_space<vmem>>
        %dma_start3A_1076 = arith.constant 0 : i32
        %dma_start3A_1077 = tpu.memref_slice %arg4[%dma_start3A_1076, %multiple_of3A_1058] : memref<32x1000000xf32, #tpu.memory_space<hbm>> -> memref<32x128xf32, #tpu.memory_space<hbm>>
        tpu.enqueue_dma source(%dma_start3A_1077 : memref<32x128xf32, #tpu.memory_space<hbm>>) target(%dma_start3A_1075 : memref<32x128xf32, #tpu.memory_space<vmem>>) target_semaphore(%arg15 : memref<!tpu.dma_semaphore, #tpu.memory_space<semaphore_mem>>)
        %dma_start3A_1078 = arith.constant 1 : i32
        %dma_start3A_1079 = arith.constant 0 : i32
        %dma_start3A_1080 = arith.constant 0 : i32
        %dma_start3A_1081 = arith.constant 0 : i32
        %dma_start3A_1082 = tpu.memref_slice %arg10[%dma_start3A_1078, %dma_start3A_1079, %dma_start3A_1080, %dma_start3A_1081] : memref<2x4x32x128xf32, #tpu.memory_space<vmem>> -> memref<1x1x32x128xf32, #tpu.memory_space<vmem>>
        %dma_start3A_1083 = tpu.memref_squeeze %dma_start3A_1082 : memref<1x1x32x128xf32, #tpu.memory_space<vmem>> -> memref<32x128xf32, #tpu.memory_space<vmem>>
        %dma_start3A_1084 = arith.constant 0 : i32
        %dma_start3A_1085 = tpu.memref_slice %arg5[%dma_start3A_1084, %multiple_of3A_1063] : memref<32x1000000xf32, #tpu.memory_space<hbm>> -> memref<32x128xf32, #tpu.memory_space<hbm>>
        %dma_start3A_1086 = arith.constant 0 : i32
        %dma_start3A_1087 = arith.constant 0 : i32
        %dma_start3A_1088 = tpu.memref_slice %arg10[%dma_start3A_1078, %dma_start3A_1079, %dma_start3A_1086, %dma_start3A_1087] : memref<2x4x32x128xf32, #tpu.memory_space<vmem>> -> memref<1x1x32x128xf32, #tpu.memory_space<vmem>>
        %dma_start3A_1089 = tpu.memref_squeeze %dma_start3A_1088 : memref<1x1x32x128xf32, #tpu.memory_space<vmem>> -> memref<32x128xf32, #tpu.memory_space<vmem>>
        %dma_start3A_1090 = arith.constant 0 : i32
        %dma_start3A_1091 = tpu.memref_slice %arg5[%dma_start3A_1090, %multiple_of3A_1063] : memref<32x1000000xf32, #tpu.memory_space<hbm>> -> memref<32x128xf32, #tpu.memory_space<hbm>>
        tpu.enqueue_dma source(%dma_start3A_1091 : memref<32x128xf32, #tpu.memory_space<hbm>>) target(%dma_start3A_1089 : memref<32x128xf32, #tpu.memory_space<vmem>>) target_semaphore(%arg15 : memref<!tpu.dma_semaphore, #tpu.memory_space<semaphore_mem>>)
        %shift_right_arithmetic3A_1092 = arith.constant 7 : i32
        %shift_right_arithmetic3A_1093 = arith.shrsi %squeeze3A_1041, %shift_right_arithmetic3A_1092 : i32
        %shift_left3A_1094 = arith.constant 7 : i32
        %shift_left3A_1095 = arith.shli %shift_right_arithmetic3A_1093, %shift_left3A_1094 : i32
        %multiple_of3A_1096 = tpu.assume_multiple %shift_left3A_1095, 128 : i32
        %shift_right_arithmetic3A_1097 = arith.constant 7 : i32
        %shift_right_arithmetic3A_1098 = arith.shrsi %squeeze3A_1049, %shift_right_arithmetic3A_1097 : i32
        %shift_left3A_1099 = arith.constant 7 : i32
        %shift_left3A_1100 = arith.shli %shift_right_arithmetic3A_1098, %shift_left3A_1099 : i32
        %multiple_of3A_1101 = tpu.assume_multiple %shift_left3A_1100, 128 : i32
        %dma_start3A_1102 = arith.constant 1 : i32
        %dma_start3A_1103 = arith.constant 1 : i32
        %dma_start3A_1104 = arith.constant 0 : i32
        %dma_start3A_1105 = arith.constant 0 : i32
        %dma_start3A_1106 = tpu.memref_slice %arg9[%dma_start3A_1102, %dma_start3A_1103, %dma_start3A_1104, %dma_start3A_1105] : memref<2x4x32x128xf32, #tpu.memory_space<vmem>> -> memref<1x1x32x128xf32, #tpu.memory_space<vmem>>
        %dma_start3A_1107 = tpu.memref_squeeze %dma_start3A_1106 : memref<1x1x32x128xf32, #tpu.memory_space<vmem>> -> memref<32x128xf32, #tpu.memory_space<vmem>>
        %dma_start3A_1108 = arith.constant 0 : i32
        %dma_start3A_1109 = tpu.memref_slice %arg4[%dma_start3A_1108, %multiple_of3A_1096] : memref<32x1000000xf32, #tpu.memory_space<hbm>> -> memref<32x128xf32, #tpu.memory_space<hbm>>
        %dma_start3A_1110 = arith.constant 0 : i32
        %dma_start3A_1111 = arith.constant 0 : i32
        %dma_start3A_1112 = tpu.memref_slice %arg9[%dma_start3A_1102, %dma_start3A_1103, %dma_start3A_1110, %dma_start3A_1111] : memref<2x4x32x128xf32, #tpu.memory_space<vmem>> -> memref<1x1x32x128xf32, #tpu.memory_space<vmem>>
        %dma_start3A_1113 = tpu.memref_squeeze %dma_start3A_1112 : memref<1x1x32x128xf32, #tpu.memory_space<vmem>> -> memref<32x128xf32, #tpu.memory_space<vmem>>
        %dma_start3A_1114 = arith.constant 0 : i32
        %dma_start3A_1115 = tpu.memref_slice %arg4[%dma_start3A_1114, %multiple_of3A_1096] : memref<32x1000000xf32, #tpu.memory_space<hbm>> -> memref<32x128xf32, #tpu.memory_space<hbm>>
        tpu.enqueue_dma source(%dma_start3A_1115 : memref<32x128xf32, #tpu.memory_space<hbm>>) target(%dma_start3A_1113 : memref<32x128xf32, #tpu.memory_space<vmem>>) target_semaphore(%arg15 : memref<!tpu.dma_semaphore, #tpu.memory_space<semaphore_mem>>)
        %dma_start3A_1116 = arith.constant 1 : i32
        %dma_start3A_1117 = arith.constant 1 : i32
        %dma_start3A_1118 = arith.constant 0 : i32
        %dma_start3A_1119 = arith.constant 0 : i32
        %dma_start3A_1120 = tpu.memref_slice %arg10[%dma_start3A_1116, %dma_start3A_1117, %dma_start3A_1118, %dma_start3A_1119] : memref<2x4x32x128xf32, #tpu.memory_space<vmem>> -> memref<1x1x32x128xf32, #tpu.memory_space<vmem>>
        %dma_start3A_1121 = tpu.memref_squeeze %dma_start3A_1120 : memref<1x1x32x128xf32, #tpu.memory_space<vmem>> -> memref<32x128xf32, #tpu.memory_space<vmem>>
        %dma_start3A_1122 = arith.constant 0 : i32
        %dma_start3A_1123 = tpu.memref_slice %arg5[%dma_start3A_1122, %multiple_of3A_1101] : memref<32x1000000xf32, #tpu.memory_space<hbm>> -> memref<32x128xf32, #tpu.memory_space<hbm>>
        %dma_start3A_1124 = arith.constant 0 : i32
        %dma_start3A_1125 = arith.constant 0 : i32
        %dma_start3A_1126 = tpu.memref_slice %arg10[%dma_start3A_1116, %dma_start3A_1117, %dma_start3A_1124, %dma_start3A_1125] : memref<2x4x32x128xf32, #tpu.memory_space<vmem>> -> memref<1x1x32x128xf32, #tpu.memory_space<vmem>>
        %dma_start3A_1127 = tpu.memref_squeeze %dma_start3A_1126 : memref<1x1x32x128xf32, #tpu.memory_space<vmem>> -> memref<32x128xf32, #tpu.memory_space<vmem>>
        %dma_start3A_1128 = arith.constant 0 : i32
        %dma_start3A_1129 = tpu.memref_slice %arg5[%dma_start3A_1128, %multiple_of3A_1101] : memref<32x1000000xf32, #tpu.memory_space<hbm>> -> memref<32x128xf32, #tpu.memory_space<hbm>>
        tpu.enqueue_dma source(%dma_start3A_1129 : memref<32x128xf32, #tpu.memory_space<hbm>>) target(%dma_start3A_1127 : memref<32x128xf32, #tpu.memory_space<vmem>>) target_semaphore(%arg15 : memref<!tpu.dma_semaphore, #tpu.memory_space<semaphore_mem>>)
        %shift_right_arithmetic3A_1130 = arith.constant 7 : i32
        %shift_right_arithmetic3A_1131 = arith.shrsi %squeeze3A_1043, %shift_right_arithmetic3A_1130 : i32
        %shift_left3A_1132 = arith.constant 7 : i32
        %shift_left3A_1133 = arith.shli %shift_right_arithmetic3A_1131, %shift_left3A_1132 : i32
        %multiple_of3A_1134 = tpu.assume_multiple %shift_left3A_1133, 128 : i32
        %shift_right_arithmetic3A_1135 = arith.constant 7 : i32
        %shift_right_arithmetic3A_1136 = arith.shrsi %squeeze3A_1051, %shift_right_arithmetic3A_1135 : i32
        %shift_left3A_1137 = arith.constant 7 : i32
        %shift_left3A_1138 = arith.shli %shift_right_arithmetic3A_1136, %shift_left3A_1137 : i32
        %multiple_of3A_1139 = tpu.assume_multiple %shift_left3A_1138, 128 : i32
        %dma_start3A_1140 = arith.constant 1 : i32
        %dma_start3A_1141 = arith.constant 2 : i32
        %dma_start3A_1142 = arith.constant 0 : i32
        %dma_start3A_1143 = arith.constant 0 : i32
        %dma_start3A_1144 = tpu.memref_slice %arg9[%dma_start3A_1140, %dma_start3A_1141, %dma_start3A_1142, %dma_start3A_1143] : memref<2x4x32x128xf32, #tpu.memory_space<vmem>> -> memref<1x1x32x128xf32, #tpu.memory_space<vmem>>
        %dma_start3A_1145 = tpu.memref_squeeze %dma_start3A_1144 : memref<1x1x32x128xf32, #tpu.memory_space<vmem>> -> memref<32x128xf32, #tpu.memory_space<vmem>>
        %dma_start3A_1146 = arith.constant 0 : i32
        %dma_start3A_1147 = tpu.memref_slice %arg4[%dma_start3A_1146, %multiple_of3A_1134] : memref<32x1000000xf32, #tpu.memory_space<hbm>> -> memref<32x128xf32, #tpu.memory_space<hbm>>
        %dma_start3A_1148 = arith.constant 0 : i32
        %dma_start3A_1149 = arith.constant 0 : i32
        %dma_start3A_1150 = tpu.memref_slice %arg9[%dma_start3A_1140, %dma_start3A_1141, %dma_start3A_1148, %dma_start3A_1149] : memref<2x4x32x128xf32, #tpu.memory_space<vmem>> -> memref<1x1x32x128xf32, #tpu.memory_space<vmem>>
        %dma_start3A_1151 = tpu.memref_squeeze %dma_start3A_1150 : memref<1x1x32x128xf32, #tpu.memory_space<vmem>> -> memref<32x128xf32, #tpu.memory_space<vmem>>
        %dma_start3A_1152 = arith.constant 0 : i32
        %dma_start3A_1153 = tpu.memref_slice %arg4[%dma_start3A_1152, %multiple_of3A_1134] : memref<32x1000000xf32, #tpu.memory_space<hbm>> -> memref<32x128xf32, #tpu.memory_space<hbm>>
        tpu.enqueue_dma source(%dma_start3A_1153 : memref<32x128xf32, #tpu.memory_space<hbm>>) target(%dma_start3A_1151 : memref<32x128xf32, #tpu.memory_space<vmem>>) target_semaphore(%arg15 : memref<!tpu.dma_semaphore, #tpu.memory_space<semaphore_mem>>)
        %dma_start3A_1154 = arith.constant 1 : i32
        %dma_start3A_1155 = arith.constant 2 : i32
        %dma_start3A_1156 = arith.constant 0 : i32
        %dma_start3A_1157 = arith.constant 0 : i32
        %dma_start3A_1158 = tpu.memref_slice %arg10[%dma_start3A_1154, %dma_start3A_1155, %dma_start3A_1156, %dma_start3A_1157] : memref<2x4x32x128xf32, #tpu.memory_space<vmem>> -> memref<1x1x32x128xf32, #tpu.memory_space<vmem>>
        %dma_start3A_1159 = tpu.memref_squeeze %dma_start3A_1158 : memref<1x1x32x128xf32, #tpu.memory_space<vmem>> -> memref<32x128xf32, #tpu.memory_space<vmem>>
        %dma_start3A_1160 = arith.constant 0 : i32
        %dma_start3A_1161 = tpu.memref_slice %arg5[%dma_start3A_1160, %multiple_of3A_1139] : memref<32x1000000xf32, #tpu.memory_space<hbm>> -> memref<32x128xf32, #tpu.memory_space<hbm>>
        %dma_start3A_1162 = arith.constant 0 : i32
        %dma_start3A_1163 = arith.constant 0 : i32
        %dma_start3A_1164 = tpu.memref_slice %arg10[%dma_start3A_1154, %dma_start3A_1155, %dma_start3A_1162, %dma_start3A_1163] : memref<2x4x32x128xf32, #tpu.memory_space<vmem>> -> memref<1x1x32x128xf32, #tpu.memory_space<vmem>>
        %dma_start3A_1165 = tpu.memref_squeeze %dma_start3A_1164 : memref<1x1x32x128xf32, #tpu.memory_space<vmem>> -> memref<32x128xf32, #tpu.memory_space<vmem>>
        %dma_start3A_1166 = arith.constant 0 : i32
        %dma_start3A_1167 = tpu.memref_slice %arg5[%dma_start3A_1166, %multiple_of3A_1139] : memref<32x1000000xf32, #tpu.memory_space<hbm>> -> memref<32x128xf32, #tpu.memory_space<hbm>>
        tpu.enqueue_dma source(%dma_start3A_1167 : memref<32x128xf32, #tpu.memory_space<hbm>>) target(%dma_start3A_1165 : memref<32x128xf32, #tpu.memory_space<vmem>>) target_semaphore(%arg15 : memref<!tpu.dma_semaphore, #tpu.memory_space<semaphore_mem>>)
        %shift_right_arithmetic3A_1168 = arith.constant 7 : i32
        %shift_right_arithmetic3A_1169 = arith.shrsi %squeeze3A_1045, %shift_right_arithmetic3A_1168 : i32
        %shift_left3A_1170 = arith.constant 7 : i32
        %shift_left3A_1171 = arith.shli %shift_right_arithmetic3A_1169, %shift_left3A_1170 : i32
        %multiple_of3A_1172 = tpu.assume_multiple %shift_left3A_1171, 128 : i32
        %shift_right_arithmetic3A_1173 = arith.constant 7 : i32
        %shift_right_arithmetic3A_1174 = arith.shrsi %squeeze3A_1053, %shift_right_arithmetic3A_1173 : i32
        %shift_left3A_1175 = arith.constant 7 : i32
        %shift_left3A_1176 = arith.shli %shift_right_arithmetic3A_1174, %shift_left3A_1175 : i32
        %multiple_of3A_1177 = tpu.assume_multiple %shift_left3A_1176, 128 : i32
        %dma_start3A_1178 = arith.constant 1 : i32
        %dma_start3A_1179 = arith.constant 3 : i32
        %dma_start3A_1180 = arith.constant 0 : i32
        %dma_start3A_1181 = arith.constant 0 : i32
        %dma_start3A_1182 = tpu.memref_slice %arg9[%dma_start3A_1178, %dma_start3A_1179, %dma_start3A_1180, %dma_start3A_1181] : memref<2x4x32x128xf32, #tpu.memory_space<vmem>> -> memref<1x1x32x128xf32, #tpu.memory_space<vmem>>
        %dma_start3A_1183 = tpu.memref_squeeze %dma_start3A_1182 : memref<1x1x32x128xf32, #tpu.memory_space<vmem>> -> memref<32x128xf32, #tpu.memory_space<vmem>>
        %dma_start3A_1184 = arith.constant 0 : i32
        %dma_start3A_1185 = tpu.memref_slice %arg4[%dma_start3A_1184, %multiple_of3A_1172] : memref<32x1000000xf32, #tpu.memory_space<hbm>> -> memref<32x128xf32, #tpu.memory_space<hbm>>
        %dma_start3A_1186 = arith.constant 0 : i32
        %dma_start3A_1187 = arith.constant 0 : i32
        %dma_start3A_1188 = tpu.memref_slice %arg9[%dma_start3A_1178, %dma_start3A_1179, %dma_start3A_1186, %dma_start3A_1187] : memref<2x4x32x128xf32, #tpu.memory_space<vmem>> -> memref<1x1x32x128xf32, #tpu.memory_space<vmem>>
        %dma_start3A_1189 = tpu.memref_squeeze %dma_start3A_1188 : memref<1x1x32x128xf32, #tpu.memory_space<vmem>> -> memref<32x128xf32, #tpu.memory_space<vmem>>
        %dma_start3A_1190 = arith.constant 0 : i32
        %dma_start3A_1191 = tpu.memref_slice %arg4[%dma_start3A_1190, %multiple_of3A_1172] : memref<32x1000000xf32, #tpu.memory_space<hbm>> -> memref<32x128xf32, #tpu.memory_space<hbm>>
        tpu.enqueue_dma source(%dma_start3A_1191 : memref<32x128xf32, #tpu.memory_space<hbm>>) target(%dma_start3A_1189 : memref<32x128xf32, #tpu.memory_space<vmem>>) target_semaphore(%arg15 : memref<!tpu.dma_semaphore, #tpu.memory_space<semaphore_mem>>)
        %dma_start3A_1192 = arith.constant 1 : i32
        %dma_start3A_1193 = arith.constant 3 : i32
        %dma_start3A_1194 = arith.constant 0 : i32
        %dma_start3A_1195 = arith.constant 0 : i32
        %dma_start3A_1196 = tpu.memref_slice %arg10[%dma_start3A_1192, %dma_start3A_1193, %dma_start3A_1194, %dma_start3A_1195] : memref<2x4x32x128xf32, #tpu.memory_space<vmem>> -> memref<1x1x32x128xf32, #tpu.memory_space<vmem>>
        %dma_start3A_1197 = tpu.memref_squeeze %dma_start3A_1196 : memref<1x1x32x128xf32, #tpu.memory_space<vmem>> -> memref<32x128xf32, #tpu.memory_space<vmem>>
        %dma_start3A_1198 = arith.constant 0 : i32
        %dma_start3A_1199 = tpu.memref_slice %arg5[%dma_start3A_1198, %multiple_of3A_1177] : memref<32x1000000xf32, #tpu.memory_space<hbm>> -> memref<32x128xf32, #tpu.memory_space<hbm>>
        %dma_start3A_1200 = arith.constant 0 : i32
        %dma_start3A_1201 = arith.constant 0 : i32
        %dma_start3A_1202 = tpu.memref_slice %arg10[%dma_start3A_1192, %dma_start3A_1193, %dma_start3A_1200, %dma_start3A_1201] : memref<2x4x32x128xf32, #tpu.memory_space<vmem>> -> memref<1x1x32x128xf32, #tpu.memory_space<vmem>>
        %dma_start3A_1203 = tpu.memref_squeeze %dma_start3A_1202 : memref<1x1x32x128xf32, #tpu.memory_space<vmem>> -> memref<32x128xf32, #tpu.memory_space<vmem>>
        %dma_start3A_1204 = arith.constant 0 : i32
        %dma_start3A_1205 = tpu.memref_slice %arg5[%dma_start3A_1204, %multiple_of3A_1177] : memref<32x1000000xf32, #tpu.memory_space<hbm>> -> memref<32x128xf32, #tpu.memory_space<hbm>>
        tpu.enqueue_dma source(%dma_start3A_1205 : memref<32x128xf32, #tpu.memory_space<hbm>>) target(%dma_start3A_1203 : memref<32x128xf32, #tpu.memory_space<vmem>>) target_semaphore(%arg15 : memref<!tpu.dma_semaphore, #tpu.memory_space<semaphore_mem>>)
      } else {
      }
    }
    %scan3A_339 = arith.constant 64 : i32
    %scan3A_340 = arith.constant 0 : i32
    %scan3A_341 = arith.constant 32 : i32
    %scan3A_342 = arith.addi %scan3A_340, %scan3A_341 : i32
    %scan3A_343 = arith.constant 1 : i32
    scf.for %scan3A_345 = %scan3A_340 to %scan3A_342 step %scan3A_343  : i32 {
      %mul3A_346 = arith.constant 1 : i32
      %mul3A_347 = arith.muli %scan3A_345, %mul3A_346 : i32
      %add3A_348 = arith.constant 0 : i32
      %add3A_349 = arith.addi %add3A_348, %mul3A_347 : i32
      %mul3A_350 = arith.constant 16 : i32
      %mul3A_351 = arith.muli %add3A_349, %mul3A_350 : i32
      %add3A_352 = vector.broadcast %mul3A_351 : i32 to vector<16xi32>
      %add3A_353 = arith.addi %add3A_352, %iota3A : vector<16xi32>
      %mul3A_354 = arith.constant 32 : i32
      %mul3A_355 = vector.broadcast %mul3A_354 : i32 to vector<16xi32>
      %mul3A_356 = arith.muli %add3A_353, %mul3A_355 : vector<16xi32>
      %broadcast_in_dim3A = arith.constant 0.000000e+00 : f32
      %broadcast_in_dim3A_357 = vector.broadcast %broadcast_in_dim3A : f32 to vector<16xf32>
      %add3A_358 = arith.constant 0 : i32
      %add3A_359 = vector.broadcast %add3A_358 : i32 to vector<16xi32>
      %add3A_360 = arith.addi %mul3A_356, %add3A_359 : vector<16xi32>
      %gather3A = tpu.vector_load_idx %arg11[%add3A_360] : memref<16384xf32, #tpu.memory_space<vmem>>[vector<16xi32>], vector<16xf32>,
      %add3A_361 = arith.constant 0 : i32
      %add3A_362 = vector.broadcast %add3A_361 : i32 to vector<16xi32>
      %add3A_363 = arith.addi %mul3A_356, %add3A_362 : vector<16xi32>
      %gather3A_364 = tpu.vector_load_idx %arg12[%add3A_363] : memref<16384xf32, #tpu.memory_space<vmem>>[vector<16xi32>], vector<16xf32>,
      %mul3A_365 = arith.mulf %gather3A, %gather3A_364 : vector<16xf32>
      %add3A_366 = arith.addf %broadcast_in_dim3A_357, %mul3A_365 : vector<16xf32>
      %add3A_367 = arith.constant 1 : i32
      %add3A_368 = vector.broadcast %add3A_367 : i32 to vector<16xi32>
      %add3A_369 = arith.addi %mul3A_356, %add3A_368 : vector<16xi32>
      %gather3A_370 = tpu.vector_load_idx %arg11[%add3A_369] : memref<16384xf32, #tpu.memory_space<vmem>>[vector<16xi32>], vector<16xf32>,
      %add3A_371 = arith.constant 1 : i32
      %add3A_372 = vector.broadcast %add3A_371 : i32 to vector<16xi32>
      %add3A_373 = arith.addi %mul3A_356, %add3A_372 : vector<16xi32>
      %gather3A_374 = tpu.vector_load_idx %arg12[%add3A_373] : memref<16384xf32, #tpu.memory_space<vmem>>[vector<16xi32>], vector<16xf32>,
      %mul3A_375 = arith.mulf %gather3A_370, %gather3A_374 : vector<16xf32>
      %add3A_376 = arith.addf %add3A_366, %mul3A_375 : vector<16xf32>
      %add3A_377 = arith.constant 2 : i32
      %add3A_378 = vector.broadcast %add3A_377 : i32 to vector<16xi32>
      %add3A_379 = arith.addi %mul3A_356, %add3A_378 : vector<16xi32>
      %gather3A_380 = tpu.vector_load_idx %arg11[%add3A_379] : memref<16384xf32, #tpu.memory_space<vmem>>[vector<16xi32>], vector<16xf32>,
      %add3A_381 = arith.constant 2 : i32
      %add3A_382 = vector.broadcast %add3A_381 : i32 to vector<16xi32>
      %add3A_383 = arith.addi %mul3A_356, %add3A_382 : vector<16xi32>
      %gather3A_384 = tpu.vector_load_idx %arg12[%add3A_383] : memref<16384xf32, #tpu.memory_space<vmem>>[vector<16xi32>], vector<16xf32>,
      %mul3A_385 = arith.mulf %gather3A_380, %gather3A_384 : vector<16xf32>
      %add3A_386 = arith.addf %add3A_376, %mul3A_385 : vector<16xf32>
      %add3A_387 = arith.constant 3 : i32
      %add3A_388 = vector.broadcast %add3A_387 : i32 to vector<16xi32>
      %add3A_389 = arith.addi %mul3A_356, %add3A_388 : vector<16xi32>
      %gather3A_390 = tpu.vector_load_idx %arg11[%add3A_389] : memref<16384xf32, #tpu.memory_space<vmem>>[vector<16xi32>], vector<16xf32>,
      %add3A_391 = arith.constant 3 : i32
      %add3A_392 = vector.broadcast %add3A_391 : i32 to vector<16xi32>
      %add3A_393 = arith.addi %mul3A_356, %add3A_392 : vector<16xi32>
      %gather3A_394 = tpu.vector_load_idx %arg12[%add3A_393] : memref<16384xf32, #tpu.memory_space<vmem>>[vector<16xi32>], vector<16xf32>,
      %mul3A_395 = arith.mulf %gather3A_390, %gather3A_394 : vector<16xf32>
      %add3A_396 = arith.addf %add3A_386, %mul3A_395 : vector<16xf32>
      %add3A_397 = arith.constant 4 : i32
      %add3A_398 = vector.broadcast %add3A_397 : i32 to vector<16xi32>
      %add3A_399 = arith.addi %mul3A_356, %add3A_398 : vector<16xi32>
      %gather3A_400 = tpu.vector_load_idx %arg11[%add3A_399] : memref<16384xf32, #tpu.memory_space<vmem>>[vector<16xi32>], vector<16xf32>,
      %add3A_401 = arith.constant 4 : i32
      %add3A_402 = vector.broadcast %add3A_401 : i32 to vector<16xi32>
      %add3A_403 = arith.addi %mul3A_356, %add3A_402 : vector<16xi32>
      %gather3A_404 = tpu.vector_load_idx %arg12[%add3A_403] : memref<16384xf32, #tpu.memory_space<vmem>>[vector<16xi32>], vector<16xf32>,
      %mul3A_405 = arith.mulf %gather3A_400, %gather3A_404 : vector<16xf32>
      %add3A_406 = arith.addf %add3A_396, %mul3A_405 : vector<16xf32>
      %add3A_407 = arith.constant 5 : i32
      %add3A_408 = vector.broadcast %add3A_407 : i32 to vector<16xi32>
      %add3A_409 = arith.addi %mul3A_356, %add3A_408 : vector<16xi32>
      %gather3A_410 = tpu.vector_load_idx %arg11[%add3A_409] : memref<16384xf32, #tpu.memory_space<vmem>>[vector<16xi32>], vector<16xf32>,
      %add3A_411 = arith.constant 5 : i32
      %add3A_412 = vector.broadcast %add3A_411 : i32 to vector<16xi32>
      %add3A_413 = arith.addi %mul3A_356, %add3A_412 : vector<16xi32>
      %gather3A_414 = tpu.vector_load_idx %arg12[%add3A_413] : memref<16384xf32, #tpu.memory_space<vmem>>[vector<16xi32>], vector<16xf32>,
      %mul3A_415 = arith.mulf %gather3A_410, %gather3A_414 : vector<16xf32>
      %add3A_416 = arith.addf %add3A_406, %mul3A_415 : vector<16xf32>
      %add3A_417 = arith.constant 6 : i32
      %add3A_418 = vector.broadcast %add3A_417 : i32 to vector<16xi32>
      %add3A_419 = arith.addi %mul3A_356, %add3A_418 : vector<16xi32>
      %gather3A_420 = tpu.vector_load_idx %arg11[%add3A_419] : memref<16384xf32, #tpu.memory_space<vmem>>[vector<16xi32>], vector<16xf32>,
      %add3A_421 = arith.constant 6 : i32
      %add3A_422 = vector.broadcast %add3A_421 : i32 to vector<16xi32>
      %add3A_423 = arith.addi %mul3A_356, %add3A_422 : vector<16xi32>
      %gather3A_424 = tpu.vector_load_idx %arg12[%add3A_423] : memref<16384xf32, #tpu.memory_space<vmem>>[vector<16xi32>], vector<16xf32>,
      %mul3A_425 = arith.mulf %gather3A_420, %gather3A_424 : vector<16xf32>
      %add3A_426 = arith.addf %add3A_416, %mul3A_425 : vector<16xf32>
      %add3A_427 = arith.constant 7 : i32
      %add3A_428 = vector.broadcast %add3A_427 : i32 to vector<16xi32>
      %add3A_429 = arith.addi %mul3A_356, %add3A_428 : vector<16xi32>
      %gather3A_430 = tpu.vector_load_idx %arg11[%add3A_429] : memref<16384xf32, #tpu.memory_space<vmem>>[vector<16xi32>], vector<16xf32>,
      %add3A_431 = arith.constant 7 : i32
      %add3A_432 = vector.broadcast %add3A_431 : i32 to vector<16xi32>
      %add3A_433 = arith.addi %mul3A_356, %add3A_432 : vector<16xi32>
      %gather3A_434 = tpu.vector_load_idx %arg12[%add3A_433] : memref<16384xf32, #tpu.memory_space<vmem>>[vector<16xi32>], vector<16xf32>,
      %mul3A_435 = arith.mulf %gather3A_430, %gather3A_434 : vector<16xf32>
      %add3A_436 = arith.addf %add3A_426, %mul3A_435 : vector<16xf32>
      %add3A_437 = arith.constant 8 : i32
      %add3A_438 = vector.broadcast %add3A_437 : i32 to vector<16xi32>
      %add3A_439 = arith.addi %mul3A_356, %add3A_438 : vector<16xi32>
      %gather3A_440 = tpu.vector_load_idx %arg11[%add3A_439] : memref<16384xf32, #tpu.memory_space<vmem>>[vector<16xi32>], vector<16xf32>,
      %add3A_441 = arith.constant 8 : i32
      %add3A_442 = vector.broadcast %add3A_441 : i32 to vector<16xi32>
      %add3A_443 = arith.addi %mul3A_356, %add3A_442 : vector<16xi32>
      %gather3A_444 = tpu.vector_load_idx %arg12[%add3A_443] : memref<16384xf32, #tpu.memory_space<vmem>>[vector<16xi32>], vector<16xf32>,
      %mul3A_445 = arith.mulf %gather3A_440, %gather3A_444 : vector<16xf32>
      %add3A_446 = arith.addf %add3A_436, %mul3A_445 : vector<16xf32>
      %add3A_447 = arith.constant 9 : i32
      %add3A_448 = vector.broadcast %add3A_447 : i32 to vector<16xi32>
      %add3A_449 = arith.addi %mul3A_356, %add3A_448 : vector<16xi32>
      %gather3A_450 = tpu.vector_load_idx %arg11[%add3A_449] : memref<16384xf32, #tpu.memory_space<vmem>>[vector<16xi32>], vector<16xf32>,
      %add3A_451 = arith.constant 9 : i32
      %add3A_452 = vector.broadcast %add3A_451 : i32 to vector<16xi32>
      %add3A_453 = arith.addi %mul3A_356, %add3A_452 : vector<16xi32>
      %gather3A_454 = tpu.vector_load_idx %arg12[%add3A_453] : memref<16384xf32, #tpu.memory_space<vmem>>[vector<16xi32>], vector<16xf32>,
      %mul3A_455 = arith.mulf %gather3A_450, %gather3A_454 : vector<16xf32>
      %add3A_456 = arith.addf %add3A_446, %mul3A_455 : vector<16xf32>
      %add3A_457 = arith.constant 10 : i32
      %add3A_458 = vector.broadcast %add3A_457 : i32 to vector<16xi32>
      %add3A_459 = arith.addi %mul3A_356, %add3A_458 : vector<16xi32>
      %gather3A_460 = tpu.vector_load_idx %arg11[%add3A_459] : memref<16384xf32, #tpu.memory_space<vmem>>[vector<16xi32>], vector<16xf32>,
      %add3A_461 = arith.constant 10 : i32
      %add3A_462 = vector.broadcast %add3A_461 : i32 to vector<16xi32>
      %add3A_463 = arith.addi %mul3A_356, %add3A_462 : vector<16xi32>
      %gather3A_464 = tpu.vector_load_idx %arg12[%add3A_463] : memref<16384xf32, #tpu.memory_space<vmem>>[vector<16xi32>], vector<16xf32>,
      %mul3A_465 = arith.mulf %gather3A_460, %gather3A_464 : vector<16xf32>
      %add3A_466 = arith.addf %add3A_456, %mul3A_465 : vector<16xf32>
      %add3A_467 = arith.constant 11 : i32
      %add3A_468 = vector.broadcast %add3A_467 : i32 to vector<16xi32>
      %add3A_469 = arith.addi %mul3A_356, %add3A_468 : vector<16xi32>
      %gather3A_470 = tpu.vector_load_idx %arg11[%add3A_469] : memref<16384xf32, #tpu.memory_space<vmem>>[vector<16xi32>], vector<16xf32>,
      %add3A_471 = arith.constant 11 : i32
      %add3A_472 = vector.broadcast %add3A_471 : i32 to vector<16xi32>
      %add3A_473 = arith.addi %mul3A_356, %add3A_472 : vector<16xi32>
      %gather3A_474 = tpu.vector_load_idx %arg12[%add3A_473] : memref<16384xf32, #tpu.memory_space<vmem>>[vector<16xi32>], vector<16xf32>,
      %mul3A_475 = arith.mulf %gather3A_470, %gather3A_474 : vector<16xf32>
      %add3A_476 = arith.addf %add3A_466, %mul3A_475 : vector<16xf32>
      %add3A_477 = arith.constant 12 : i32
      %add3A_478 = vector.broadcast %add3A_477 : i32 to vector<16xi32>
      %add3A_479 = arith.addi %mul3A_356, %add3A_478 : vector<16xi32>
      %gather3A_480 = tpu.vector_load_idx %arg11[%add3A_479] : memref<16384xf32, #tpu.memory_space<vmem>>[vector<16xi32>], vector<16xf32>,
      %add3A_481 = arith.constant 12 : i32
      %add3A_482 = vector.broadcast %add3A_481 : i32 to vector<16xi32>
      %add3A_483 = arith.addi %mul3A_356, %add3A_482 : vector<16xi32>
      %gather3A_484 = tpu.vector_load_idx %arg12[%add3A_483] : memref<16384xf32, #tpu.memory_space<vmem>>[vector<16xi32>], vector<16xf32>,
      %mul3A_485 = arith.mulf %gather3A_480, %gather3A_484 : vector<16xf32>
      %add3A_486 = arith.addf %add3A_476, %mul3A_485 : vector<16xf32>
      %add3A_487 = arith.constant 13 : i32
      %add3A_488 = vector.broadcast %add3A_487 : i32 to vector<16xi32>
      %add3A_489 = arith.addi %mul3A_356, %add3A_488 : vector<16xi32>
      %gather3A_490 = tpu.vector_load_idx %arg11[%add3A_489] : memref<16384xf32, #tpu.memory_space<vmem>>[vector<16xi32>], vector<16xf32>,
      %add3A_491 = arith.constant 13 : i32
      %add3A_492 = vector.broadcast %add3A_491 : i32 to vector<16xi32>
      %add3A_493 = arith.addi %mul3A_356, %add3A_492 : vector<16xi32>
      %gather3A_494 = tpu.vector_load_idx %arg12[%add3A_493] : memref<16384xf32, #tpu.memory_space<vmem>>[vector<16xi32>], vector<16xf32>,
      %mul3A_495 = arith.mulf %gather3A_490, %gather3A_494 : vector<16xf32>
      %add3A_496 = arith.addf %add3A_486, %mul3A_495 : vector<16xf32>
      %add3A_497 = arith.constant 14 : i32
      %add3A_498 = vector.broadcast %add3A_497 : i32 to vector<16xi32>
      %add3A_499 = arith.addi %mul3A_356, %add3A_498 : vector<16xi32>
      %gather3A_500 = tpu.vector_load_idx %arg11[%add3A_499] : memref<16384xf32, #tpu.memory_space<vmem>>[vector<16xi32>], vector<16xf32>,
      %add3A_501 = arith.constant 14 : i32
      %add3A_502 = vector.broadcast %add3A_501 : i32 to vector<16xi32>
      %add3A_503 = arith.addi %mul3A_356, %add3A_502 : vector<16xi32>
      %gather3A_504 = tpu.vector_load_idx %arg12[%add3A_503] : memref<16384xf32, #tpu.memory_space<vmem>>[vector<16xi32>], vector<16xf32>,
      %mul3A_505 = arith.mulf %gather3A_500, %gather3A_504 : vector<16xf32>
      %add3A_506 = arith.addf %add3A_496, %mul3A_505 : vector<16xf32>
      %add3A_507 = arith.constant 15 : i32
      %add3A_508 = vector.broadcast %add3A_507 : i32 to vector<16xi32>
      %add3A_509 = arith.addi %mul3A_356, %add3A_508 : vector<16xi32>
      %gather3A_510 = tpu.vector_load_idx %arg11[%add3A_509] : memref<16384xf32, #tpu.memory_space<vmem>>[vector<16xi32>], vector<16xf32>,
      %add3A_511 = arith.constant 15 : i32
      %add3A_512 = vector.broadcast %add3A_511 : i32 to vector<16xi32>
      %add3A_513 = arith.addi %mul3A_356, %add3A_512 : vector<16xi32>
      %gather3A_514 = tpu.vector_load_idx %arg12[%add3A_513] : memref<16384xf32, #tpu.memory_space<vmem>>[vector<16xi32>], vector<16xf32>,
      %mul3A_515 = arith.mulf %gather3A_510, %gather3A_514 : vector<16xf32>
      %add3A_516 = arith.addf %add3A_506, %mul3A_515 : vector<16xf32>
      %add3A_517 = arith.constant 16 : i32
      %add3A_518 = vector.broadcast %add3A_517 : i32 to vector<16xi32>
      %add3A_519 = arith.addi %mul3A_356, %add3A_518 : vector<16xi32>
      %gather3A_520 = tpu.vector_load_idx %arg11[%add3A_519] : memref<16384xf32, #tpu.memory_space<vmem>>[vector<16xi32>], vector<16xf32>,
      %add3A_521 = arith.constant 16 : i32
      %add3A_522 = vector.broadcast %add3A_521 : i32 to vector<16xi32>
      %add3A_523 = arith.addi %mul3A_356, %add3A_522 : vector<16xi32>
      %gather3A_524 = tpu.vector_load_idx %arg12[%add3A_523] : memref<16384xf32, #tpu.memory_space<vmem>>[vector<16xi32>], vector<16xf32>,
      %mul3A_525 = arith.mulf %gather3A_520, %gather3A_524 : vector<16xf32>
      %add3A_526 = arith.addf %add3A_516, %mul3A_525 : vector<16xf32>
      %add3A_527 = arith.constant 17 : i32
      %add3A_528 = vector.broadcast %add3A_527 : i32 to vector<16xi32>
      %add3A_529 = arith.addi %mul3A_356, %add3A_528 : vector<16xi32>
      %gather3A_530 = tpu.vector_load_idx %arg11[%add3A_529] : memref<16384xf32, #tpu.memory_space<vmem>>[vector<16xi32>], vector<16xf32>,
      %add3A_531 = arith.constant 17 : i32
      %add3A_532 = vector.broadcast %add3A_531 : i32 to vector<16xi32>
      %add3A_533 = arith.addi %mul3A_356, %add3A_532 : vector<16xi32>
      %gather3A_534 = tpu.vector_load_idx %arg12[%add3A_533] : memref<16384xf32, #tpu.memory_space<vmem>>[vector<16xi32>], vector<16xf32>,
      %mul3A_535 = arith.mulf %gather3A_530, %gather3A_534 : vector<16xf32>
      %add3A_536 = arith.addf %add3A_526, %mul3A_535 : vector<16xf32>
      %add3A_537 = arith.constant 18 : i32
      %add3A_538 = vector.broadcast %add3A_537 : i32 to vector<16xi32>
      %add3A_539 = arith.addi %mul3A_356, %add3A_538 : vector<16xi32>
      %gather3A_540 = tpu.vector_load_idx %arg11[%add3A_539] : memref<16384xf32, #tpu.memory_space<vmem>>[vector<16xi32>], vector<16xf32>,
      %add3A_541 = arith.constant 18 : i32
      %add3A_542 = vector.broadcast %add3A_541 : i32 to vector<16xi32>
      %add3A_543 = arith.addi %mul3A_356, %add3A_542 : vector<16xi32>
      %gather3A_544 = tpu.vector_load_idx %arg12[%add3A_543] : memref<16384xf32, #tpu.memory_space<vmem>>[vector<16xi32>], vector<16xf32>,
      %mul3A_545 = arith.mulf %gather3A_540, %gather3A_544 : vector<16xf32>
      %add3A_546 = arith.addf %add3A_536, %mul3A_545 : vector<16xf32>
      %add3A_547 = arith.constant 19 : i32
      %add3A_548 = vector.broadcast %add3A_547 : i32 to vector<16xi32>
      %add3A_549 = arith.addi %mul3A_356, %add3A_548 : vector<16xi32>
      %gather3A_550 = tpu.vector_load_idx %arg11[%add3A_549] : memref<16384xf32, #tpu.memory_space<vmem>>[vector<16xi32>], vector<16xf32>,
      %add3A_551 = arith.constant 19 : i32
      %add3A_552 = vector.broadcast %add3A_551 : i32 to vector<16xi32>
      %add3A_553 = arith.addi %mul3A_356, %add3A_552 : vector<16xi32>
      %gather3A_554 = tpu.vector_load_idx %arg12[%add3A_553] : memref<16384xf32, #tpu.memory_space<vmem>>[vector<16xi32>], vector<16xf32>,
      %mul3A_555 = arith.mulf %gather3A_550, %gather3A_554 : vector<16xf32>
      %add3A_556 = arith.addf %add3A_546, %mul3A_555 : vector<16xf32>
      %add3A_557 = arith.constant 20 : i32
      %add3A_558 = vector.broadcast %add3A_557 : i32 to vector<16xi32>
      %add3A_559 = arith.addi %mul3A_356, %add3A_558 : vector<16xi32>
      %gather3A_560 = tpu.vector_load_idx %arg11[%add3A_559] : memref<16384xf32, #tpu.memory_space<vmem>>[vector<16xi32>], vector<16xf32>,
      %add3A_561 = arith.constant 20 : i32
      %add3A_562 = vector.broadcast %add3A_561 : i32 to vector<16xi32>
      %add3A_563 = arith.addi %mul3A_356, %add3A_562 : vector<16xi32>
      %gather3A_564 = tpu.vector_load_idx %arg12[%add3A_563] : memref<16384xf32, #tpu.memory_space<vmem>>[vector<16xi32>], vector<16xf32>,
      %mul3A_565 = arith.mulf %gather3A_560, %gather3A_564 : vector<16xf32>
      %add3A_566 = arith.addf %add3A_556, %mul3A_565 : vector<16xf32>
      %add3A_567 = arith.constant 21 : i32
      %add3A_568 = vector.broadcast %add3A_567 : i32 to vector<16xi32>
      %add3A_569 = arith.addi %mul3A_356, %add3A_568 : vector<16xi32>
      %gather3A_570 = tpu.vector_load_idx %arg11[%add3A_569] : memref<16384xf32, #tpu.memory_space<vmem>>[vector<16xi32>], vector<16xf32>,
      %add3A_571 = arith.constant 21 : i32
      %add3A_572 = vector.broadcast %add3A_571 : i32 to vector<16xi32>
      %add3A_573 = arith.addi %mul3A_356, %add3A_572 : vector<16xi32>
      %gather3A_574 = tpu.vector_load_idx %arg12[%add3A_573] : memref<16384xf32, #tpu.memory_space<vmem>>[vector<16xi32>], vector<16xf32>,
      %mul3A_575 = arith.mulf %gather3A_570, %gather3A_574 : vector<16xf32>
      %add3A_576 = arith.addf %add3A_566, %mul3A_575 : vector<16xf32>
      %add3A_577 = arith.constant 22 : i32
      %add3A_578 = vector.broadcast %add3A_577 : i32 to vector<16xi32>
      %add3A_579 = arith.addi %mul3A_356, %add3A_578 : vector<16xi32>
      %gather3A_580 = tpu.vector_load_idx %arg11[%add3A_579] : memref<16384xf32, #tpu.memory_space<vmem>>[vector<16xi32>], vector<16xf32>,
      %add3A_581 = arith.constant 22 : i32
      %add3A_582 = vector.broadcast %add3A_581 : i32 to vector<16xi32>
      %add3A_583 = arith.addi %mul3A_356, %add3A_582 : vector<16xi32>
      %gather3A_584 = tpu.vector_load_idx %arg12[%add3A_583] : memref<16384xf32, #tpu.memory_space<vmem>>[vector<16xi32>], vector<16xf32>,
      %mul3A_585 = arith.mulf %gather3A_580, %gather3A_584 : vector<16xf32>
      %add3A_586 = arith.addf %add3A_576, %mul3A_585 : vector<16xf32>
      %add3A_587 = arith.constant 23 : i32
      %add3A_588 = vector.broadcast %add3A_587 : i32 to vector<16xi32>
      %add3A_589 = arith.addi %mul3A_356, %add3A_588 : vector<16xi32>
      %gather3A_590 = tpu.vector_load_idx %arg11[%add3A_589] : memref<16384xf32, #tpu.memory_space<vmem>>[vector<16xi32>], vector<16xf32>,
      %add3A_591 = arith.constant 23 : i32
      %add3A_592 = vector.broadcast %add3A_591 : i32 to vector<16xi32>
      %add3A_593 = arith.addi %mul3A_356, %add3A_592 : vector<16xi32>
      %gather3A_594 = tpu.vector_load_idx %arg12[%add3A_593] : memref<16384xf32, #tpu.memory_space<vmem>>[vector<16xi32>], vector<16xf32>,
      %mul3A_595 = arith.mulf %gather3A_590, %gather3A_594 : vector<16xf32>
      %add3A_596 = arith.addf %add3A_586, %mul3A_595 : vector<16xf32>
      %add3A_597 = arith.constant 24 : i32
      %add3A_598 = vector.broadcast %add3A_597 : i32 to vector<16xi32>
      %add3A_599 = arith.addi %mul3A_356, %add3A_598 : vector<16xi32>
      %gather3A_600 = tpu.vector_load_idx %arg11[%add3A_599] : memref<16384xf32, #tpu.memory_space<vmem>>[vector<16xi32>], vector<16xf32>,
      %add3A_601 = arith.constant 24 : i32
      %add3A_602 = vector.broadcast %add3A_601 : i32 to vector<16xi32>
      %add3A_603 = arith.addi %mul3A_356, %add3A_602 : vector<16xi32>
      %gather3A_604 = tpu.vector_load_idx %arg12[%add3A_603] : memref<16384xf32, #tpu.memory_space<vmem>>[vector<16xi32>], vector<16xf32>,
      %mul3A_605 = arith.mulf %gather3A_600, %gather3A_604 : vector<16xf32>
      %add3A_606 = arith.addf %add3A_596, %mul3A_605 : vector<16xf32>
      %add3A_607 = arith.constant 25 : i32
      %add3A_608 = vector.broadcast %add3A_607 : i32 to vector<16xi32>
      %add3A_609 = arith.addi %mul3A_356, %add3A_608 : vector<16xi32>
      %gather3A_610 = tpu.vector_load_idx %arg11[%add3A_609] : memref<16384xf32, #tpu.memory_space<vmem>>[vector<16xi32>], vector<16xf32>,
      %add3A_611 = arith.constant 25 : i32
      %add3A_612 = vector.broadcast %add3A_611 : i32 to vector<16xi32>
      %add3A_613 = arith.addi %mul3A_356, %add3A_612 : vector<16xi32>
      %gather3A_614 = tpu.vector_load_idx %arg12[%add3A_613] : memref<16384xf32, #tpu.memory_space<vmem>>[vector<16xi32>], vector<16xf32>,
      %mul3A_615 = arith.mulf %gather3A_610, %gather3A_614 : vector<16xf32>
      %add3A_616 = arith.addf %add3A_606, %mul3A_615 : vector<16xf32>
      %add3A_617 = arith.constant 26 : i32
      %add3A_618 = vector.broadcast %add3A_617 : i32 to vector<16xi32>
      %add3A_619 = arith.addi %mul3A_356, %add3A_618 : vector<16xi32>
      %gather3A_620 = tpu.vector_load_idx %arg11[%add3A_619] : memref<16384xf32, #tpu.memory_space<vmem>>[vector<16xi32>], vector<16xf32>,
      %add3A_621 = arith.constant 26 : i32
      %add3A_622 = vector.broadcast %add3A_621 : i32 to vector<16xi32>
      %add3A_623 = arith.addi %mul3A_356, %add3A_622 : vector<16xi32>
      %gather3A_624 = tpu.vector_load_idx %arg12[%add3A_623] : memref<16384xf32, #tpu.memory_space<vmem>>[vector<16xi32>], vector<16xf32>,
      %mul3A_625 = arith.mulf %gather3A_620, %gather3A_624 : vector<16xf32>
      %add3A_626 = arith.addf %add3A_616, %mul3A_625 : vector<16xf32>
      %add3A_627 = arith.constant 27 : i32
      %add3A_628 = vector.broadcast %add3A_627 : i32 to vector<16xi32>
      %add3A_629 = arith.addi %mul3A_356, %add3A_628 : vector<16xi32>
      %gather3A_630 = tpu.vector_load_idx %arg11[%add3A_629] : memref<16384xf32, #tpu.memory_space<vmem>>[vector<16xi32>], vector<16xf32>,
      %add3A_631 = arith.constant 27 : i32
      %add3A_632 = vector.broadcast %add3A_631 : i32 to vector<16xi32>
      %add3A_633 = arith.addi %mul3A_356, %add3A_632 : vector<16xi32>
      %gather3A_634 = tpu.vector_load_idx %arg12[%add3A_633] : memref<16384xf32, #tpu.memory_space<vmem>>[vector<16xi32>], vector<16xf32>,
      %mul3A_635 = arith.mulf %gather3A_630, %gather3A_634 : vector<16xf32>
      %add3A_636 = arith.addf %add3A_626, %mul3A_635 : vector<16xf32>
      %add3A_637 = arith.constant 28 : i32
      %add3A_638 = vector.broadcast %add3A_637 : i32 to vector<16xi32>
      %add3A_639 = arith.addi %mul3A_356, %add3A_638 : vector<16xi32>
      %gather3A_640 = tpu.vector_load_idx %arg11[%add3A_639] : memref<16384xf32, #tpu.memory_space<vmem>>[vector<16xi32>], vector<16xf32>,
      %add3A_641 = arith.constant 28 : i32
      %add3A_642 = vector.broadcast %add3A_641 : i32 to vector<16xi32>
      %add3A_643 = arith.addi %mul3A_356, %add3A_642 : vector<16xi32>
      %gather3A_644 = tpu.vector_load_idx %arg12[%add3A_643] : memref<16384xf32, #tpu.memory_space<vmem>>[vector<16xi32>], vector<16xf32>,
      %mul3A_645 = arith.mulf %gather3A_640, %gather3A_644 : vector<16xf32>
      %add3A_646 = arith.addf %add3A_636, %mul3A_645 : vector<16xf32>
      %add3A_647 = arith.constant 29 : i32
      %add3A_648 = vector.broadcast %add3A_647 : i32 to vector<16xi32>
      %add3A_649 = arith.addi %mul3A_356, %add3A_648 : vector<16xi32>
      %gather3A_650 = tpu.vector_load_idx %arg11[%add3A_649] : memref<16384xf32, #tpu.memory_space<vmem>>[vector<16xi32>], vector<16xf32>,
      %add3A_651 = arith.constant 29 : i32
      %add3A_652 = vector.broadcast %add3A_651 : i32 to vector<16xi32>
      %add3A_653 = arith.addi %mul3A_356, %add3A_652 : vector<16xi32>
      %gather3A_654 = tpu.vector_load_idx %arg12[%add3A_653] : memref<16384xf32, #tpu.memory_space<vmem>>[vector<16xi32>], vector<16xf32>,
      %mul3A_655 = arith.mulf %gather3A_650, %gather3A_654 : vector<16xf32>
      %add3A_656 = arith.addf %add3A_646, %mul3A_655 : vector<16xf32>
      %add3A_657 = arith.constant 30 : i32
      %add3A_658 = vector.broadcast %add3A_657 : i32 to vector<16xi32>
      %add3A_659 = arith.addi %mul3A_356, %add3A_658 : vector<16xi32>
      %gather3A_660 = tpu.vector_load_idx %arg11[%add3A_659] : memref<16384xf32, #tpu.memory_space<vmem>>[vector<16xi32>], vector<16xf32>,
      %add3A_661 = arith.constant 30 : i32
      %add3A_662 = vector.broadcast %add3A_661 : i32 to vector<16xi32>
      %add3A_663 = arith.addi %mul3A_356, %add3A_662 : vector<16xi32>
      %gather3A_664 = tpu.vector_load_idx %arg12[%add3A_663] : memref<16384xf32, #tpu.memory_space<vmem>>[vector<16xi32>], vector<16xf32>,
      %mul3A_665 = arith.mulf %gather3A_660, %gather3A_664 : vector<16xf32>
      %add3A_666 = arith.addf %add3A_656, %mul3A_665 : vector<16xf32>
      %add3A_667 = arith.constant 31 : i32
      %add3A_668 = vector.broadcast %add3A_667 : i32 to vector<16xi32>
      %add3A_669 = arith.addi %mul3A_356, %add3A_668 : vector<16xi32>
      %gather3A_670 = tpu.vector_load_idx %arg11[%add3A_669] : memref<16384xf32, #tpu.memory_space<vmem>>[vector<16xi32>], vector<16xf32>,
      %add3A_671 = arith.constant 31 : i32
      %add3A_672 = vector.broadcast %add3A_671 : i32 to vector<16xi32>
      %add3A_673 = arith.addi %mul3A_356, %add3A_672 : vector<16xi32>
      %gather3A_674 = tpu.vector_load_idx %arg12[%add3A_673] : memref<16384xf32, #tpu.memory_space<vmem>>[vector<16xi32>], vector<16xf32>,
      %mul3A_675 = arith.mulf %gather3A_670, %gather3A_674 : vector<16xf32>
      %add3A_676 = arith.addf %add3A_666, %mul3A_675 : vector<16xf32>
      %mul3A_677 = arith.constant 16 : i32
      %mul3A_678 = arith.muli %add3A_349, %mul3A_677 : i32
      %swap3A = arith.index_cast %mul3A_678 : i32 to index
      %swap3A_679 = tpu.vector_load %arg13[%swap3A] {strides = array<i32>} : memref<512xf32, #tpu.memory_space<vmem>>, vector<16xf32>,
      tpu.vector_store %arg13[%swap3A], %add3A_676 {strides = array<i32>} : memref<512xf32, #tpu.memory_space<vmem>>, vector<16xf32>,
    }
    %scan3A_344 = arith.constant 32 : i32
    "tpu.region"() ({
      %run_scoped3A = tpu.sem_alloc : memref<!tpu.dma_semaphore, #tpu.memory_space<semaphore_mem>>
      %dma_start3A_345 = tpu.memref_slice %arg6[%mul3A_2] : memref<16384xf32, #tpu.memory_space<hbm>> -> memref<512xf32, #tpu.memory_space<hbm>>
      %dma_start3A_346 = tpu.memref_slice %arg6[%mul3A_2] : memref<16384xf32, #tpu.memory_space<hbm>> -> memref<512xf32, #tpu.memory_space<hbm>>
      tpu.enqueue_dma source(%arg13 : memref<512xf32, #tpu.memory_space<vmem>>) target(%dma_start3A_346 : memref<512xf32, #tpu.memory_space<hbm>>) target_semaphore(%run_scoped3A : memref<!tpu.dma_semaphore, #tpu.memory_space<semaphore_mem>>)
      %dma_wait3A = tpu.memref_slice %arg6[%mul3A_2] : memref<16384xf32, #tpu.memory_space<hbm>> -> memref<512xf32, #tpu.memory_space<hbm>>
      %dma_wait3A_347 = tpu.memref_slice %arg6[%mul3A_2] : memref<16384xf32, #tpu.memory_space<hbm>> -> memref<512xf32, #tpu.memory_space<hbm>>
      tpu.wait_dma2 semaphore(%run_scoped3A : memref<!tpu.dma_semaphore, #tpu.memory_space<semaphore_mem>>) src(%arg13 : memref<512xf32, #tpu.memory_space<vmem>>) dst(%dma_wait3A_347 : memref<512xf32, #tpu.memory_space<hbm>>)
      tpu.yield
    }) : () -> ()
    return
  }
}

</mosaic_0001>

<sc_bundles>
// kernel: kernel.3.cloned.1.call-start
scs
__scs_entry_jumppad:
0x0: {  	(pc) =	sbr.rel $0x88, $3  }
0x1: {  	(tag) =	ssettag $0x0;
	lr =	simm.s32 $0x1  }
0x2: {  	[smem:$0x3F9D] =	sst lr;
	_ =	strace $0xD0000000  }
0x3: {  	_ = 	snop  }
0x4: {  	_ = 	snop  }
0x5: {  	_ = 	snop  }
0x6: {  	_ = 	snop  }
0x7: {  	_ = 	snop  }
__scs_overlays_trampoline_lowered:
0x8: {  	[smem:$0x3FAC] =	sst s0  }
0x9: {  	[smem:$0x3FAD] =	sst s1  }
0xa: {  	[smem:$0x3FAE] =	sst s2  }
0xb: {  	[smem:$0x3FAF] =	sst s3  }
0xc: {  	[smem:$0x3FB0] =	sst s4  }
0xd: {  	[smem:$0x3FB1] =	sst s5  }
0xe: {  	[smem:$0x3FB2] =	sst s6  }
0xf: {  	[smem:$0x3FB3] =	sst s7  }
0x10: {  	[smem:$0x3FB4] =	sst s8  }
0x11: {  	[smem:$0x3FB5] =	sst s9;
	s0 =	simm.s32 @!p0 $0x0  }
0x12: {  	s1 =	sld [smem:$0x3F9B];
	s0 =	simm.s32 @p0 $0x1  }
0x13: {  	[smem:$0x3FB6] =	sst s0;
	s0 =	simm.s32 @!p1 $0x0  }
0x14: {  	s2 =	sld [smem:$0x3F9A];
	s0 =	simm.s32 @p1 $0x1  }
0x15: {  	[smem:$0x3FB7] =	sst s0;
	s0 =	simm.s32 @!p2 $0x0  }
0x16: {  	s3 =	sld [smem:$0x3FDB];
	s0 =	simm.s32 @p2 $0x1  }
0x17: {  	s4 =	simm.s32 $0x1BF5;
	[smem:$0x3FB9] =	sst s0  }
0x18: {  	s0 =	sld [smem:$0x3F9C];
	_ =	swait.ge [sflag:s4], $0x0  }
0x19: {  	s7 =	sld [smem:$0x3F9D]  }
0x1a: {  	s8 =	sadd.s32 $0xFFFFE003, lr  }
0x1b: {  	s9 =	sadd.s32 $0xFFFFFEF7, lr;
	s5 =	simm.s32 $0xFFFFFFFF;
	p2 =	slt.u32 s8, $0xFFFFF086  }
0x1c: {  	p1 =	slt.u32 s9, $0xF7A;
	s5 =	simm.s32 @!p2 $0x0  }
0x1d: {  	s5 =	simm.s32 @p1 $0x1;
	p0 =	seq.s32 s7, s2  }
0x1e: {  	s7 =	smul.u32 @!p0 $0xF7A, s2;
	p2 =	seq.s32 @!p0 s5, $0x0  }
0x1f: {  	s9 =	smul.u32 $0xF7A, s1;
	s8 =	simm.s32 @!p0 $0x1BF5;
	p2 =	por !p2, p0  }
0x20: {  	[sflag:s8] =	ssyncset.s32 @!p0 $0xFFFFF086;
	s6 =	sadd.s32 @!p0 s3, s7;
	s7 =	simm.s32 @!p0 $0x108  }
0x21: {  	s3 =	sadd.s32 s3, s9;
	s6 =	sadd.s32 @!p0 $0x88, s6;
	s7 =	simm.s32 @p2 $0x1082  }
0x22: {  	[simem:s7], [sflag:s8] =	dma.local @!p0 [hbm:s6], $0xF7A  }
0x23: {  	s9 =	sor.u32 $0xD0000000, s2;
	s6 =	simm.s32 $0x108;
	_ =	swait.ge @!p0 [sflag:s8], $0x0  }
0x24: {  	s3 =	sadd.s32 $0x88, s3;
	s6 =	simm.s32 @!p1 $0x1082;
	[sflag:s4] =	ssyncset.s32 $0xFFFFF086  }
0x25: {  	[simem:s6], [sflag:s4] =	dma.local [hbm:s3], $0xF7A  }
0x26: {  	[smem:$0x3F9D] =	sst s1;
	(tag) =	ssettag s2;
	_ =	strace s9  }
0x27: {  	s1 =	sld [smem:$0x3FAD]  }
0x28: {  	s2 =	sld [smem:$0x3FAE]  }
0x29: {  	s4 =	sld [smem:$0x3FB0]  }
0x2a: {  	p0 =	seq.s32 s5, $0x0;
	s5 =	sld [smem:$0x3FB1]  }
0x2b: {  	s6 =	sld [smem:$0x3FB2]  }
0x2c: {  	s7 =	sld [smem:$0x3FB3]  }
0x2d: {  	s3 =	simm.s32 $0x108;
	s8 =	sld [smem:$0x3FB4]  }
0x2e: {  	s3 =	simm.s32 @!p0 $0x1082;
	s9 =	sld [smem:$0x3FB5]  }
0x2f: {  	lr =	sadd.s32 s0, s3;
	s0 =	sld [smem:$0x3FAC]  }
0x30: {  	s3 =	sld [smem:$0x3FAF]  }
0x31: {  	[smem:$0x3FB8] =	sst s10  }
0x32: {  	s10 =	sld [smem:$0x3FB6];
	_ =	sdelay $0x3  }
0x33: {  	p0 =	seq.s32 s10, $0x1;
	s10 =	sld [smem:$0x3FB8];
	_ =	sdelay $0x3  }
0x34: {  	[smem:$0x3FB8] =	sst s10  }
0x35: {  	s10 =	sld [smem:$0x3FB7];
	_ =	sdelay $0x3  }
0x36: {  	p1 =	seq.s32 s10, $0x1;
	s10 =	sld [smem:$0x3FB8];
	_ =	sdelay $0x3  }
0x37: {  	[smem:$0x3FB8] =	sst s10  }
0x38: {  	s10 =	sld [smem:$0x3FB9]  }
0x39: {  	_ = 	snop;
	(pc) =	sbr.ind lr, $3  }
0x3a: {  	_ = 	snop  }
0x3b: {  	_ = 	snop  }
0x3c: {  	p2 =	seq.s32 s10, $0x1;
	s10 =	sld [smem:$0x3FB8]  }
0x3d: {  	_ =	shalt  }
0x3e: {  	_ =	shalt  }
0x3f: {  	_ =	shalt  }
0x40: {  	_ =	shalt  }
0x41: {  	_ =	shalt  }
0x42: {  	_ =	shalt  }
0x43: {  	_ =	shalt  }
0x44: {  	_ =	shalt  }
0x45: {  	_ =	shalt  }
0x46: {  	_ =	shalt  }
0x47: {  	_ =	shalt  }
0x48: {  	_ =	shalt  }
0x49: {  	_ =	shalt  }
0x4a: {  	_ =	shalt  }
0x4b: {  	_ =	shalt  }
0x4c: {  	_ =	shalt  }
0x4d: {  	_ =	shalt  }
0x4e: {  	_ =	shalt  }
0x4f: {  	_ =	shalt  }
0x50: {  	_ =	shalt  }
0x51: {  	_ =	shalt  }
0x52: {  	_ =	shalt  }
0x53: {  	_ =	shalt  }
0x54: {  	_ =	shalt  }
0x55: {  	_ =	shalt  }
0x56: {  	_ =	shalt  }
0x57: {  	_ =	shalt  }
0x58: {  	_ =	shalt  }
0x59: {  	_ =	shalt  }
0x5a: {  	_ =	shalt  }
0x5b: {  	_ =	shalt  }
0x5c: {  	_ =	shalt  }
0x5d: {  	_ =	shalt  }
0x5e: {  	_ =	shalt  }
0x5f: {  	_ =	shalt  }
0x60: {  	_ =	shalt  }
0x61: {  	_ =	shalt  }
0x62: {  	_ =	shalt  }
0x63: {  	_ =	shalt  }
0x64: {  	_ =	shalt  }
0x65: {  	_ =	shalt  }
0x66: {  	_ =	shalt  }
0x67: {  	_ =	shalt  }
0x68: {  	_ =	shalt  }
0x69: {  	_ =	shalt  }
0x6a: {  	_ =	shalt  }
0x6b: {  	_ =	shalt  }
0x6c: {  	_ =	shalt  }
0x6d: {  	_ =	shalt  }
0x6e: {  	_ =	shalt  }
0x6f: {  	_ =	shalt  }
0x70: {  	_ =	shalt  }
0x71: {  	_ =	shalt  }
0x72: {  	_ =	shalt  }
0x73: {  	_ =	shalt  }
0x74: {  	_ =	shalt  }
0x75: {  	_ =	shalt  }
0x76: {  	_ =	shalt  }
0x77: {  	_ =	shalt  }
0x78: {  	_ =	shalt  }
0x79: {  	_ =	shalt  }
0x7a: {  	_ =	shalt  }
0x7b: {  	_ =	shalt  }
0x7c: {  	_ =	shalt  }
0x7d: {  	_ =	shalt  }
0x7e: {  	_ =	shalt  }
0x7f: {  	_ =	shalt  }
0x80: {  	_ =	shalt  }
0x81: {  	_ =	shalt  }
0x82: {  	_ =	shalt  }
0x83: {  	_ =	shalt  }
0x84: {  	_ =	shalt  }
0x85: {  	_ =	shalt  }
0x86: {  	_ =	shalt  }
0x87: {  	_ =	shalt  }
.Lfunc_end0:
.L_simem_size_0:
called_computation_lowered:
.L_overlay_start_0:
0x88: {  	s2 =	sld [smem:$0x3FD9]  }
0x89: {  	s3 =	sld [smem:$0x3FFE];
	_ =	sdelay $0x1  }
0x8a: {  	s1 =	srdreg.scid  }
0x8b: {  	s0 =	sand.u32 $0x1, s1  }
0x8c: {  	s18 =	sshll.u32 s0, $0xA;
	s2 =	sadd.s32 s3, s2  }
0x8d: {  	s2 =	sadd.s32 s2, s18  }
0x8e: {  	[smem:$0x3FC4] =	sst s2  }
0x8f: {  	_ = 	snop  }
0x90: {  	s2 =	sld [smem:$0x3FC9]  }
0x91: {  	s19 =	sld [smem:$0x3FC8]  }
0x92: {  	s4 =	sld [smem:$0x3FC7]  }
0x93: {  	s5 =	sld [smem:$0x3FC6]  }
0x94: {  	s6 =	sld [smem:$0x3FD0];
	(tm) =	ssettm $0x1  }
0x95: {  	s7 =	sld [smem:$0x3FFB];
	_ =	sdelay $0x3  }
0x96: {  	_ =	strace s7  }
0x97: {  	s7 =	sld [smem:$0x3FFC];
	_ =	sdelay $0x3  }
0x98: {  	_ =	strace s7  }
0x99: {  	s7 =	sld [smem:$0x3FFD];
	_ =	sdelay $0x3  }
0x9a: {  	_ =	strace s7  }
0x9b: {  	_ =	strace $0x8FFFFFFF  }
0x9c: {  	s20 =	sld [smem:$0x3FDB];
	_ =	sdelay $0x1  }
0x9d: {  	s8 =	simm.s32 $_scs_section_size  }
0x9e: {  	s9 =	simm.s32 $_size__tile_overlayer_lowered;
	s10 =	simm.s32 $_tile_overlayer_lowered  }
0x9f: {  	s23 =	simm.s32 $0x1BFF;
	s22 =	sshll.u32 s10, $0x1;
	s7 =	sadd.s32 s8, s20  }
0xa0: {  	s11 =	simm.s32 $0x0;
	s21 =	sshll.u32 s9, $0x1;
	s9 =	sadd.s32 s22, s7  }
0xa1: {  	[timem:s11], [sflag:s23] =	dma.local [hbm:s9], s21  }
0xa2: {  	_ =	swait.ge [sflag:s23], s21  }
0xa3: {  	s8 =	ssub.s32 $0x0, s21;
	[sflag:s23] =	ssyncset.done $0x0  }
0xa4: {  	[sflag:s23] =	ssyncadd.s32 s8;
	_ =	sdelay $0x1  }
0xa5: {  	s24 =	simm.s32 $0x1B8B  }
0xa6: {  	_ =	swait.ge [sflag:s24], $0x1  }
0xa7: {  	[sflag:s24] =	ssyncset.done $0x0  }
0xa8: {  	s25 =	simm.s32 $0x1B8E;
	[sflag:s24] =	ssyncadd.s32 $0xFFFFFFFF  }
0xa9: {  	s26 =	simm.s32 $execute0_lowered;
	[smem:$0x3FD2] =	sst s25  }
0xaa: {  	s8 =	sshll.u32 s26, $0x1;
	_ =	strace $0x80000046;
	[dreg:$0x1] =	wrdreg $0xFFFFFFFF  }
0xab: {  	s28 =	simm.s32 $_size_execute0_lowered;
	s7 =	sadd.s32 s7, s8;
	[dreg:$0x0] =	wrdreg $0x0  }
0xac: {  	s8 =	sshll.u32 s28, $0x1;
	[dreg:$0x2] =	wrdreg s7  }
0xad: {  	[dreg:$0x3] =	wrdreg s8  }
0xae: {  	[dreg:$0x4] =	wrdreg $0xC0  }
0xaf: {  	_ =	task [dreg:s11], $0x5FFFF  }
0xb0: {  	[dreg:$0x1] =	wrdreg $0xFFFFFFFF  }
0xb1: {  	[dreg:$0x0] =	wrdreg $0x60  }
0xb2: {  	[dreg:$0x2] =	wrdreg s2  }
0xb3: {  	[dreg:$0x3] =	wrdreg s19  }
0xb4: {  	[dreg:$0x4] =	wrdreg s4  }
0xb5: {  	[dreg:$0x5] =	wrdreg s5  }
0xb6: {  	[dreg:$0x6] =	wrdreg s6  }
0xb7: {  	[dreg:$0x7] =	wrdreg $0x9  }
0xb8: {  	_ =	task.clear_ibuf [dreg:s11], $0x8FFFF;
	_ =	strace $0x90000046  }
0xb9: {  	s29 =	simm.s32 $0x9;
	_ =	strace $0x80000048  }
0xba: {  	_ =	swait.ge [sflag:s29], $0x1  }
0xbb: {  	[sflag:s29] =	ssyncadd.s32 $0xFFFFFFFF  }
0xbc: {  	_ =	strace $0x90000048  }
0xbd: {  	_ =	sfence  }
0xbe: {  	s30 =	sld [smem:$0x0];
	_ =	sdelay $0x2  }
0xbf: {  	s31 =	sshll.u32 s1, $0xD;
	s1 =	sshrl.u32 s1, $0x2  }
0xc0: {  	s3 =	sand.u32 $0x4000, s31;
	s1 =	sadd.s32 s1, s30  }
0xc1: {  	s0 =	sor.u32 s3, s0;
	s1 =	sshll.u32 s1, $0x11  }
0xc2: {  	s0 =	sor.u32 s1, s0  }
0xc3: {  	s0 =	sadd.s32 $0x8F2B, s0  }
0xc4: {  	[sflag:s0] =	ssyncadd.remote.s32 $0x1  }
0xc5: {  	_ =	sfence.sel $0xFFFF  }
0xc6: {  	[dreg:$0x0] =	wrdreg $0xFFFFFFFF;
	(pc) =	sbr.abs _section_cstart, $3  }
0xc7: {  	[dreg:$0x1] =	wrdreg $0xFFFFFFFF  }
0xc8: {  	_ =	task.clear_ibuf [dreg:s11], $0x2FFFF;
	_ =	strace $0x9FFFFFFF  }
0xc9: {  	(tm) =	ssettm $0x7FFFFFFF  }
tec
execute0_lowered:
.L_overlay_start_1:
0x0: {  	(tag) =	ssettag $0x1  }
0x1: {  	s0 =	rddreg [dreg:$0x0]  }
0x2: {  	s3 =	rddreg [dreg:$0x1]  }
0x3: {  	s1 =	rddreg [dreg:$0x2]  }
0x4: {  	s2 =	rddreg [dreg:$0x3]  }
0x5: {  	s7 =	rddreg [dreg:$0x4];
	s5 =	srdreg.scid;
	s10 =	simm.s32 $0x0  }
0x6: {  	s4 =	stileid.u32;
	s11 =	simm.s32 $0x400;
	s12 =	simm.s32 $0x7A1400  }
0x7: {  	s13 =	simm.s32 $0x500;
	s14 =	simm.s32 $0x8500;
	s21 =	simm.s32 $0x4500  }
0x8: {  	s22 =	simm.s32 $0xC500;
	s23 =	simm.s32 $0x5500;
	s28 =	simm.s32 $0x7500  }
0x9: {  	s29 =	simm.s32 $0xF500;
	s30 =	simm.s32 $0x1;
	s5 =	sand.u32 $0x1, s5  }
0xa: {  	v16 =	vlaneseq.u32;
	s9 =	sshll.u32 s4, $0x6;
	s6 =	ssub.s32 $0x2, s5;
	s5 =	sshll.u32 s5, $0xA  }
0xb: {  	s31 =	simm.s32 $0x2;
	[smem:$0x7FF] =	sst s10;
	v0 =	vmul.u32 $0x80, v16;
	s9 =	sor.u32 s9, s5  }
0xc: {  	v16 =	vmul.u32 $0x20, v16;
	_ =	strace $0x80000047;
	s8 =	sshrl.u32 s6, $0x1;
	s0 =	sadd.s32 s0, s9  }
0xd: {  	s5 =	simm.s32 $0x3;
	v1 =	vor.u32 $0x800, v0;
	v2 =	vor.u32 $0x1000, v0;
	v3 =	vor.u32 $0x1800, v0;
	s24 =	sadd.s32 s3, s9;
	[dreg:$0x6] =	wrdreg s0  }
0xe: {  	v4 =	vor.u32 $0x2000, v0;
	v5 =	vor.u32 $0x2800, v0;
	v6 =	vor.u32 $0x3000, v0;
	s8 =	ssub.s32 s6, s8;
	s25 =	sadd.s32 s7, s9;
	[dreg:$0x7] =	wrdreg s24  }
0xf: {  	v7 =	vor.u32 $0x3800, v0;
	v8 =	vor.u32 $0x4000, v0;
	v9 =	vor.u32 $0x4800, v0;
	s3 =	simm.s32 $0x14500;
	s6 =	simm.s32 $0x0;
	[dreg:$0x8] =	wrdreg s25  }
0x10: {  	v10 =	vor.u32 $0x5000, v0;
	v11 =	vor.u32 $0x5800, v0;
	v12 =	vor.u32 $0x6000, v0;
	s26 =	smax.u32 s8, $0x1;
	s24 =	simm.s32 $0xD500;
	s25 =	simm.s32 $0x6500  }
0x11: {  	v13 =	vor.u32 $0x6800, v0;
	v14 =	vor.u32 $0x7000, v0;
	v15 =	vor.u32 $0x7800, v0;
	s0 =	simm.s32 $0x10500;
	[dreg:$0x9] =	wrdreg s26;
	s26 =	simm.s32 $0xE500  }
.LBB2_1:
0x12: {  	[dreg:$0xa] =	wrdreg s6  }
0x13: {  	s4 =	rddreg [dreg:$0x6]  }
0x14: {  	[tilespmem:s10], [sflag:$0x3] =	stream.linear.gather [hbm4b:s4+s10], $0x200, $0x38;
	[tilespmem:$0x18700] =	vst v63  }
0x15: {  	_ =	swait.ge [sflag:s5], $0x200  }
0x16: {  	[sflag:s5] =	ssyncset.done $0x0  }
0x17: {  	s20 =	simm.s32 $0x280;
	s19 =	rddreg [dreg:$0x7];
	[sflag:s5] =	ssyncadd.s32 $0xFFFFFE00  }
0x18: {  	[tilespmem:s20], [sflag:$0x3] =	stream.linear.gather [hbm4b:s19+s10], $0x200, $0x38;
	[tilespmem:$0x18700] =	vst v63  }
0x19: {  	_ =	swait.ge [sflag:s5], $0x200  }
0x1a: {  	[sflag:s5] =	ssyncset.done $0x0  }
0x1b: {  	[sflag:s5] =	ssyncadd.s32 $0xFFFFFE00  }
0x1c: {  	v17 =	vld [tilespmem:$0x0];
	_ =	sdelay $0x2  }
0x1d: {  	v18 =	vld [tilespmem:$0x280];
	_ =	sdelay $0x1  }
0x1e: {  	(v2sf) =	vpush v17, $0x1  }
0x1f: {  	(v2sf) =	vpush v17, $0x2  }
0x20: {  	(v2sf) =	vpush v17, $0x3  }
0x21: {  	(v2sf) =	vpush v18, $0x1  }
0x22: {  	(v2sf) =	vpush v18, $0x2  }
0x23: {  	(v2sf) =	vpush v18, $0x3  }
0x24: {  	(v2sf) =	vpush v17, $0x0;
	_ =	sdelay $0x1  }
0x25: {  	(v2sf) =	vpush v18, $0x0;
	_ =	sdelay $0x6  }
0x26: {  	s16 =	spop (v2sf)  }
0x27: {  	s17 =	spop (v2sf)  }
0x28: {  	s18 =	spop (v2sf)  }
0x29: {  	s19 =	spop (v2sf)  }
0x2a: {  	(v2sf) =	vpush v17, $0x5;
	s20 =	spop (v2sf)  }
0x2b: {  	(v2sf) =	vpush v17, $0x6;
	s10 =	spop (v2sf)  }
0x2c: {  	s7 =	spop (v2sf)  }
0x2d: {  	(v2sf) =	vpush v17, $0x7;
	s5 =	sand.u32 $0xFFFFF80, s7  }
0x2e: {  	(v2sf) =	vpush v18, $0x5;
	s8 =	spop (v2sf);
	s5 =	sadd.s32 s1, s5  }
0x2f: {  	[tilespmem:s13], [sflag:$0x1] =	stream.strided.gather [hbm4b:s5+s11], $0x1000, s12, s11, $0x38;
	[tilespmem:$0x18700] =	vst v63  }
0x30: {  	(v2sf) =	vpush v18, $0x6;
	s5 =	sand.u32 $0xFFFFF80, s8  }
0x31: {  	s9 =	sand.u32 $0xFFFFF80, s16;
	(v2sf) =	vpush v18, $0x7;
	s5 =	sadd.s32 s2, s5  }
0x32: {  	[tilespmem:s14], [sflag:$0x1] =	stream.strided.gather [hbm4b:s5+s11], $0x1000, s12, s11, $0x38;
	[tilespmem:$0x18700] =	vst v63  }
0x33: {  	s15 =	simm.s32 $0x1500;
	s16 =	sand.u32 $0xFFFFF80, s19;
	(v2sf) =	vpush v17, $0x4;
	s5 =	sadd.s32 s1, s9  }
0x34: {  	[tilespmem:s15], [sflag:$0x1] =	stream.strided.gather [hbm4b:s5+s11], $0x1000, s12, s11, $0x38;
	[tilespmem:$0x18700] =	vst v63  }
0x35: {  	s6 =	sand.u32 $0xFFFFF80, s17;
	s19 =	simm.s32 $0x9500;
	(v2sf) =	vpush v18, $0x4;
	s5 =	sadd.s32 s2, s16  }
0x36: {  	[tilespmem:s19], [sflag:$0x1] =	stream.strided.gather [hbm4b:s5+s11], $0x1000, s12, s11, $0x38;
	[tilespmem:$0x18700] =	vst v63  }
0x37: {  	s7 =	simm.s32 $0x2500;
	s5 =	sadd.s32 s1, s6  }
0x38: {  	[tilespmem:s7], [sflag:$0x1] =	stream.strided.gather [hbm4b:s5+s11], $0x1000, s12, s11, $0x38;
	[tilespmem:$0x18700] =	vst v63  }
0x39: {  	s8 =	sand.u32 $0xFFFFF80, s20;
	s5 =	spop (v2sf)  }
0x3a: {  	s9 =	simm.s32 $0xA500;
	s16 =	sadd.s32 s2, s8;
	s17 =	spop (v2sf)  }
0x3b: {  	[tilespmem:s9], [sflag:$0x1] =	stream.strided.gather [hbm4b:s16+s11], $0x1000, s12, s11, $0x38;
	[tilespmem:$0x18700] =	vst v63  }
0x3c: {  	s18 =	sand.u32 $0xFFFFF80, s18;
	s16 =	spop (v2sf)  }
0x3d: {  	s18 =	sadd.s32 s1, s18;
	s15 =	simm.s32 $0x3500;
	s19 =	spop (v2sf)  }
0x3e: {  	[tilespmem:s15], [sflag:$0x1] =	stream.strided.gather [hbm4b:s18+s11], $0x1000, s12, s11, $0x38;
	[tilespmem:$0x18700] =	vst v63  }
0x3f: {  	s10 =	sand.u32 $0xFFFFF80, s10;
	s20 =	spop (v2sf)  }
0x40: {  	s10 =	sadd.s32 s2, s10;
	s7 =	simm.s32 $0xB500;
	s6 =	spop (v2sf)  }
0x41: {  	[tilespmem:s7], [sflag:$0x1] =	stream.strided.gather [hbm4b:s10+s11], $0x1000, s12, s11, $0x38;
	[tilespmem:$0x18700] =	vst v63  }
0x42: {  	s8 =	spop (v2sf)  }
0x43: {  	s10 =	sand.u32 $0xFFFFF80, s8  }
0x44: {  	s9 =	spop (v2sf);
	s10 =	sadd.s32 s1, s10  }
0x45: {  	[tilespmem:s21], [sflag:$0x2] =	stream.strided.gather [hbm4b:s10+s11], $0x1000, s12, s11, $0x38;
	[tilespmem:$0x18700] =	vst v63  }
0x46: {  	s10 =	sand.u32 $0xFFFFF80, s9  }
0x47: {  	s5 =	sand.u32 $0xFFFFF80, s5;
	s10 =	sadd.s32 s2, s10  }
0x48: {  	[tilespmem:s22], [sflag:$0x2] =	stream.strided.gather [hbm4b:s10+s11], $0x1000, s12, s11, $0x38;
	[tilespmem:$0x18700] =	vst v63  }
0x49: {  	s5 =	sadd.s32 s1, s5;
	s15 =	sand.u32 $0xFFFFF80, s19  }
0x4a: {  	[tilespmem:s23], [sflag:$0x2] =	stream.strided.gather [hbm4b:s5+s11], $0x1000, s12, s11, $0x38;
	[tilespmem:$0x18700] =	vst v63  }
0x4b: {  	s17 =	sand.u32 $0xFFFFF80, s17;
	s5 =	sadd.s32 s2, s15  }
0x4c: {  	[tilespmem:s24], [sflag:$0x2] =	stream.strided.gather [hbm4b:s5+s11], $0x1000, s12, s11, $0x38;
	[tilespmem:$0x18700] =	vst v63  }
0x4d: {  	s18 =	sand.u32 $0xFFFFF80, s20;
	s5 =	sadd.s32 s1, s17  }
0x4e: {  	[tilespmem:s25], [sflag:$0x2] =	stream.strided.gather [hbm4b:s5+s11], $0x1000, s12, s11, $0x38;
	[tilespmem:$0x18700] =	vst v63  }
0x4f: {  	s19 =	sand.u32 $0xFFFFF80, s16;
	s5 =	sadd.s32 s2, s18  }
0x50: {  	[tilespmem:s26], [sflag:$0x2] =	stream.strided.gather [hbm4b:s5+s11], $0x1000, s12, s11, $0x38;
	[tilespmem:$0x18700] =	vst v63  }
0x51: {  	s16 =	simm.s32 $0x14580;
	s20 =	sand.u32 $0xFFFFF80, s6;
	s5 =	sadd.s32 s1, s19  }
0x52: {  	[tilespmem:s28], [sflag:$0x2] =	stream.strided.gather [hbm4b:s5+s11], $0x1000, s12, s11, $0x38;
	[tilespmem:$0x18700] =	vst v63  }
0x53: {  	s17 =	simm.s32 $0x10580;
	s18 =	simm.s32 $0x0;
	s5 =	sadd.s32 s2, s20  }
0x54: {  	[tilespmem:s29], [sflag:$0x2] =	stream.strided.gather [hbm4b:s5+s11], $0x1000, s12, s11, $0x38;
	[tilespmem:$0x18700] =	vst v63  }
.LBB2_2:
0x55: {  	s5 =	sshra.s32 s18, $0x2  }
0x56: {  	v17 =	vld [tilespmem:s5+$0x0]  }
0x57: {  	v18 =	vld [tilespmem:s5+$0x280];
	_ =	swait.ge [sflag:s30], $0x1000  }
0x58: {  	[sflag:s30] =	ssyncset.done $0x0  }
0x59: {  	[sflag:s30] =	ssyncadd.s32 $0xFFFFF000  }
0x5a: {  	_ =	swait.ge [sflag:s30], $0x1000  }
0x5b: {  	[sflag:s30] =	ssyncset.done $0x0  }
0x5c: {  	[sflag:s30] =	ssyncadd.s32 $0xFFFFF000  }
0x5d: {  	_ =	swait.ge [sflag:s30], $0x1000  }
0x5e: {  	[sflag:s30] =	ssyncset.done $0x0  }
0x5f: {  	[sflag:s30] =	ssyncadd.s32 $0xFFFFF000  }
0x60: {  	_ =	swait.ge [sflag:s30], $0x1000  }
0x61: {  	[sflag:s30] =	ssyncset.done $0x0  }
0x62: {  	[sflag:s30] =	ssyncadd.s32 $0xFFFFF000  }
0x63: {  	_ =	swait.ge [sflag:s30], $0x1000  }
0x64: {  	[sflag:s30] =	ssyncset.done $0x0  }
0x65: {  	[sflag:s30] =	ssyncadd.s32 $0xFFFFF000  }
0x66: {  	_ =	swait.ge [sflag:s30], $0x1000  }
0x67: {  	[sflag:s30] =	ssyncset.done $0x0  }
0x68: {  	[sflag:s30] =	ssyncadd.s32 $0xFFFFF000  }
0x69: {  	_ =	swait.ge [sflag:s30], $0x1000  }
0x6a: {  	[sflag:s30] =	ssyncset.done $0x0  }
0x6b: {  	[sflag:s30] =	ssyncadd.s32 $0xFFFFF000  }
0x6c: {  	_ =	swait.ge [sflag:s30], $0x1000  }
0x6d: {  	(v2sf) =	vpush v17, $0x0  }
0x6e: {  	(v2sf) =	vpush v17, $0x1  }
0x6f: {  	(v2sf) =	vpush v17, $0x2  }
0x70: {  	(v2sf) =	vpush v17, $0x3  }
0x71: {  	(v2sf) =	vpush v18, $0x0;
	_ =	sdelay $0xa  }
0x72: {  	s9 =	spop (v2sf)  }
0x73: {  	s10 =	spop (v2sf)  }
0x74: {  	s19 =	spop (v2sf)  }
0x75: {  	(v2sf) =	vpush v18, $0x1;
	s20 =	spop (v2sf)  }
0x76: {  	s5 =	sand.u32 $0x7F, s9;
	s6 =	spop (v2sf)  }
0x77: {  	v19 =	vor.u32 s5, v0;
	s6 =	sand.u32 $0x7F, s6  }
0x78: {  	v20 =	vor.u32 s6, v0;
	_ =	sdelay $0x1  }
0x79: {  	[sflag:s30] =	ssyncset.done $0x0  }
0x7a: {  	[sflag:s30] =	ssyncadd.s32 $0xFFFFF000  }
0x7b: {  	v19 =	vld.idx.msk [tilespmem:v19+s13+$0x0], $0xffff  }
0x7c: {  	v20 =	vld.idx.msk [tilespmem:v20+s14+$0x0], $0xffff  }
0x7d: {  	v21 =	vor.u32 s5, v1  }
0x7e: {  	v22 =	vor.u32 s6, v1;
	_ =	sdelay $0x1  }
0x7f: {  	[tilespmem:s17+$0xFFFFFF80] =	vst v19  }
0x80: {  	[tilespmem:s16+$0xFFFFFF80] =	vst v20  }
0x81: {  	(v2sf) =	vpush v18, $0x2;
	v19 =	vld.idx.msk [tilespmem:v21+s13+$0x0], $0xffff  }
0x82: {  	s4 =	sand.u32 $0x7F, s10;
	s15 =	spop (v2sf);
	v20 =	vld.idx.msk [tilespmem:v22+s14+$0x0], $0xffff  }
0x83: {  	v38 =	vor.u32 s4, v2;
	s5 =	sand.u32 $0x7F, s15  }
0x84: {  	v39 =	vor.u32 s5, v2;
	_ =	sdelay $0x1  }
0x85: {  	[tilespmem:s17+$0xFFFFFF90] =	vst v19  }
0x86: {  	[tilespmem:s16+$0xFFFFFF90] =	vst v20  }
0x87: {  	v19 =	vld.idx.msk [tilespmem:v38+s13+$0x0], $0xffff  }
0x88: {  	v20 =	vld.idx.msk [tilespmem:v39+s14+$0x0], $0xffff  }
0x89: {  	v40 =	vor.u32 s4, v3  }
0x8a: {  	v41 =	vor.u32 s5, v3;
	_ =	sdelay $0x1  }
0x8b: {  	[tilespmem:s17+$0xFFFFFFA0] =	vst v19  }
0x8c: {  	[tilespmem:s16+$0xFFFFFFA0] =	vst v20  }
0x8d: {  	(v2sf) =	vpush v18, $0x3;
	v19 =	vld.idx.msk [tilespmem:v40+s13+$0x0], $0xffff  }
0x8e: {  	s7 =	sand.u32 $0x7F, s19;
	s6 =	spop (v2sf);
	v20 =	vld.idx.msk [tilespmem:v41+s14+$0x0], $0xffff  }
0x8f: {  	v42 =	vor.u32 s7, v4;
	s5 =	sand.u32 $0x7F, s6  }
0x90: {  	v43 =	vor.u32 s5, v4;
	_ =	sdelay $0x1  }
0x91: {  	[tilespmem:s17+$0xFFFFFFB0] =	vst v19  }
0x92: {  	[tilespmem:s16+$0xFFFFFFB0] =	vst v20  }
0x93: {  	v19 =	vld.idx.msk [tilespmem:v42+s13+$0x0], $0xffff  }
0x94: {  	v20 =	vld.idx.msk [tilespmem:v43+s14+$0x0], $0xffff  }
0x95: {  	v44 =	vor.u32 s7, v5  }
0x96: {  	p0 =	seq.s32 s18, $0x7E0;
	v45 =	vor.u32 s5, v5  }
0x97: {  	(v2sf) =	vpush @!p0 v17, $0x9  }
0x98: {  	(v2sf) =	vpush @!p0 v17, $0xA;
	[tilespmem:s17+$0xFFFFFFC0] =	vst v19  }
0x99: {  	(v2sf) =	vpush @!p0 v17, $0xB;
	[tilespmem:s16+$0xFFFFFFC0] =	vst v20  }
0x9a: {  	(v2sf) =	vpush @!p0 v18, $0x9;
	v19 =	vld.idx.msk [tilespmem:v44+s13+$0x0], $0xffff  }
0x9b: {  	s9 =	sand.u32 $0x7F, s20;
	(v2sf) =	vpush @!p0 v18, $0xA;
	s8 =	spop (v2sf);
	v20 =	vld.idx.msk [tilespmem:v45+s14+$0x0], $0xffff  }
0x9c: {  	v46 =	vor.u32 s9, v6;
	(v2sf) =	vpush @!p0 v18, $0xB;
	s5 =	sand.u32 $0x7F, s8  }
0x9d: {  	(v2sf) =	vpush @!p0 v17, $0x8;
	v47 =	vor.u32 s5, v6;
	_ =	sdelay $0x1  }
0x9e: {  	[tilespmem:s17+$0xFFFFFFD0] =	vst v19  }
0x9f: {  	[tilespmem:s16+$0xFFFFFFD0] =	vst v20  }
0xa0: {  	(v2sf) =	vpush @!p0 v18, $0x8;
	v19 =	vld.idx.msk [tilespmem:v46+s13+$0x0], $0xffff  }
0xa1: {  	v20 =	vld.idx.msk [tilespmem:v47+s14+$0x0], $0xffff  }
0xa2: {  	v48 =	vor.u32 s9, v7  }
0xa3: {  	v49 =	vor.u32 s5, v7;
	_ =	sdelay $0x1  }
0xa4: {  	s5 =	spop @!p0 (v2sf);
	[tilespmem:s17+$0xFFFFFFE0] =	vst v19  }
0xa5: {  	s6 =	spop @!p0 (v2sf);
	[tilespmem:s16+$0xFFFFFFE0] =	vst v20  }
0xa6: {  	s10 =	spop @!p0 (v2sf);
	v19 =	vld.idx.msk [tilespmem:v48+s13+$0x0], $0xffff  }
0xa7: {  	s19 =	spop @!p0 (v2sf);
	v20 =	vld.idx.msk [tilespmem:v49+s14+$0x0], $0xffff  }
0xa8: {  	s20 =	spop @!p0 (v2sf)  }
0xa9: {  	s7 =	spop @!p0 (v2sf)  }
0xaa: {  	s8 =	spop @!p0 (v2sf)  }
0xab: {  	s4 =	simm.s32 @!p0 $0x400;
	s8 =	sand.u32 @!p0 $0xFFFFF80, s8;
	[tilespmem:s17+$0xFFFFFFF0] =	vst v19  }
0xac: {  	s9 =	simm.s32 @!p0 $0x7A1400;
	s15 =	simm.s32 @!p0 $0x500;
	s8 =	sadd.s32 @!p0 s1, s8;
	[tilespmem:s16+$0xFFFFFFF0] =	vst v20  }
0xad: {  	[tilespmem:s15], [sflag:$0x1] =	stream.strided.gather @!p0 [hbm4b:s8+s4], $0x1000, s9, s4, $0x38;
	[tilespmem:$0x18700] =	vst v63  }
0xae: {  	s8 =	spop @!p0 (v2sf)  }
0xaf: {  	s8 =	sand.u32 @!p0 $0xFFFFF80, s8  }
0xb0: {  	s5 =	sand.u32 @!p0 $0xFFFFF80, s5;
	s15 =	simm.s32 @!p0 $0x8500;
	s8 =	sadd.s32 @!p0 s2, s8  }
0xb1: {  	[tilespmem:s15], [sflag:$0x1] =	stream.strided.gather @!p0 [hbm4b:s8+s4], $0x1000, s9, s4, $0x38;
	[tilespmem:$0x18700] =	vst v63  }
0xb2: {  	s5 =	sadd.s32 @!p0 s1, s5;
	s8 =	simm.s32 @!p0 $0x1500  }
0xb3: {  	[tilespmem:s8], [sflag:$0x1] =	stream.strided.gather @!p0 [hbm4b:s5+s4], $0x1000, s9, s4, $0x38;
	[tilespmem:$0x18700] =	vst v63  }
0xb4: {  	s5 =	sand.u32 @!p0 $0xFFFFF80, s19  }
0xb5: {  	s8 =	simm.s32 @!p0 $0x9500;
	s5 =	sadd.s32 @!p0 s2, s5  }
0xb6: {  	[tilespmem:s8], [sflag:$0x1] =	stream.strided.gather @!p0 [hbm4b:s5+s4], $0x1000, s9, s4, $0x38;
	[tilespmem:$0x18700] =	vst v63  }
0xb7: {  	s5 =	sand.u32 @!p0 $0xFFFFF80, s6  }
0xb8: {  	s6 =	simm.s32 @!p0 $0x2500;
	s5 =	sadd.s32 @!p0 s1, s5  }
0xb9: {  	[tilespmem:s6], [sflag:$0x1] =	stream.strided.gather @!p0 [hbm4b:s5+s4], $0x1000, s9, s4, $0x38;
	[tilespmem:$0x18700] =	vst v63  }
0xba: {  	s5 =	sand.u32 @!p0 $0xFFFFF80, s20  }
0xbb: {  	s6 =	simm.s32 @!p0 $0xA500;
	s5 =	sadd.s32 @!p0 s2, s5  }
0xbc: {  	[tilespmem:s6], [sflag:$0x1] =	stream.strided.gather @!p0 [hbm4b:s5+s4], $0x1000, s9, s4, $0x38;
	[tilespmem:$0x18700] =	vst v63  }
0xbd: {  	s5 =	sand.u32 @!p0 $0xFFFFF80, s10  }
0xbe: {  	s6 =	simm.s32 @!p0 $0x3500;
	s5 =	sadd.s32 @!p0 s1, s5  }
0xbf: {  	[tilespmem:s6], [sflag:$0x1] =	stream.strided.gather @!p0 [hbm4b:s5+s4], $0x1000, s9, s4, $0x38;
	[tilespmem:$0x18700] =	vst v63  }
0xc0: {  	s5 =	sand.u32 @!p0 $0xFFFFF80, s7  }
0xc1: {  	s6 =	simm.s32 @!p0 $0xB500;
	s5 =	sadd.s32 @!p0 s2, s5  }
0xc2: {  	[tilespmem:s6], [sflag:$0x1] =	stream.strided.gather @!p0 [hbm4b:s5+s4], $0x1000, s9, s4, $0x38;
	[tilespmem:$0x18700] =	vst v63  }
0xc3: {  	_ =	swait.ge [sflag:s31], $0x1000  }
0xc4: {  	[sflag:s31] =	ssyncset.done $0x0  }
0xc5: {  	[sflag:s31] =	ssyncadd.s32 $0xFFFFF000  }
0xc6: {  	_ =	swait.ge [sflag:s31], $0x1000  }
0xc7: {  	[sflag:s31] =	ssyncset.done $0x0  }
0xc8: {  	[sflag:s31] =	ssyncadd.s32 $0xFFFFF000  }
0xc9: {  	_ =	swait.ge [sflag:s31], $0x1000  }
0xca: {  	[sflag:s31] =	ssyncset.done $0x0  }
0xcb: {  	[sflag:s31] =	ssyncadd.s32 $0xFFFFF000  }
0xcc: {  	_ =	swait.ge [sflag:s31], $0x1000  }
0xcd: {  	[sflag:s31] =	ssyncset.done $0x0  }
0xce: {  	[sflag:s31] =	ssyncadd.s32 $0xFFFFF000  }
0xcf: {  	_ =	swait.ge [sflag:s31], $0x1000  }
0xd0: {  	[sflag:s31] =	ssyncset.done $0x0  }
0xd1: {  	[sflag:s31] =	ssyncadd.s32 $0xFFFFF000  }
0xd2: {  	_ =	swait.ge [sflag:s31], $0x1000  }
0xd3: {  	[sflag:s31] =	ssyncset.done $0x0  }
0xd4: {  	[sflag:s31] =	ssyncadd.s32 $0xFFFFF000  }
0xd5: {  	_ =	swait.ge [sflag:s31], $0x1000  }
0xd6: {  	[sflag:s31] =	ssyncset.done $0x0  }
0xd7: {  	[sflag:s31] =	ssyncadd.s32 $0xFFFFF000  }
0xd8: {  	_ =	swait.ge [sflag:s31], $0x1000  }
0xd9: {  	(v2sf) =	vpush v17, $0x4  }
0xda: {  	(v2sf) =	vpush v17, $0x5  }
0xdb: {  	(v2sf) =	vpush v17, $0x6  }
0xdc: {  	(v2sf) =	vpush v17, $0x7  }
0xdd: {  	(v2sf) =	vpush v18, $0x4;
	_ =	sdelay $0xa  }
0xde: {  	s10 =	spop (v2sf)  }
0xdf: {  	s15 =	spop (v2sf)  }
0xe0: {  	s19 =	spop (v2sf)  }
0xe1: {  	(v2sf) =	vpush v18, $0x5;
	s7 =	spop (v2sf)  }
0xe2: {  	s4 =	sand.u32 $0x7F, s10;
	s20 =	spop (v2sf)  }
0xe3: {  	v19 =	vor.u32 s4, v8;
	s8 =	sand.u32 $0x7F, s20  }
0xe4: {  	v20 =	vor.u32 s8, v8;
	_ =	sdelay $0x1  }
0xe5: {  	[sflag:s31] =	ssyncset.done $0x0  }
0xe6: {  	[sflag:s31] =	ssyncadd.s32 $0xFFFFF000  }
0xe7: {  	v19 =	vld.idx.msk [tilespmem:v19+s13+$0x0], $0xffff  }
0xe8: {  	v20 =	vld.idx.msk [tilespmem:v20+s14+$0x0], $0xffff  }
0xe9: {  	v50 =	vor.u32 s4, v9  }
0xea: {  	v51 =	vor.u32 s8, v9;
	_ =	sdelay $0x1  }
0xeb: {  	[tilespmem:s17+$0x0] =	vst v19  }
0xec: {  	[tilespmem:s16+$0x0] =	vst v20  }
0xed: {  	(v2sf) =	vpush v18, $0x6;
	v19 =	vld.idx.msk [tilespmem:v50+s13+$0x0], $0xffff  }
0xee: {  	s5 =	sand.u32 $0x7F, s15;
	s9 =	spop (v2sf);
	v20 =	vld.idx.msk [tilespmem:v51+s14+$0x0], $0xffff  }
0xef: {  	v52 =	vor.u32 s5, v10;
	s4 =	sand.u32 $0x7F, s9  }
0xf0: {  	v53 =	vor.u32 s4, v10;
	_ =	sdelay $0x1  }
0xf1: {  	[tilespmem:s17+$0x10] =	vst v19  }
0xf2: {  	[tilespmem:s16+$0x10] =	vst v20  }
0xf3: {  	v19 =	vld.idx.msk [tilespmem:v52+s13+$0x0], $0xffff  }
0xf4: {  	v20 =	vld.idx.msk [tilespmem:v53+s14+$0x0], $0xffff  }
0xf5: {  	v54 =	vor.u32 s5, v11  }
0xf6: {  	v55 =	vor.u32 s4, v11;
	_ =	sdelay $0x1  }
0xf7: {  	[tilespmem:s17+$0x20] =	vst v19  }
0xf8: {  	[tilespmem:s16+$0x20] =	vst v20  }
0xf9: {  	(v2sf) =	vpush v18, $0x7;
	v19 =	vld.idx.msk [tilespmem:v54+s13+$0x0], $0xffff  }
0xfa: {  	s15 =	sand.u32 $0x7F, s19;
	s10 =	spop (v2sf);
	v20 =	vld.idx.msk [tilespmem:v55+s14+$0x0], $0xffff  }
0xfb: {  	v56 =	vor.u32 s15, v12;
	s4 =	sand.u32 $0x7F, s10  }
0xfc: {  	v57 =	vor.u32 s4, v12;
	_ =	sdelay $0x1  }
0xfd: {  	[tilespmem:s17+$0x30] =	vst v19  }
0xfe: {  	[tilespmem:s16+$0x30] =	vst v20  }
0xff: {  	v19 =	vld.idx.msk [tilespmem:v56+s13+$0x0], $0xffff  }
0x100: {  	v20 =	vld.idx.msk [tilespmem:v57+s14+$0x0], $0xffff  }
0x101: {  	v58 =	vor.u32 s15, v13  }
0x102: {  	v59 =	vor.u32 s4, v13;
	_ =	sdelay $0x1  }
0x103: {  	[tilespmem:s17+$0x40] =	vst v19  }
0x104: {  	[tilespmem:s16+$0x40] =	vst v20  }
0x105: {  	v19 =	vld.idx.msk [tilespmem:v58+s13+$0x0], $0xffff  }
0x106: {  	s20 =	sand.u32 $0x7F, s7;
	s19 =	spop (v2sf);
	v20 =	vld.idx.msk [tilespmem:v59+s14+$0x0], $0xffff  }
0x107: {  	v60 =	vor.u32 s20, v14;
	s4 =	sand.u32 $0x7F, s19  }
0x108: {  	v61 =	vor.u32 s4, v14;
	_ =	sdelay $0x1  }
0x109: {  	[tilespmem:s17+$0x50] =	vst v19  }
0x10a: {  	[tilespmem:s16+$0x50] =	vst v20  }
0x10b: {  	v19 =	vld.idx.msk [tilespmem:v60+s13+$0x0], $0xffff  }
0x10c: {  	v20 =	vld.idx.msk [tilespmem:v61+s14+$0x0], $0xffff  }
0x10d: {  	v62 =	vor.u32 s20, v15  }
0x10e: {  	v63 =	vor.u32 s4, v15;
	_ =	sdelay $0x1  }
0x10f: {  	[tilespmem:s17+$0x60] =	vst v19  }
0x110: {  	[tilespmem:s16+$0x60] =	vst v20  }
0x111: {  	v19 =	vld.idx.msk [tilespmem:v62+s13+$0x0], $0xffff  }
0x112: {  	v20 =	vld.idx.msk [tilespmem:v63+s14+$0x0], $0xffff  }
.Ltmp0:
0x113: {  	_ = 	snop;
	(pc) =	sbr.rel @p0 .LBB2_3-.Ltmp0, $3  }
0x114: {  	_ =	sdelay $0x1  }
0x115: {  	[tilespmem:s17+$0x70] =	vst v19  }
0x116: {  	[tilespmem:s16+$0x70] =	vst v20  }
0x117: {  	(v2sf) =	vpush v17, $0xD  }
0x118: {  	(v2sf) =	vpush v17, $0xE  }
0x119: {  	(v2sf) =	vpush v17, $0xF  }
0x11a: {  	(v2sf) =	vpush v18, $0xD  }
0x11b: {  	(v2sf) =	vpush v18, $0xE  }
0x11c: {  	(v2sf) =	vpush v18, $0xF  }
0x11d: {  	(v2sf) =	vpush v17, $0xC;
	_ =	sdelay $0x1  }
0x11e: {  	(v2sf) =	vpush v18, $0xC;
	_ =	sdelay $0x6  }
0x11f: {  	s4 =	spop (v2sf)  }
0x120: {  	s5 =	spop (v2sf)  }
0x121: {  	s6 =	spop (v2sf)  }
0x122: {  	s7 =	spop (v2sf)  }
0x123: {  	s8 =	spop (v2sf)  }
0x124: {  	s9 =	spop (v2sf)  }
0x125: {  	s10 =	spop (v2sf)  }
0x126: {  	s10 =	sand.u32 $0xFFFFF80, s10  }
0x127: {  	s20 =	spop (v2sf);
	s10 =	sadd.s32 s1, s10  }
0x128: {  	[tilespmem:s21], [sflag:$0x2] =	stream.strided.gather [hbm4b:s10+s11], $0x1000, s12, s11, $0x38;
	[tilespmem:$0x18700] =	vst v63  }
0x129: {  	s10 =	sand.u32 $0xFFFFF80, s20  }
0x12a: {  	s4 =	sand.u32 $0xFFFFF80, s4;
	s10 =	sadd.s32 s2, s10  }
0x12b: {  	[tilespmem:s22], [sflag:$0x2] =	stream.strided.gather [hbm4b:s10+s11], $0x1000, s12, s11, $0x38;
	[tilespmem:$0x18700] =	vst v63  }
0x12c: {  	s4 =	sadd.s32 s1, s4;
	s7 =	sand.u32 $0xFFFFF80, s7  }
0x12d: {  	[tilespmem:s23], [sflag:$0x2] =	stream.strided.gather [hbm4b:s4+s11], $0x1000, s12, s11, $0x38;
	[tilespmem:$0x18700] =	vst v63  }
0x12e: {  	s10 =	sand.u32 $0xFFFFF80, s5;
	s4 =	sadd.s32 s2, s7  }
0x12f: {  	[tilespmem:s24], [sflag:$0x2] =	stream.strided.gather [hbm4b:s4+s11], $0x1000, s12, s11, $0x38;
	[tilespmem:$0x18700] =	vst v63  }
0x130: {  	s15 =	sand.u32 $0xFFFFF80, s8;
	s4 =	sadd.s32 s1, s10  }
0x131: {  	[tilespmem:s25], [sflag:$0x2] =	stream.strided.gather [hbm4b:s4+s11], $0x1000, s12, s11, $0x38;
	[tilespmem:$0x18700] =	vst v63  }
0x132: {  	s4 =	sadd.s32 s2, s15  }
0x133: {  	[tilespmem:s26], [sflag:$0x2] =	stream.strided.gather [hbm4b:s4+s11], $0x1000, s12, s11, $0x38;
	[tilespmem:$0x18700] =	vst v63  }
.Ltmp1:
0x134: {  	s19 =	sand.u32 $0xFFFFF80, s6;
	(pc) =	sbr.rel .LBB2_2-.Ltmp1, $4  }
0x135: {  	s18 =	sadd.s32 $0x20, s18;
	s20 =	sand.u32 $0xFFFFF80, s9;
	s4 =	sadd.s32 s1, s19  }
0x136: {  	[tilespmem:s28], [sflag:$0x2] =	stream.strided.gather [hbm4b:s4+s11], $0x1000, s12, s11, $0x38;
	[tilespmem:$0x18700] =	vst v63  }
0x137: {  	s16 =	sadd.s32 $0x100, s16;
	s17 =	sadd.s32 $0x100, s17;
	s4 =	sadd.s32 s2, s20  }
0x138: {  	[tilespmem:s29], [sflag:$0x2] =	stream.strided.gather [hbm4b:s4+s11], $0x1000, s12, s11, $0x38;
	[tilespmem:$0x18700] =	vst v63  }
.LBB2_3:
0x139: {  	s17 =	simm.s32 $0x0  }
0x13a: {  	v17 =	vmov s17  }
0x13b: {  	v17 =	vshll.u32 v17, $0x5  }
0x13c: {  	v17 =	vor.u32 v16, v17;
	_ =	sdelay $0x1  }
0x13d: {  	v18 =	vor.u32 $0x1, v17;
	_ =	sdelay $0x1  }
0x13e: {  	v19 =	vor.u32 $0x2, v17  }
0x13f: {  	v20 =	vld.idx.msk [tilespmem:v17+s3+$0x0], $0xffff  }
0x140: {  	v22 =	vor.u32 $0x3, v17;
	v21 =	vld.idx.msk [tilespmem:v17+s0+$0x0], $0xffff  }
0x141: {  	v23 =	vld.idx.msk [tilespmem:v18+s0+$0x0], $0xffff  }
0x142: {  	v24 =	vor.u32 $0x4, v17;
	v18 =	vld.idx.msk [tilespmem:v18+s3+$0x0], $0xffff  }
0x143: {  	v25 =	vld.idx.msk [tilespmem:v19+s0+$0x0], $0xffff  }
0x144: {  	v26 =	vor.u32 $0x5, v17;
	v19 =	vld.idx.msk [tilespmem:v19+s3+$0x0], $0xffff  }
0x145: {  	v27 =	vld.idx.msk [tilespmem:v22+s0+$0x0], $0xffff;
	v20 =	vmul.f32 v20, v21  }
0x146: {  	v21 =	vld.idx.msk [tilespmem:v22+s3+$0x0], $0xffff;
	v22 =	vor.u32 $0x6, v17  }
0x147: {  	v28 =	vld.idx.msk [tilespmem:v24+s0+$0x0], $0xffff;
	v18 =	vmul.f32 v18, v23;
	v20 =	vadd.f32 $0.0e+00, v20  }
0x148: {  	v40 =	vor.u32 $0x7, v17;
	v23 =	vld.idx.msk [tilespmem:v24+s3+$0x0], $0xffff  }
0x149: {  	v29 =	vld.idx.msk [tilespmem:v26+s0+$0x0], $0xffff;
	v19 =	vmul.f32 v19, v25;
	v18 =	vadd.f32 v18, v20  }
0x14a: {  	v41 =	vor.u32 $0x8, v17;
	v20 =	vld.idx.msk [tilespmem:v26+s3+$0x0], $0xffff  }
0x14b: {  	v42 =	vld.idx.msk [tilespmem:v22+s0+$0x0], $0xffff;
	v18 =	vadd.f32 v19, v18;
	v19 =	vmul.f32 v21, v27  }
0x14c: {  	v21 =	vld.idx.msk [tilespmem:v22+s3+$0x0], $0xffff;
	v22 =	vor.u32 $0x9, v17  }
0x14d: {  	v43 =	vld.idx.msk [tilespmem:v40+s0+$0x0], $0xffff;
	v18 =	vadd.f32 v19, v18;
	v19 =	vmul.f32 v23, v28  }
0x14e: {  	v44 =	vor.u32 $0xA, v17;
	v23 =	vld.idx.msk [tilespmem:v40+s3+$0x0], $0xffff  }
0x14f: {  	v45 =	vld.idx.msk [tilespmem:v41+s0+$0x0], $0xffff;
	v18 =	vadd.f32 v19, v18;
	v19 =	vmul.f32 v20, v29  }
0x150: {  	v46 =	vor.u32 $0xB, v17;
	v20 =	vld.idx.msk [tilespmem:v41+s3+$0x0], $0xffff  }
0x151: {  	v47 =	vld.idx.msk [tilespmem:v22+s0+$0x0], $0xffff;
	v18 =	vadd.f32 v19, v18;
	v19 =	vmul.f32 v21, v42  }
0x152: {  	v21 =	vld.idx.msk [tilespmem:v22+s3+$0x0], $0xffff;
	v22 =	vor.u32 $0xC, v17  }
0x153: {  	v48 =	vld.idx.msk [tilespmem:v44+s0+$0x0], $0xffff;
	v18 =	vadd.f32 v19, v18;
	v19 =	vmul.f32 v23, v43  }
0x154: {  	v49 =	vor.u32 $0xD, v17;
	v23 =	vld.idx.msk [tilespmem:v44+s3+$0x0], $0xffff  }
0x155: {  	v50 =	vld.idx.msk [tilespmem:v46+s0+$0x0], $0xffff;
	v18 =	vadd.f32 v19, v18;
	v19 =	vmul.f32 v20, v45  }
0x156: {  	v51 =	vor.u32 $0xE, v17;
	v20 =	vld.idx.msk [tilespmem:v46+s3+$0x0], $0xffff  }
0x157: {  	v52 =	vld.idx.msk [tilespmem:v22+s0+$0x0], $0xffff;
	v18 =	vadd.f32 v19, v18;
	v19 =	vmul.f32 v21, v47  }
0x158: {  	v21 =	vld.idx.msk [tilespmem:v22+s3+$0x0], $0xffff;
	v22 =	vor.u32 $0xF, v17  }
0x159: {  	v53 =	vld.idx.msk [tilespmem:v49+s0+$0x0], $0xffff;
	v18 =	vadd.f32 v19, v18;
	v19 =	vmul.f32 v23, v48  }
0x15a: {  	v54 =	vor.u32 $0x10, v17;
	v23 =	vld.idx.msk [tilespmem:v49+s3+$0x0], $0xffff  }
0x15b: {  	v55 =	vld.idx.msk [tilespmem:v51+s0+$0x0], $0xffff;
	v18 =	vadd.f32 v19, v18;
	v19 =	vmul.f32 v20, v50  }
0x15c: {  	v56 =	vor.u32 $0x11, v17;
	v20 =	vld.idx.msk [tilespmem:v51+s3+$0x0], $0xffff  }
0x15d: {  	v57 =	vld.idx.msk [tilespmem:v22+s0+$0x0], $0xffff;
	v18 =	vadd.f32 v19, v18;
	v19 =	vmul.f32 v21, v52  }
0x15e: {  	v21 =	vld.idx.msk [tilespmem:v22+s3+$0x0], $0xffff;
	v22 =	vor.u32 $0x12, v17  }
0x15f: {  	v58 =	vld.idx.msk [tilespmem:v54+s0+$0x0], $0xffff;
	v18 =	vadd.f32 v19, v18;
	v19 =	vmul.f32 v23, v53  }
0x160: {  	v59 =	vor.u32 $0x13, v17;
	v23 =	vld.idx.msk [tilespmem:v54+s3+$0x0], $0xffff  }
0x161: {  	v60 =	vld.idx.msk [tilespmem:v56+s0+$0x0], $0xffff;
	v18 =	vadd.f32 v19, v18;
	v19 =	vmul.f32 v20, v55  }
0x162: {  	v61 =	vor.u32 $0x14, v17;
	v20 =	vld.idx.msk [tilespmem:v56+s3+$0x0], $0xffff  }
0x163: {  	v62 =	vld.idx.msk [tilespmem:v22+s0+$0x0], $0xffff;
	v18 =	vadd.f32 v19, v18;
	v19 =	vmul.f32 v21, v57  }
0x164: {  	v21 =	vld.idx.msk [tilespmem:v22+s3+$0x0], $0xffff;
	v22 =	vor.u32 $0x15, v17  }
0x165: {  	v63 =	vld.idx.msk [tilespmem:v59+s0+$0x0], $0xffff;
	v18 =	vadd.f32 v19, v18;
	v19 =	vmul.f32 v23, v58  }
0x166: {  	v32 =	vor.u32 $0x16, v17;
	v23 =	vld.idx.msk [tilespmem:v59+s3+$0x0], $0xffff  }
0x167: {  	v33 =	vld.idx.msk [tilespmem:v61+s0+$0x0], $0xffff;
	v18 =	vadd.f32 v19, v18;
	v19 =	vmul.f32 v20, v60  }
0x168: {  	v34 =	vor.u32 $0x17, v17;
	v20 =	vld.idx.msk [tilespmem:v61+s3+$0x0], $0xffff  }
0x169: {  	v35 =	vld.idx.msk [tilespmem:v22+s0+$0x0], $0xffff;
	v18 =	vadd.f32 v19, v18;
	v19 =	vmul.f32 v21, v62  }
0x16a: {  	v21 =	vld.idx.msk [tilespmem:v22+s3+$0x0], $0xffff;
	v22 =	vor.u32 $0x18, v17  }
0x16b: {  	v36 =	vld.idx.msk [tilespmem:v32+s0+$0x0], $0xffff;
	v18 =	vadd.f32 v19, v18;
	v19 =	vmul.f32 v23, v63  }
0x16c: {  	v37 =	vor.u32 $0x19, v17;
	v23 =	vld.idx.msk [tilespmem:v32+s3+$0x0], $0xffff  }
0x16d: {  	v38 =	vld.idx.msk [tilespmem:v34+s0+$0x0], $0xffff;
	v18 =	vadd.f32 v19, v18;
	v19 =	vmul.f32 v20, v33  }
0x16e: {  	v39 =	vor.u32 $0x1A, v17;
	v20 =	vld.idx.msk [tilespmem:v34+s3+$0x0], $0xffff  }
0x16f: {  	v40 =	vld.idx.msk [tilespmem:v22+s0+$0x0], $0xffff;
	v18 =	vadd.f32 v19, v18;
	v19 =	vmul.f32 v21, v35  }
0x170: {  	v21 =	vld.idx.msk [tilespmem:v22+s3+$0x0], $0xffff;
	v22 =	vor.u32 $0x1B, v17  }
0x171: {  	v41 =	vld.idx.msk [tilespmem:v37+s0+$0x0], $0xffff;
	v18 =	vadd.f32 v19, v18;
	v19 =	vmul.f32 v23, v36  }
0x172: {  	v42 =	vor.u32 $0x1C, v17;
	v23 =	vld.idx.msk [tilespmem:v37+s3+$0x0], $0xffff  }
0x173: {  	v43 =	vld.idx.msk [tilespmem:v39+s0+$0x0], $0xffff;
	v18 =	vadd.f32 v19, v18;
	v19 =	vmul.f32 v20, v38  }
0x174: {  	v44 =	vor.u32 $0x1D, v17;
	v20 =	vld.idx.msk [tilespmem:v39+s3+$0x0], $0xffff  }
0x175: {  	v45 =	vld.idx.msk [tilespmem:v22+s0+$0x0], $0xffff;
	v18 =	vadd.f32 v19, v18;
	v19 =	vmul.f32 v21, v40  }
0x176: {  	v21 =	vld.idx.msk [tilespmem:v22+s3+$0x0], $0xffff;
	v22 =	vor.u32 $0x1E, v17  }
0x177: {  	v46 =	vld.idx.msk [tilespmem:v42+s0+$0x0], $0xffff;
	v18 =	vadd.f32 v19, v18;
	v19 =	vmul.f32 v23, v41  }
0x178: {  	v17 =	vor.u32 $0x1F, v17;
	v23 =	vld.idx.msk [tilespmem:v42+s3+$0x0], $0xffff  }
0x179: {  	v47 =	vld.idx.msk [tilespmem:v44+s0+$0x0], $0xffff;
	v18 =	vadd.f32 v19, v18;
	v19 =	vmul.f32 v20, v43  }
0x17a: {  	v20 =	vld.idx.msk [tilespmem:v44+s3+$0x0], $0xffff  }
0x17b: {  	v48 =	vld.idx.msk [tilespmem:v22+s0+$0x0], $0xffff;
	v18 =	vadd.f32 v19, v18;
	v19 =	vmul.f32 v21, v45  }
0x17c: {  	v21 =	vld.idx.msk [tilespmem:v22+s3+$0x0], $0xffff  }
0x17d: {  	v22 =	vld.idx.msk [tilespmem:v17+s0+$0x0], $0xffff;
	v18 =	vadd.f32 v19, v18;
	v19 =	vmul.f32 v23, v46  }
0x17e: {  	v23 =	vld.idx.msk [tilespmem:v17+s3+$0x0], $0xffff  }
0x17f: {  	v17 =	vadd.f32 v19, v18;
	v18 =	vmul.f32 v20, v47  }
0x180: {  	s4 =	simm.s32 $0x10  }
0x181: {  	v19 =	vmov s4;
	v20 =	vmul.f32 v21, v48;
	v18 =	vadd.f32 v18, v17  }
0x182: {  	v17 =	vshll.u32 v19, $0x5  }
0x183: {  	v17 =	vor.u32 v16, v17;
	v19 =	vmul.f32 v23, v22;
	v18 =	vadd.f32 v20, v18;
	_ =	sdelay $0x1  }
0x184: {  	v20 =	vor.u32 $0x1, v17;
	v18 =	vadd.f32 v19, v18  }
0x185: {  	s16 =	simm.s32 $0x18500  }
0x186: {  	v19 =	vor.u32 $0x2, v17;
	[tilespmem:s16+$0x0] =	vst v18  }
0x187: {  	v18 =	vld.idx.msk [tilespmem:v17+s3+$0x0], $0xffff  }
0x188: {  	v22 =	vor.u32 $0x3, v17;
	v21 =	vld.idx.msk [tilespmem:v17+s0+$0x0], $0xffff  }
0x189: {  	v23 =	vld.idx.msk [tilespmem:v20+s0+$0x0], $0xffff  }
0x18a: {  	v49 =	vor.u32 $0x4, v17;
	v20 =	vld.idx.msk [tilespmem:v20+s3+$0x0], $0xffff  }
0x18b: {  	v50 =	vld.idx.msk [tilespmem:v19+s0+$0x0], $0xffff  }
0x18c: {  	v51 =	vor.u32 $0x5, v17;
	v19 =	vld.idx.msk [tilespmem:v19+s3+$0x0], $0xffff  }
0x18d: {  	v52 =	vld.idx.msk [tilespmem:v22+s0+$0x0], $0xffff;
	v18 =	vmul.f32 v18, v21  }
0x18e: {  	v21 =	vld.idx.msk [tilespmem:v22+s3+$0x0], $0xffff;
	v22 =	vor.u32 $0x6, v17  }
0x18f: {  	v53 =	vld.idx.msk [tilespmem:v49+s0+$0x0], $0xffff;
	v20 =	vmul.f32 v20, v23;
	v18 =	vadd.f32 $0.0e+00, v18  }
0x190: {  	v54 =	vor.u32 $0x7, v17;
	v23 =	vld.idx.msk [tilespmem:v49+s3+$0x0], $0xffff  }
0x191: {  	v55 =	vld.idx.msk [tilespmem:v51+s0+$0x0], $0xffff;
	v19 =	vmul.f32 v19, v50;
	v18 =	vadd.f32 v20, v18  }
0x192: {  	v56 =	vor.u32 $0x8, v17;
	v20 =	vld.idx.msk [tilespmem:v51+s3+$0x0], $0xffff  }
0x193: {  	v57 =	vld.idx.msk [tilespmem:v22+s0+$0x0], $0xffff;
	v18 =	vadd.f32 v19, v18;
	v19 =	vmul.f32 v21, v52  }
0x194: {  	v21 =	vld.idx.msk [tilespmem:v22+s3+$0x0], $0xffff;
	v22 =	vor.u32 $0x9, v17  }
0x195: {  	v58 =	vld.idx.msk [tilespmem:v54+s0+$0x0], $0xffff;
	v18 =	vadd.f32 v19, v18;
	v19 =	vmul.f32 v23, v53  }
0x196: {  	v59 =	vor.u32 $0xA, v17;
	v23 =	vld.idx.msk [tilespmem:v54+s3+$0x0], $0xffff  }
0x197: {  	v60 =	vld.idx.msk [tilespmem:v56+s0+$0x0], $0xffff;
	v18 =	vadd.f32 v19, v18;
	v19 =	vmul.f32 v20, v55  }
0x198: {  	v61 =	vor.u32 $0xB, v17;
	v20 =	vld.idx.msk [tilespmem:v56+s3+$0x0], $0xffff  }
0x199: {  	v62 =	vld.idx.msk [tilespmem:v22+s0+$0x0], $0xffff;
	v18 =	vadd.f32 v19, v18;
	v19 =	vmul.f32 v21, v57  }
0x19a: {  	v21 =	vld.idx.msk [tilespmem:v22+s3+$0x0], $0xffff;
	v22 =	vor.u32 $0xC, v17  }
0x19b: {  	v63 =	vld.idx.msk [tilespmem:v59+s0+$0x0], $0xffff;
	v18 =	vadd.f32 v19, v18;
	v19 =	vmul.f32 v23, v58  }
0x19c: {  	v32 =	vor.u32 $0xD, v17;
	v23 =	vld.idx.msk [tilespmem:v59+s3+$0x0], $0xffff  }
0x19d: {  	v33 =	vld.idx.msk [tilespmem:v61+s0+$0x0], $0xffff;
	v18 =	vadd.f32 v19, v18;
	v19 =	vmul.f32 v20, v60  }
0x19e: {  	v34 =	vor.u32 $0xE, v17;
	v20 =	vld.idx.msk [tilespmem:v61+s3+$0x0], $0xffff  }
0x19f: {  	v35 =	vld.idx.msk [tilespmem:v22+s0+$0x0], $0xffff;
	v18 =	vadd.f32 v19, v18;
	v19 =	vmul.f32 v21, v62  }
0x1a0: {  	v21 =	vld.idx.msk [tilespmem:v22+s3+$0x0], $0xffff;
	v22 =	vor.u32 $0xF, v17  }
0x1a1: {  	v36 =	vld.idx.msk [tilespmem:v32+s0+$0x0], $0xffff;
	v18 =	vadd.f32 v19, v18;
	v19 =	vmul.f32 v23, v63  }
0x1a2: {  	v37 =	vor.u32 $0x10, v17;
	v23 =	vld.idx.msk [tilespmem:v32+s3+$0x0], $0xffff  }
0x1a3: {  	v38 =	vld.idx.msk [tilespmem:v34+s0+$0x0], $0xffff;
	v18 =	vadd.f32 v19, v18;
	v19 =	vmul.f32 v20, v33  }
0x1a4: {  	v39 =	vor.u32 $0x11, v17;
	v20 =	vld.idx.msk [tilespmem:v34+s3+$0x0], $0xffff  }
0x1a5: {  	v40 =	vld.idx.msk [tilespmem:v22+s0+$0x0], $0xffff;
	v18 =	vadd.f32 v19, v18;
	v19 =	vmul.f32 v21, v35  }
0x1a6: {  	v21 =	vld.idx.msk [tilespmem:v22+s3+$0x0], $0xffff;
	v22 =	vor.u32 $0x12, v17  }
0x1a7: {  	v41 =	vld.idx.msk [tilespmem:v37+s0+$0x0], $0xffff;
	v18 =	vadd.f32 v19, v18;
	v19 =	vmul.f32 v23, v36  }
0x1a8: {  	v42 =	vor.u32 $0x13, v17;
	v23 =	vld.idx.msk [tilespmem:v37+s3+$0x0], $0xffff  }
0x1a9: {  	v43 =	vld.idx.msk [tilespmem:v39+s0+$0x0], $0xffff;
	v18 =	vadd.f32 v19, v18;
	v19 =	vmul.f32 v20, v38  }
0x1aa: {  	v44 =	vor.u32 $0x14, v17;
	v20 =	vld.idx.msk [tilespmem:v39+s3+$0x0], $0xffff  }
0x1ab: {  	v45 =	vld.idx.msk [tilespmem:v22+s0+$0x0], $0xffff;
	v18 =	vadd.f32 v19, v18;
	v19 =	vmul.f32 v21, v40  }
0x1ac: {  	v21 =	vld.idx.msk [tilespmem:v22+s3+$0x0], $0xffff;
	v22 =	vor.u32 $0x15, v17  }
0x1ad: {  	v46 =	vld.idx.msk [tilespmem:v42+s0+$0x0], $0xffff;
	v18 =	vadd.f32 v19, v18;
	v19 =	vmul.f32 v23, v41  }
0x1ae: {  	v47 =	vor.u32 $0x16, v17;
	v23 =	vld.idx.msk [tilespmem:v42+s3+$0x0], $0xffff  }
0x1af: {  	v48 =	vld.idx.msk [tilespmem:v44+s0+$0x0], $0xffff;
	v18 =	vadd.f32 v19, v18;
	v19 =	vmul.f32 v20, v43  }
0x1b0: {  	v49 =	vor.u32 $0x17, v17;
	v20 =	vld.idx.msk [tilespmem:v44+s3+$0x0], $0xffff  }
0x1b1: {  	v50 =	vld.idx.msk [tilespmem:v22+s0+$0x0], $0xffff;
	v18 =	vadd.f32 v19, v18;
	v19 =	vmul.f32 v21, v45  }
0x1b2: {  	v21 =	vld.idx.msk [tilespmem:v22+s3+$0x0], $0xffff;
	v22 =	vor.u32 $0x18, v17  }
0x1b3: {  	v51 =	vld.idx.msk [tilespmem:v47+s0+$0x0], $0xffff;
	v18 =	vadd.f32 v19, v18;
	v19 =	vmul.f32 v23, v46  }
0x1b4: {  	v52 =	vor.u32 $0x19, v17;
	v23 =	vld.idx.msk [tilespmem:v47+s3+$0x0], $0xffff  }
0x1b5: {  	v53 =	vld.idx.msk [tilespmem:v49+s0+$0x0], $0xffff;
	v18 =	vadd.f32 v19, v18;
	v19 =	vmul.f32 v20, v48  }
0x1b6: {  	v54 =	vor.u32 $0x1A, v17;
	v20 =	vld.idx.msk [tilespmem:v49+s3+$0x0], $0xffff  }
0x1b7: {  	v55 =	vld.idx.msk [tilespmem:v22+s0+$0x0], $0xffff;
	v18 =	vadd.f32 v19, v18;
	v19 =	vmul.f32 v21, v50  }
0x1b8: {  	v21 =	vld.idx.msk [tilespmem:v22+s3+$0x0], $0xffff;
	v22 =	vor.u32 $0x1B, v17  }
0x1b9: {  	v56 =	vld.idx.msk [tilespmem:v52+s0+$0x0], $0xffff;
	v18 =	vadd.f32 v19, v18;
	v19 =	vmul.f32 v23, v51  }
0x1ba: {  	v57 =	vor.u32 $0x1C, v17;
	v23 =	vld.idx.msk [tilespmem:v52+s3+$0x0], $0xffff  }
0x1bb: {  	v58 =	vld.idx.msk [tilespmem:v54+s0+$0x0], $0xffff;
	v18 =	vadd.f32 v19, v18;
	v19 =	vmul.f32 v20, v53  }
0x1bc: {  	v20 =	vld.idx.msk [tilespmem:v54+s3+$0x0], $0xffff  }
0x1bd: {  	v60 =	vld.idx.msk [tilespmem:v22+s0+$0x0], $0xffff;
	v18 =	vadd.f32 v19, v18;
	v19 =	vmul.f32 v21, v55  }
0x1be: {  	v59 =	vor.u32 $0x1D, v17;
	v21 =	vld.idx.msk [tilespmem:v22+s3+$0x0], $0xffff  }
0x1bf: {  	v61 =	vld.idx.msk [tilespmem:v57+s0+$0x0], $0xffff;
	v18 =	vadd.f32 v19, v18;
	v19 =	vmul.f32 v23, v56  }
0x1c0: {  	v22 =	vor.u32 $0x1E, v17;
	v23 =	vld.idx.msk [tilespmem:v57+s3+$0x0], $0xffff  }
0x1c1: {  	v18 =	vadd.f32 v19, v18;
	v19 =	vmul.f32 v20, v58  }
0x1c2: {  	v17 =	vor.u32 $0x1F, v17  }
0x1c3: {  	v62 =	vld.idx.msk [tilespmem:v59+s0+$0x0], $0xffff;
	v18 =	vadd.f32 v19, v18;
	v19 =	vmul.f32 v21, v60  }
0x1c4: {  	v20 =	vld.idx.msk [tilespmem:v59+s3+$0x0], $0xffff  }
0x1c5: {  	v63 =	vld.idx.msk [tilespmem:v22+s0+$0x0], $0xffff;
	v18 =	vadd.f32 v19, v18;
	v19 =	vmul.f32 v23, v61  }
0x1c6: {  	v21 =	vld.idx.msk [tilespmem:v22+s3+$0x0], $0xffff  }
0x1c7: {  	v22 =	vadd.f32 v19, v18;
	v18 =	vld.idx.msk [tilespmem:v17+s0+$0x0], $0xffff  }
0x1c8: {  	v19 =	vld.idx.msk [tilespmem:v17+s3+$0x0], $0xffff  }
0x1c9: {  	v20 =	vmul.f32 v20, v62  }
0x1ca: {  	s20 =	simm.s32 $0x20  }
0x1cb: {  	v23 =	vmov s20;
	v21 =	vmul.f32 v21, v63;
	v20 =	vadd.f32 v20, v22  }
0x1cc: {  	s10 =	simm.s32 $0x0;
	s5 =	simm.s32 $0x3;
	s17 =	simm.s32 $0x30;
	v17 =	vshll.u32 v23, $0x5  }
.LBB2_4:
0x1cd: {  	p0 =	sne.s32 s17, $0x1F0;
	v17 =	vor.u32 v16, v17;
	v20 =	vadd.f32 v21, v20;
	v18 =	vmul.f32 v19, v18;
	_ =	sdelay $0x1  }
0x1ce: {  	v19 =	vor.u32 $0x1, v17;
	v18 =	vadd.f32 v18, v20  }
0x1cf: {  	s16 =	sadd.s32 $0x10, s16  }
0x1d0: {  	v20 =	vor.u32 $0x2, v17;
	[tilespmem:s16+$0x0] =	vst v18  }
0x1d1: {  	v18 =	vld.idx.msk [tilespmem:v17+s3+$0x0], $0xffff  }
0x1d2: {  	v22 =	vor.u32 $0x3, v17;
	v21 =	vld.idx.msk [tilespmem:v17+s0+$0x0], $0xffff  }
0x1d3: {  	v23 =	vld.idx.msk [tilespmem:v19+s0+$0x0], $0xffff  }
0x1d4: {  	v24 =	vor.u32 $0x4, v17;
	v19 =	vld.idx.msk [tilespmem:v19+s3+$0x0], $0xffff  }
0x1d5: {  	v25 =	vld.idx.msk [tilespmem:v20+s0+$0x0], $0xffff  }
0x1d6: {  	v26 =	vor.u32 $0x5, v17;
	v20 =	vld.idx.msk [tilespmem:v20+s3+$0x0], $0xffff  }
0x1d7: {  	v27 =	vld.idx.msk [tilespmem:v22+s0+$0x0], $0xffff  }
0x1d8: {  	v18 =	vmul.f32 v18, v21;
	v21 =	vld.idx.msk [tilespmem:v22+s3+$0x0], $0xffff;
	v22 =	vor.u32 $0x6, v17  }
0x1d9: {  	v28 =	vld.idx.msk [tilespmem:v24+s0+$0x0], $0xffff  }
0x1da: {  	v18 =	vadd.f32 $0.0e+00, v18;
	v19 =	vmul.f32 v19, v23;
	v23 =	vld.idx.msk [tilespmem:v24+s3+$0x0], $0xffff;
	v24 =	vor.u32 $0x7, v17  }
0x1db: {  	v29 =	vld.idx.msk [tilespmem:v26+s0+$0x0], $0xffff  }
0x1dc: {  	v18 =	vadd.f32 v19, v18;
	v19 =	vmul.f32 v20, v25;
	v25 =	vor.u32 $0x8, v17;
	v20 =	vld.idx.msk [tilespmem:v26+s3+$0x0], $0xffff  }
0x1dd: {  	v26 =	vld.idx.msk [tilespmem:v22+s0+$0x0], $0xffff  }
0x1de: {  	v18 =	vadd.f32 v19, v18;
	v19 =	vmul.f32 v21, v27;
	v21 =	vld.idx.msk [tilespmem:v22+s3+$0x0], $0xffff;
	v22 =	vor.u32 $0x9, v17  }
0x1df: {  	v27 =	vld.idx.msk [tilespmem:v24+s0+$0x0], $0xffff  }
0x1e0: {  	v18 =	vadd.f32 v19, v18;
	v19 =	vmul.f32 v23, v28;
	v23 =	vld.idx.msk [tilespmem:v24+s3+$0x0], $0xffff;
	v24 =	vor.u32 $0xA, v17  }
0x1e1: {  	v28 =	vld.idx.msk [tilespmem:v25+s0+$0x0], $0xffff  }
0x1e2: {  	v18 =	vadd.f32 v19, v18;
	v19 =	vmul.f32 v20, v29;
	v20 =	vld.idx.msk [tilespmem:v25+s3+$0x0], $0xffff;
	v25 =	vor.u32 $0xB, v17  }
0x1e3: {  	v29 =	vld.idx.msk [tilespmem:v22+s0+$0x0], $0xffff  }
0x1e4: {  	v18 =	vadd.f32 v19, v18;
	v19 =	vmul.f32 v21, v26;
	v21 =	vld.idx.msk [tilespmem:v22+s3+$0x0], $0xffff;
	v22 =	vor.u32 $0xC, v17  }
0x1e5: {  	v26 =	vld.idx.msk [tilespmem:v24+s0+$0x0], $0xffff  }
0x1e6: {  	v18 =	vadd.f32 v19, v18;
	v19 =	vmul.f32 v23, v27;
	v23 =	vld.idx.msk [tilespmem:v24+s3+$0x0], $0xffff;
	v24 =	vor.u32 $0xD, v17  }
0x1e7: {  	v27 =	vld.idx.msk [tilespmem:v25+s0+$0x0], $0xffff  }
0x1e8: {  	v18 =	vadd.f32 v19, v18;
	v19 =	vmul.f32 v20, v28;
	v20 =	vld.idx.msk [tilespmem:v25+s3+$0x0], $0xffff;
	v25 =	vor.u32 $0xE, v17  }
0x1e9: {  	v28 =	vld.idx.msk [tilespmem:v22+s0+$0x0], $0xffff  }
0x1ea: {  	v18 =	vadd.f32 v19, v18;
	v19 =	vmul.f32 v21, v29;
	v21 =	vld.idx.msk [tilespmem:v22+s3+$0x0], $0xffff;
	v22 =	vor.u32 $0xF, v17  }
0x1eb: {  	v29 =	vld.idx.msk [tilespmem:v24+s0+$0x0], $0xffff  }
0x1ec: {  	v18 =	vadd.f32 v19, v18;
	v19 =	vmul.f32 v23, v26;
	v23 =	vld.idx.msk [tilespmem:v24+s3+$0x0], $0xffff;
	v24 =	vor.u32 $0x10, v17  }
0x1ed: {  	v26 =	vld.idx.msk [tilespmem:v25+s0+$0x0], $0xffff  }
0x1ee: {  	v18 =	vadd.f32 v19, v18;
	v19 =	vmul.f32 v20, v27;
	v20 =	vld.idx.msk [tilespmem:v25+s3+$0x0], $0xffff;
	v25 =	vor.u32 $0x11, v17  }
0x1ef: {  	v27 =	vld.idx.msk [tilespmem:v22+s0+$0x0], $0xffff  }
0x1f0: {  	v18 =	vadd.f32 v19, v18;
	v19 =	vmul.f32 v21, v28;
	v21 =	vld.idx.msk [tilespmem:v22+s3+$0x0], $0xffff;
	v22 =	vor.u32 $0x12, v17  }
0x1f1: {  	v28 =	vld.idx.msk [tilespmem:v24+s0+$0x0], $0xffff  }
0x1f2: {  	v18 =	vadd.f32 v19, v18;
	v19 =	vmul.f32 v23, v29;
	v23 =	vld.idx.msk [tilespmem:v24+s3+$0x0], $0xffff;
	v24 =	vor.u32 $0x13, v17  }
0x1f3: {  	v29 =	vld.idx.msk [tilespmem:v25+s0+$0x0], $0xffff  }
0x1f4: {  	v18 =	vadd.f32 v19, v18;
	v19 =	vmul.f32 v20, v26;
	v20 =	vld.idx.msk [tilespmem:v25+s3+$0x0], $0xffff;
	v25 =	vor.u32 $0x14, v17  }
0x1f5: {  	v26 =	vld.idx.msk [tilespmem:v22+s0+$0x0], $0xffff  }
0x1f6: {  	v18 =	vadd.f32 v19, v18;
	v19 =	vmul.f32 v21, v27;
	v21 =	vld.idx.msk [tilespmem:v22+s3+$0x0], $0xffff;
	v22 =	vor.u32 $0x15, v17  }
0x1f7: {  	v27 =	vld.idx.msk [tilespmem:v24+s0+$0x0], $0xffff  }
0x1f8: {  	v18 =	vadd.f32 v19, v18;
	v19 =	vmul.f32 v23, v28;
	v23 =	vld.idx.msk [tilespmem:v24+s3+$0x0], $0xffff;
	v24 =	vor.u32 $0x16, v17  }
0x1f9: {  	v28 =	vld.idx.msk [tilespmem:v25+s0+$0x0], $0xffff  }
0x1fa: {  	v18 =	vadd.f32 v19, v18;
	v19 =	vmul.f32 v20, v29;
	v20 =	vld.idx.msk [tilespmem:v25+s3+$0x0], $0xffff;
	v25 =	vor.u32 $0x17, v17  }
0x1fb: {  	v29 =	vld.idx.msk [tilespmem:v22+s0+$0x0], $0xffff  }
0x1fc: {  	v18 =	vadd.f32 v19, v18;
	v19 =	vmul.f32 v21, v26;
	v21 =	vld.idx.msk [tilespmem:v22+s3+$0x0], $0xffff;
	v22 =	vor.u32 $0x18, v17  }
0x1fd: {  	v26 =	vld.idx.msk [tilespmem:v24+s0+$0x0], $0xffff  }
0x1fe: {  	v18 =	vadd.f32 v19, v18;
	v19 =	vmul.f32 v23, v27;
	v23 =	vld.idx.msk [tilespmem:v24+s3+$0x0], $0xffff;
	v24 =	vor.u32 $0x19, v17  }
0x1ff: {  	v27 =	vld.idx.msk [tilespmem:v25+s0+$0x0], $0xffff  }
0x200: {  	v18 =	vadd.f32 v19, v18;
	v19 =	vmul.f32 v20, v28;
	v20 =	vld.idx.msk [tilespmem:v25+s3+$0x0], $0xffff;
	v25 =	vor.u32 $0x1A, v17  }
0x201: {  	v28 =	vld.idx.msk [tilespmem:v22+s0+$0x0], $0xffff  }
0x202: {  	v18 =	vadd.f32 v19, v18;
	v19 =	vmul.f32 v21, v29;
	v21 =	vld.idx.msk [tilespmem:v22+s3+$0x0], $0xffff;
	v22 =	vor.u32 $0x1B, v17  }
0x203: {  	v29 =	vld.idx.msk [tilespmem:v24+s0+$0x0], $0xffff  }
0x204: {  	v18 =	vadd.f32 v19, v18;
	v19 =	vmul.f32 v23, v26;
	v23 =	vld.idx.msk [tilespmem:v24+s3+$0x0], $0xffff;
	v24 =	vor.u32 $0x1C, v17  }
0x205: {  	v26 =	vld.idx.msk [tilespmem:v25+s0+$0x0], $0xffff  }
0x206: {  	v18 =	vadd.f32 v19, v18;
	v19 =	vmul.f32 v20, v27;
	v20 =	vld.idx.msk [tilespmem:v25+s3+$0x0], $0xffff;
	v25 =	vor.u32 $0x1D, v17  }
0x207: {  	v27 =	vld.idx.msk [tilespmem:v22+s0+$0x0], $0xffff  }
0x208: {  	v18 =	vadd.f32 v19, v18;
	v19 =	vmul.f32 v21, v28;
	v21 =	vld.idx.msk [tilespmem:v22+s3+$0x0], $0xffff;
	v22 =	vor.u32 $0x1E, v17  }
0x209: {  	v28 =	vld.idx.msk [tilespmem:v24+s0+$0x0], $0xffff  }
0x20a: {  	v17 =	vor.u32 $0x1F, v17;
	v18 =	vadd.f32 v19, v18;
	v19 =	vmul.f32 v23, v29;
	v23 =	vld.idx.msk [tilespmem:v24+s3+$0x0], $0xffff  }
0x20b: {  	v24 =	vld.idx.msk [tilespmem:v25+s0+$0x0], $0xffff  }
0x20c: {  	v18 =	vadd.f32 v19, v18;
	v19 =	vmul.f32 v20, v26;
	v20 =	vld.idx.msk [tilespmem:v25+s3+$0x0], $0xffff  }
0x20d: {  	v25 =	vld.idx.msk [tilespmem:v22+s0+$0x0], $0xffff  }
0x20e: {  	v19 =	vadd.f32 v19, v18;
	v21 =	vmul.f32 v21, v27;
	v22 =	vld.idx.msk [tilespmem:v22+s3+$0x0], $0xffff  }
0x20f: {  	v18 =	vld.idx.msk [tilespmem:v17+s0+$0x0], $0xffff  }
0x210: {  	v21 =	vadd.f32 v21, v19;
	v23 =	vmul.f32 v23, v28;
	v19 =	vld.idx.msk [tilespmem:v17+s3+$0x0], $0xffff  }
.Ltmp2:
0x211: {  	(pc) =	sbr.rel @p0 .LBB2_4-.Ltmp2, $3  }
0x212: {  	v17 =	vadd.f32 v23, v21;
	v20 =	vmul.f32 v20, v24;
	_ =	sdelay $0x1  }
0x213: {  	v23 =	vmov s17;
	v20 =	vadd.f32 v20, v17;
	v21 =	vmul.f32 v22, v25  }
0x214: {  	s17 =	sadd.s32 $0x10, s17;
	v17 =	vshll.u32 v23, $0x5  }
0x215: {  	v17 =	vor.u32 v16, v17;
	v20 =	vadd.f32 v21, v20;
	v18 =	vmul.f32 v19, v18;
	_ =	sdelay $0x1  }
0x216: {  	v19 =	vor.u32 $0x1, v17;
	v18 =	vadd.f32 v18, v20  }
0x217: {  	s16 =	sadd.s32 $0x10, s16  }
0x218: {  	v47 =	vor.u32 $0x2, v17;
	[tilespmem:s16+$0x0] =	vst v18  }
0x219: {  	v18 =	vld.idx.msk [tilespmem:v17+s3+$0x0], $0xffff  }
0x21a: {  	v22 =	vor.u32 $0x3, v17;
	v48 =	vld.idx.msk [tilespmem:v17+s0+$0x0], $0xffff  }
0x21b: {  	v23 =	vld.idx.msk [tilespmem:v19+s0+$0x0], $0xffff  }
0x21c: {  	v24 =	vor.u32 $0x4, v17;
	v19 =	vld.idx.msk [tilespmem:v19+s3+$0x0], $0xffff  }
0x21d: {  	v25 =	vld.idx.msk [tilespmem:v47+s0+$0x0], $0xffff  }
0x21e: {  	v26 =	vor.u32 $0x5, v17;
	v20 =	vld.idx.msk [tilespmem:v47+s3+$0x0], $0xffff  }
0x21f: {  	v27 =	vld.idx.msk [tilespmem:v22+s0+$0x0], $0xffff;
	v18 =	vmul.f32 v18, v48  }
0x220: {  	v50 =	vor.u32 $0x6, v17;
	v49 =	vld.idx.msk [tilespmem:v22+s3+$0x0], $0xffff  }
0x221: {  	v28 =	vld.idx.msk [tilespmem:v24+s0+$0x0], $0xffff;
	v19 =	vmul.f32 v19, v23;
	v18 =	vadd.f32 $0.0e+00, v18  }
0x222: {  	v52 =	vor.u32 $0x7, v17;
	v51 =	vld.idx.msk [tilespmem:v24+s3+$0x0], $0xffff  }
0x223: {  	v29 =	vld.idx.msk [tilespmem:v26+s0+$0x0], $0xffff;
	v18 =	vadd.f32 v19, v18;
	v19 =	vmul.f32 v20, v25  }
0x224: {  	v54 =	vor.u32 $0x8, v17;
	v53 =	vld.idx.msk [tilespmem:v26+s3+$0x0], $0xffff  }
0x225: {  	v55 =	vld.idx.msk [tilespmem:v50+s0+$0x0], $0xffff;
	v18 =	vadd.f32 v19, v18;
	v19 =	vmul.f32 v49, v27  }
0x226: {  	v57 =	vor.u32 $0x9, v17;
	v56 =	vld.idx.msk [tilespmem:v50+s3+$0x0], $0xffff  }
0x227: {  	v58 =	vld.idx.msk [tilespmem:v52+s0+$0x0], $0xffff;
	v18 =	vadd.f32 v19, v18;
	v19 =	vmul.f32 v51, v28  }
0x228: {  	v60 =	vor.u32 $0xA, v17;
	v59 =	vld.idx.msk [tilespmem:v52+s3+$0x0], $0xffff  }
0x229: {  	v61 =	vld.idx.msk [tilespmem:v54+s0+$0x0], $0xffff;
	v18 =	vadd.f32 v19, v18;
	v19 =	vmul.f32 v53, v29  }
0x22a: {  	v63 =	vor.u32 $0xB, v17;
	v62 =	vld.idx.msk [tilespmem:v54+s3+$0x0], $0xffff  }
0x22b: {  	v32 =	vld.idx.msk [tilespmem:v57+s0+$0x0], $0xffff;
	v18 =	vadd.f32 v19, v18;
	v19 =	vmul.f32 v56, v55  }
0x22c: {  	v34 =	vor.u32 $0xC, v17;
	v33 =	vld.idx.msk [tilespmem:v57+s3+$0x0], $0xffff  }
0x22d: {  	v35 =	vld.idx.msk [tilespmem:v60+s0+$0x0], $0xffff;
	v18 =	vadd.f32 v19, v18;
	v19 =	vmul.f32 v59, v58  }
0x22e: {  	v37 =	vor.u32 $0xD, v17;
	v36 =	vld.idx.msk [tilespmem:v60+s3+$0x0], $0xffff  }
0x22f: {  	v38 =	vld.idx.msk [tilespmem:v63+s0+$0x0], $0xffff;
	v18 =	vadd.f32 v19, v18;
	v19 =	vmul.f32 v62, v61  }
0x230: {  	v40 =	vor.u32 $0xE, v17;
	v39 =	vld.idx.msk [tilespmem:v63+s3+$0x0], $0xffff  }
0x231: {  	v41 =	vld.idx.msk [tilespmem:v34+s0+$0x0], $0xffff;
	v18 =	vadd.f32 v19, v18;
	v19 =	vmul.f32 v33, v32  }
0x232: {  	v43 =	vor.u32 $0xF, v17;
	v42 =	vld.idx.msk [tilespmem:v34+s3+$0x0], $0xffff  }
0x233: {  	v44 =	vld.idx.msk [tilespmem:v37+s0+$0x0], $0xffff;
	v18 =	vadd.f32 v19, v18;
	v19 =	vmul.f32 v36, v35  }
0x234: {  	v46 =	vor.u32 $0x10, v17;
	v45 =	vld.idx.msk [tilespmem:v37+s3+$0x0], $0xffff  }
0x235: {  	v47 =	vld.idx.msk [tilespmem:v40+s0+$0x0], $0xffff;
	v18 =	vadd.f32 v19, v18;
	v19 =	vmul.f32 v39, v38  }
0x236: {  	v48 =	vld.idx.msk [tilespmem:v40+s3+$0x0], $0xffff;
	v49 =	vor.u32 $0x11, v17  }
0x237: {  	v50 =	vld.idx.msk [tilespmem:v43+s0+$0x0], $0xffff;
	v18 =	vadd.f32 v19, v18;
	v19 =	vmul.f32 v42, v41  }
0x238: {  	v52 =	vor.u32 $0x12, v17;
	v51 =	vld.idx.msk [tilespmem:v43+s3+$0x0], $0xffff  }
0x239: {  	v54 =	vld.idx.msk [tilespmem:v46+s3+$0x0], $0xffff;
	v18 =	vadd.f32 v19, v18;
	v19 =	vmul.f32 v45, v44  }
0x23a: {  	v53 =	vld.idx.msk [tilespmem:v46+s0+$0x0], $0xffff;
	v55 =	vor.u32 $0x13, v17  }
0x23b: {  	v57 =	vld.idx.msk [tilespmem:v49+s3+$0x0], $0xffff;
	v18 =	vadd.f32 v19, v18;
	v19 =	vmul.f32 v48, v47  }
0x23c: {  	v56 =	vld.idx.msk [tilespmem:v49+s0+$0x0], $0xffff;
	v58 =	vor.u32 $0x14, v17  }
0x23d: {  	v60 =	vld.idx.msk [tilespmem:v52+s3+$0x0], $0xffff;
	v18 =	vadd.f32 v19, v18;
	v19 =	vmul.f32 v51, v50  }
0x23e: {  	v59 =	vld.idx.msk [tilespmem:v52+s0+$0x0], $0xffff;
	v61 =	vor.u32 $0x15, v17  }
0x23f: {  	v62 =	vld.idx.msk [tilespmem:v55+s0+$0x0], $0xffff;
	v18 =	vadd.f32 v19, v18;
	v19 =	vmul.f32 v54, v53  }
0x240: {  	v63 =	vld.idx.msk [tilespmem:v55+s3+$0x0], $0xffff;
	v32 =	vor.u32 $0x16, v17  }
0x241: {  	v33 =	vld.idx.msk [tilespmem:v58+s0+$0x0], $0xffff;
	v18 =	vadd.f32 v19, v18;
	v19 =	vmul.f32 v57, v56  }
0x242: {  	v34 =	vld.idx.msk [tilespmem:v58+s3+$0x0], $0xffff;
	v35 =	vor.u32 $0x17, v17  }
0x243: {  	v36 =	vld.idx.msk [tilespmem:v61+s0+$0x0], $0xffff;
	v18 =	vadd.f32 v19, v18;
	v19 =	vmul.f32 v60, v59  }
0x244: {  	v37 =	vld.idx.msk [tilespmem:v61+s3+$0x0], $0xffff;
	v38 =	vor.u32 $0x18, v17  }
0x245: {  	v39 =	vld.idx.msk [tilespmem:v32+s0+$0x0], $0xffff;
	v18 =	vadd.f32 v19, v18;
	v19 =	vmul.f32 v63, v62  }
0x246: {  	v40 =	vld.idx.msk [tilespmem:v32+s3+$0x0], $0xffff;
	v41 =	vor.u32 $0x19, v17  }
0x247: {  	v42 =	vld.idx.msk [tilespmem:v35+s0+$0x0], $0xffff;
	v18 =	vadd.f32 v19, v18;
	v19 =	vmul.f32 v34, v33  }
0x248: {  	v43 =	vld.idx.msk [tilespmem:v35+s3+$0x0], $0xffff;
	v44 =	vor.u32 $0x1A, v17  }
0x249: {  	v45 =	vld.idx.msk [tilespmem:v38+s0+$0x0], $0xffff;
	v18 =	vadd.f32 v19, v18;
	v19 =	vmul.f32 v37, v36  }
0x24a: {  	v46 =	vld.idx.msk [tilespmem:v38+s3+$0x0], $0xffff;
	v47 =	vor.u32 $0x1B, v17  }
0x24b: {  	v48 =	vld.idx.msk [tilespmem:v41+s0+$0x0], $0xffff;
	v18 =	vadd.f32 v19, v18;
	v19 =	vmul.f32 v40, v39  }
0x24c: {  	v49 =	vld.idx.msk [tilespmem:v41+s3+$0x0], $0xffff;
	v50 =	vor.u32 $0x1C, v17  }
0x24d: {  	v51 =	vld.idx.msk [tilespmem:v44+s0+$0x0], $0xffff;
	v18 =	vadd.f32 v19, v18;
	v19 =	vmul.f32 v43, v42  }
0x24e: {  	v52 =	vld.idx.msk [tilespmem:v44+s3+$0x0], $0xffff;
	v53 =	vor.u32 $0x1D, v17  }
0x24f: {  	v54 =	vld.idx.msk [tilespmem:v47+s0+$0x0], $0xffff;
	v18 =	vadd.f32 v19, v18;
	v19 =	vmul.f32 v46, v45  }
0x250: {  	v55 =	vld.idx.msk [tilespmem:v47+s3+$0x0], $0xffff;
	v56 =	vor.u32 $0x1E, v17  }
0x251: {  	v57 =	vld.idx.msk [tilespmem:v50+s0+$0x0], $0xffff;
	v18 =	vadd.f32 v19, v18;
	v19 =	vmul.f32 v49, v48  }
0x252: {  	v17 =	vor.u32 $0x1F, v17;
	v58 =	vld.idx.msk [tilespmem:v50+s3+$0x0], $0xffff  }
0x253: {  	v59 =	vld.idx.msk [tilespmem:v53+s0+$0x0], $0xffff;
	v18 =	vadd.f32 v19, v18;
	v19 =	vmul.f32 v52, v51  }
0x254: {  	v60 =	vld.idx.msk [tilespmem:v53+s3+$0x0], $0xffff  }
0x255: {  	v61 =	vld.idx.msk [tilespmem:v56+s0+$0x0], $0xffff;
	v18 =	vadd.f32 v19, v18;
	v19 =	vmul.f32 v55, v54  }
0x256: {  	v62 =	vld.idx.msk [tilespmem:v56+s3+$0x0], $0xffff  }
0x257: {  	v63 =	vld.idx.msk [tilespmem:v17+s0+$0x0], $0xffff;
	v18 =	vadd.f32 v19, v18;
	v19 =	vmul.f32 v58, v57  }
0x258: {  	v17 =	vld.idx.msk [tilespmem:v17+s3+$0x0], $0xffff  }
0x259: {  	v18 =	vadd.f32 v19, v18;
	v19 =	vmul.f32 v60, v59;
	_ =	sdelay $0x1  }
0x25a: {  	v18 =	vadd.f32 v19, v18;
	v19 =	vmul.f32 v62, v61;
	_ =	sdelay $0x1  }
0x25b: {  	v17 =	vmul.f32 v17, v63;
	v18 =	vadd.f32 v19, v18;
	_ =	sdelay $0x1  }
0x25c: {  	v17 =	vadd.f32 v17, v18  }
0x25d: {  	s4 =	sadd.s32 $0x10, s16  }
0x25e: {  	s18 =	rddreg [dreg:$0x8];
	s6 =	simm.s32 $0x18500;
	[tilespmem:s4+$0x0] =	vst v17  }
0x25f: {  	[hbm4b:s18+s10] =	stream.linear.scatter [tilespmem:s6], [sflag:$0x3], $0x200, $0x38;
	[tilespmem:$0x18700] =	vst v63  }
0x260: {  	_ =	swait.ge [sflag:s5], $0x200  }
0x261: {  	s19 =	rddreg [dreg:$0xa]  }
0x262: {  	s20 =	rddreg [dreg:$0x9];
	s6 =	sadd.s32 $0x1, s19  }
0x263: {  	p0 =	sne.s32 s6, s20  }
.Ltmp3:
0x264: {  	_ = 	snop;
	(pc) =	sbr.rel @p0 .LBB2_1-.Ltmp3, $3  }
0x265: {  	_ =	sdelay $0x1  }
0x266: {  	[sflag:s5] =	ssyncset.done $0x0  }
0x267: {  	[sflag:s5] =	ssyncadd.s32 $0xFFFFFE00  }
0x268: {  	_ =	sfence.sel $0x180000  }
0x269: {  	[bflag:$0x0] =	sbarrier.arrive $0xFFFF  }
0x26a: {  	_ =	strace $0x90000047  }
0x26b: {  	s0 =	stileid.u32;
	[bflag:$0x2] =	sbarrier.arrive $0xFFFF  }
0x26c: {  	p0 =	sne.s32 s0, $0x0;
	s0 =	rddreg [dreg:$0x5]  }
0x26d: {  	s0 =	sadd.s32 @!p0 $0x100000, s0  }
0x26e: {  	[sflag:s0] =	ssyncadd.tile.s32 @!p0 $0x1;
	_ =	shalt  }
.Lfunc_end2:
_tile_overlayer_lowered:
.L_overlay_start_2:
0x26f: {  	(tag) =	ssettag $0x2  }
0x270: {  	s0 =	rddreg [dreg:$0x0];
	s2 =	stileid.u32  }
0x271: {  	s1 =	rddreg [dreg:$0x1];
	p0 =	sne.s32 s2, $0x0  }
0x272: {  	s3 =	rddreg [dreg:$0x2];
	[bflag:$0x3] =	sbarrier.arrive $0xFFFF;
	s2 =	simm.s32 @!p0 $0x1C03  }
0x273: {  	[timem:s3], [sflag:s2] =	dma.local @!p0 [hbm:s0], s1  }
0x274: {  	s0 =	simm.s32 @!p0 $0x3  }
0x275: {  	_ =	swait.ge @!p0 [sflag:s0], s1  }
0x276: {  	s1 =	ssub.s32 @!p0 $0x0, s1;
	[sflag:s0] =	ssyncset.done @!p0 $0x0  }
0x277: {  	[sflag:s0] =	ssyncadd.s32 @!p0 s1  }
0x278: {  	[bflag:$0x3] =	sbarrier.arrive $0xFFFF  }
0x279: {  	_ =	shalt  }

</sc_bundles>
